<compile_context>
chip_gen: v7x
topology: tpu7x:2x2x1
jax: 0.10.2.dev20260603
libtpu: 0.0.44.dev20260713+nightly
codegen_flags: <defaults>
</compile_context>

<pallas_src>
import functools

import jax
import jax.numpy as jnp
from jax import lax
from jax.experimental import pallas as pl
from jax.experimental.pallas import tpu as pltpu
from jax.experimental.pallas import tpu_sc as plsc

N = 100000
E = 1600000
C = 48
GW = 16
NG = 3
NSEG = 64
EPS = 1e-5

NC = 2
NS = 16
NPAD = 100352
TSLICE = NPAD // NS
EB = 1000
NBLK = E // EB
BN = 1000
NBN = N // BN

_mesh = plsc.VectorSubcoreMesh(
    core_axis_name="c", subcore_axis_name="s", num_cores=NC, num_subcores=NS)


def _zero_acc(zeros_hbm, acc, t):
    pltpu.sync_copy(zeros_hbm.at[pl.ds(t * TSLICE, TSLICE)],
                    acc.at[pl.ds(t * TSLICE, TSLICE)])


@functools.partial(
    pl.kernel,
    out_type=jax.ShapeDtypeStruct((NC, NPAD, GW), jnp.float32),
    mesh=_mesh,
    compiler_params=pltpu.CompilerParams(use_tc_tiling_on_sc=False),
    scratch_types=[
        pltpu.VMEM_SHARED((NPAD, GW), jnp.float32),
        pltpu.VMEM((EB,), jnp.int32),
        pltpu.VMEM((EB, GW), jnp.float32),
    ],
)
def _deg_kernel(row_hbm, ones_hbm, zeros_hbm, out_hbm, acc, idx_v, ones_v):
    c = lax.axis_index("c")
    s = lax.axis_index("s")
    _zero_acc(zeros_hbm, acc, s)
    pltpu.sync_copy(ones_hbm, ones_v)
    plsc.subcore_barrier()

    wid = c * NS + s

    def body(j, _):
        k = wid + j * (NC * NS)
        pltpu.sync_copy(row_hbm.at[pl.ds(k * EB, EB)], idx_v)
        pltpu.sync_copy(ones_v, acc.at[idx_v], add=True)
        return _

    lax.fori_loop(0, NBLK // (NC * NS), body, None)
    plsc.subcore_barrier()
    pltpu.sync_copy(acc.at[pl.ds(s * TSLICE, TSLICE)],
                    out_hbm.at[c].at[pl.ds(s * TSLICE, TSLICE)])


@functools.partial(
    pl.kernel,
    out_type=jax.ShapeDtypeStruct((4, NPAD, GW), jnp.float32),
    mesh=_mesh,
    compiler_params=pltpu.CompilerParams(use_tc_tiling_on_sc=False),
    scratch_types=[
        pltpu.VMEM_SHARED((NPAD, GW), jnp.float32),
        pltpu.VMEM((EB,), jnp.int32),
        pltpu.VMEM((EB,), jnp.int32),
        pltpu.VMEM((EB, GW), jnp.float32),
        pltpu.SemaphoreType.DMA,
    ],
)
def _gs_kernel(u_hbm, col_hbm, row_hbm, zeros_hbm, s_hbm,
               acc, idxc_v, idxr_v, rows_v, sem):
    c = lax.axis_index("c")
    s = lax.axis_index("s")

    def edge_block(k, g):
        pltpu.sync_copy(col_hbm.at[pl.ds(k * EB, EB)], idxc_v)
        pltpu.async_copy(u_hbm.at[g].at[idxc_v], rows_v, sem).wait()
        pltpu.sync_copy(row_hbm.at[pl.ds(k * EB, EB)], idxr_v)
        pltpu.sync_copy(rows_v, acc.at[idxr_v], add=True)

    _zero_acc(zeros_hbm, acc, s)
    plsc.subcore_barrier()

    def body_a(j, _):
        edge_block(s + j * NS, c)
        return _

    lax.fori_loop(0, NBLK // NS, body_a, None)
    plsc.subcore_barrier()
    pltpu.sync_copy(acc.at[pl.ds(s * TSLICE, TSLICE)],
                    s_hbm.at[c].at[pl.ds(s * TSLICE, TSLICE)])

    _zero_acc(zeros_hbm, acc, s)
    plsc.subcore_barrier()
    half = NBLK // 2

    def body_b(j, _):
        edge_block(c * half + s + j * NS, 2)
        return _

    lax.fori_loop(0, half // NS, body_b, None)
    plsc.subcore_barrier()
    pltpu.sync_copy(acc.at[pl.ds(s * TSLICE, TSLICE)],
                    s_hbm.at[2 + c].at[pl.ds(s * TSLICE, TSLICE)])




def _dot_ref(a, b):
    return jnp.dot(a.astype(jnp.bfloat16), b.astype(jnp.bfloat16),
                   preferred_element_type=jnp.float32)

def _enc_body(xpe_ref, dpart_ref, encwt_ref, encb_ref,
              h_ref, u_ref, dis_ref):
    deg = dpart_ref[0] + dpart_ref[1]
    dsafe = jnp.maximum(deg, 1.0)
    y = lax.rsqrt(dsafe)
    y = y * (1.5 - 0.5 * dsafe * y * y)
    dis16 = jnp.where(deg > 0, y, 0.0)
    dis48 = jnp.concatenate([dis16, dis16, dis16], axis=1)
    h0 = _dot_ref(xpe_ref[...], encwt_ref[...]) + encb_ref[...]
    h_ref[...] = h0
    dis_ref[...] = dis16
    u48 = dis48 * h0
    u_ref[0] = u48[:, 0:GW]
    u_ref[1] = u48[:, GW:2 * GW]
    u_ref[2] = u48[:, 2 * GW:3 * GW]


def _layer_body(s_ref, h_ref, dis_ref, wt_ref, inv_ref, b_ref, hn_ref, un_ref):
    dis16 = dis_ref[...]
    dis48 = jnp.concatenate([dis16, dis16, dis16], axis=1)
    s48 = jnp.concatenate([s_ref[0], s_ref[1], s_ref[2] + s_ref[3]], axis=1)
    agg = dis48 * s48 + h_ref[...]
    z = _dot_ref(agg, wt_ref[...]) * inv_ref[...] + b_ref[...]
    hn = h_ref[...] + jnp.maximum(z, 0.0)
    hn_ref[...] = hn
    u48 = dis48 * hn
    un_ref[0] = u48[:, 0:GW]
    un_ref[1] = u48[:, GW:2 * GW]
    un_ref[2] = u48[:, 2 * GW:3 * GW]


def _layer3_pool_body(s_ref, h_ref, dis_ref, wt_ref, inv_ref, b_ref, batch_ref,
                      hw1t_ref, hb1_ref, hw2_ref, hb2_ref,
                      res_ref, pool_acc, cnt_acc):
    i = pl.program_id(0)
    dis16 = dis_ref[...]
    dis48 = jnp.concatenate([dis16, dis16, dis16], axis=1)
    s48 = jnp.concatenate([s_ref[0], s_ref[1], s_ref[2] + s_ref[3]], axis=1)
    agg = dis48 * s48 + h_ref[...]
    z = _dot_ref(agg, wt_ref[...]) * inv_ref[...] + b_ref[...]
    hn = h_ref[...] + jnp.maximum(z, 0.0)

    @pl.when(i == 0)
    def _():
        pool_acc[...] = jnp.zeros_like(pool_acc)
        cnt_acc[...] = jnp.zeros_like(cnt_acc)

    b = batch_ref[...].reshape(1, BN)
    seg = lax.broadcasted_iota(jnp.int32, (NSEG, BN), 0)
    oh = jnp.where(seg == b, 1.0, 0.0)
    pool_acc[...] += jnp.dot(oh, hn, preferred_element_type=jnp.float32, precision=lax.Precision.HIGHEST)
    cnt_acc[...] += jnp.dot(oh, jnp.ones((BN, C), jnp.float32),
                            preferred_element_type=jnp.float32, precision=lax.Precision.HIGHEST)

    @pl.when(i == NBN - 1)
    def _():
        mean = pool_acc[...] / jnp.maximum(cnt_acc[...], 1.0)
        z2 = jnp.maximum(_dot_ref(mean, hw1t_ref[...]) + hb1_ref[...], 0.0)
        z2b = z2.astype(jnp.bfloat16).astype(jnp.float32)
        w2b = hw2_ref[...].astype(jnp.bfloat16).astype(jnp.float32)
        r = jnp.sum(z2b * w2b, axis=1, keepdims=True) + hb2_ref[...]
        res_ref[...] = r


def _enc_call(xpe, dpart, encwt, encb):
    return pl.pallas_call(
        _enc_body,
        grid=(NBN,),
        in_specs=[
            pl.BlockSpec((BN, GW), lambda i: (i, 0)),
            pl.BlockSpec((NC, BN, GW), lambda i: (0, i, 0)),
            pl.BlockSpec((GW, C), lambda i: (0, 0)),
            pl.BlockSpec((1, C), lambda i: (0, 0)),
        ],
        out_specs=[
            pl.BlockSpec((BN, C), lambda i: (i, 0)),
            pl.BlockSpec((NG, BN, GW), lambda i: (0, i, 0)),
            pl.BlockSpec((BN, GW), lambda i: (i, 0)),
        ],
        out_shape=[
            jax.ShapeDtypeStruct((N, C), jnp.float32),
            jax.ShapeDtypeStruct((NG, N, GW), jnp.float32),
            jax.ShapeDtypeStruct((N, GW), jnp.float32),
        ],
    )(xpe, dpart, encwt, encb)


def _layer_call(svec, h, dis16, wt, inv, b):
    return pl.pallas_call(
        _layer_body,
        grid=(NBN,),
        in_specs=[
            pl.BlockSpec((4, BN, GW), lambda i: (0, i, 0)),
            pl.BlockSpec((BN, C), lambda i: (i, 0)),
            pl.BlockSpec((BN, GW), lambda i: (i, 0)),
            pl.BlockSpec((C, C), lambda i: (0, 0)),
            pl.BlockSpec((1, C), lambda i: (0, 0)),
            pl.BlockSpec((1, C), lambda i: (0, 0)),
        ],
        out_specs=[
            pl.BlockSpec((BN, C), lambda i: (i, 0)),
            pl.BlockSpec((NG, BN, GW), lambda i: (0, i, 0)),
        ],
        out_shape=[
            jax.ShapeDtypeStruct((N, C), jnp.float32),
            jax.ShapeDtypeStruct((NG, N, GW), jnp.float32),
        ],
    )(svec, h, dis16, wt, inv, b)


def _layer3_pool_call(svec, h, dis16, wt, inv, b, batch3d, hw1t, hb1, hw2, hb2):
    return pl.pallas_call(
        _layer3_pool_body,
        grid=(NBN,),
        in_specs=[
            pl.BlockSpec((4, BN, GW), lambda i: (0, i, 0)),
            pl.BlockSpec((BN, C), lambda i: (i, 0)),
            pl.BlockSpec((BN, GW), lambda i: (i, 0)),
            pl.BlockSpec((C, C), lambda i: (0, 0)),
            pl.BlockSpec((1, C), lambda i: (0, 0)),
            pl.BlockSpec((1, C), lambda i: (0, 0)),
            pl.BlockSpec((1, 1, BN), lambda i: (i, 0, 0)),
            pl.BlockSpec((C, C), lambda i: (0, 0)),
            pl.BlockSpec((1, C), lambda i: (0, 0)),
            pl.BlockSpec((1, C), lambda i: (0, 0)),
            pl.BlockSpec((1, 1), lambda i: (0, 0)),
        ],
        out_specs=pl.BlockSpec((NSEG, 1), lambda i: (0, 0)),
        out_shape=jax.ShapeDtypeStruct((NSEG, 1), jnp.float32),
        scratch_shapes=[
            pltpu.VMEM((NSEG, C), jnp.float32),
            pltpu.VMEM((NSEG, C), jnp.float32),
        ],
    )(svec, h, dis16, wt, inv, b, batch3d, hw1t, hb1, hw2, hb2)


def kernel(x, pe, edge_index, batch, num_nodes, node_enc_w, node_enc_b,
           pe_enc_w, pe_enc_b, conv_w, conv_b, bn_g, bn_b, bn_m, bn_v,
           head_w1, head_b1, head_w2, head_b2):
    row = jnp.minimum(edge_index[0], num_nodes - 1)
    col = edge_index[1]

    ones2d = jnp.ones((EB, GW), jnp.float32)
    zeros2d = jnp.zeros((NPAD, GW), jnp.float32)

    inv = bn_g / jnp.sqrt(bn_v + EPS)
    wts = [conv_w[i].T for i in range(NG)]
    invs = [inv[i][None, :] for i in range(NG)]
    bs = [((conv_b[i] - bn_m[i]) * inv[i] + bn_b[i])[None, :] for i in range(NG)]

    xpe = jnp.concatenate([x, pe, jnp.zeros((N, GW - 9), jnp.float32)],
                          axis=1)
    encwt = jnp.concatenate(
        [node_enc_w, pe_enc_w, jnp.zeros((C, GW - 9), jnp.float32)], axis=1).T
    encb = (node_enc_b + pe_enc_b)[None, :]

    dpart = _deg_kernel(row, ones2d, zeros2d)
    h, u, dis16 = _enc_call(xpe, dpart, encwt, encb)

    for i in range(NG - 1):
        svec = _gs_kernel(u, col, row, zeros2d)
        h, u = _layer_call(svec, h, dis16, wts[i], invs[i], bs[i])

    svec = _gs_kernel(u, col, row, zeros2d)
    res = _layer3_pool_call(
        svec, h, dis16, wts[2], invs[2], bs[2],
        batch.reshape(NBN, 1, BN), head_w1.T, head_b1[None, :],
        head_w2, head_b2.reshape(1, 1))
    return res.squeeze(-1)

# --- scband reference (transcript-rebuilt; emitter-appended) ---
"""Pipeline reference for scband-simple-gnn-78718160601833 (READ-ONLY COPY).

The authoritative reference and input builder live on the scoring server;
editing this copy changes nothing except your own understanding.
"""

import jax, jax.numpy as jnp
import numpy as np

N = 100000
E = 1600000
C = 48
PE = 8
L = 3
NUM_GRAPHS_MAX = 64
EPS = 1e-5


def setup_inputs(seed: int = 0) -> dict:
    key = jax.random.key(seed)
    ks = jax.random.split(key, 24)
    inp = {}
    inp['x'] = jax.random.normal(ks[0], (N, 1), dtype=jnp.float32)
    inp['pe'] = jax.random.normal(ks[1], (N, PE), dtype=jnp.float32)
    inp['edge_index'] = jax.random.randint(ks[2], (2, E), 0, N, dtype=jnp.int32)
    inp['batch'] = jnp.sort(jax.random.randint(ks[3], (N,), 0, NUM_GRAPHS_MAX, dtype=jnp.int32))
    inp['num_nodes'] = N
    s = 0.1
    inp['node_enc_w'] = jax.random.normal(ks[4], (C, 1), dtype=jnp.float32) * s
    inp['node_enc_b'] = jax.random.normal(ks[5], (C,), dtype=jnp.float32) * s
    inp['pe_enc_w'] = jax.random.normal(ks[6], (C, PE), dtype=jnp.float32) * s
    inp['pe_enc_b'] = jax.random.normal(ks[7], (C,), dtype=jnp.float32) * s
    inp['conv_w'] = jax.random.normal(ks[8], (L, C, C), dtype=jnp.float32) * s
    inp['conv_b'] = jax.random.normal(ks[9], (L, C), dtype=jnp.float32) * s
    inp['bn_g'] = jnp.ones((L, C), dtype=jnp.float32)
    inp['bn_b'] = jnp.zeros((L, C), dtype=jnp.float32)
    inp['bn_m'] = jnp.zeros((L, C), dtype=jnp.float32)
    inp['bn_v'] = jnp.ones((L, C), dtype=jnp.float32)
    inp['head_w1'] = jax.random.normal(ks[10], (C, C), dtype=jnp.float32) * s
    inp['head_b1'] = jax.random.normal(ks[11], (C,), dtype=jnp.float32) * s
    inp['head_w2'] = jax.random.normal(ks[12], (1, C), dtype=jnp.float32) * s
    inp['head_b2'] = jax.random.normal(ks[13], (1,), dtype=jnp.float32) * s
    return inp


def _gcn_conv(h, edge_index, num_nodes, W, b):
    row = jnp.minimum(edge_index[0], num_nodes - 1)
    col = edge_index[1]
    deg = jnp.zeros((h.shape[0],), dtype=h.dtype).at[row].add(1.0)
    deg_inv_sqrt = jnp.where(deg > 0, jnp.power(jnp.where(deg > 0, deg, 1.0), -0.5), 0.0)
    norm = deg_inv_sqrt[row] * deg_inv_sqrt[col]
    msg = h[col] * norm[:, None]
    agg = jnp.zeros_like(h).at[row].add(msg)
    agg = agg + h
    return agg @ W.T + b


def reference(x, pe, edge_index, batch, num_nodes, node_enc_w, node_enc_b, pe_enc_w, pe_enc_b, conv_w, conv_b, bn_g, bn_b, bn_m, bn_v, head_w1, head_b1, head_w2, head_b2):
    h = (x @ node_enc_w.T + node_enc_b) + (pe @ pe_enc_w.T + pe_enc_b)
    for i in range(L):
        h_new = _gcn_conv(h, edge_index, num_nodes, conv_w[i], conv_b[i])
        # BatchNorm1d (eval mode: running stats)
        h_new = (h_new - bn_m[i]) / jnp.sqrt(bn_v[i] + EPS) * bn_g[i] + bn_b[i]
        h_new = jax.nn.relu(h_new)
        h = h + h_new
    num_graphs = NUM_GRAPHS_MAX
    out = jax.ops.segment_sum(h, batch, num_segments=num_graphs)
    count = jax.ops.segment_sum(jnp.ones((h.shape[0], 1), dtype=h.dtype), batch, num_segments=num_graphs)
    out = out / jnp.clip(count, 1.0, None)
    # head: Linear -> ReLU -> Dropout(eval=identity) -> Linear
    out = jax.nn.relu(out @ head_w1.T + head_b1)
    out = out @ head_w2.T + head_b2
    return out.squeeze(-1)

if __name__ == "__main__":
    import jax
    _d = setup_inputs()
    print(jax.jit(kernel)(*tuple(_d.values())))

</pallas_src>

<mosaic_0001>
#map = affine_map<(d0, d1) -> (0)>
#map1 = affine_map<(d0, d1) -> (0, 0)>
#map2 = affine_map<(d0, d1) -> (0, 0, 0)>
module attributes {stable_mosaic.version = 14 : i64} {
  func.func @_deg_kernel(%arg0: i32, %arg1: i32, %arg2: memref<1600000xi32, #tpu.memory_space<hbm>>, %arg3: memref<1000x16xf32, #tpu.memory_space<hbm>>, %arg4: memref<100352x16xf32, #tpu.memory_space<hbm>>, %arg5: memref<2x100352x16xf32, #tpu.memory_space<hbm>>, %arg6: memref<100352x16xf32, #tpu.memory_space<vmem_shared>>, %arg7: memref<1000xi32, #tpu.memory_space<vmem>>, %arg8: memref<1000x16xf32, #tpu.memory_space<vmem>>) attributes {dimension_semantics = [#tpu.dimension_semantics<core_parallel>, #tpu.dimension_semantics<subcore_parallel>], iteration_bounds = array<i64: 2, 16>, scalar_prefetch = 0 : i64, scratch_operands = 3 : i64, tpu.core_type = #tpu.core_type<sc_vector_subcore>, window_params = [{transform_indices = #map}, {transform_indices = #map1}, {transform_indices = #map1}, {transform_indices = #map2}]} {
    %mul3A = arith.constant 6272 : i32
    %mul3A_0 = arith.muli %arg1, %mul3A : i32
    %mul3A_1 = arith.constant 6272 : i32
    %mul3A_2 = arith.muli %arg1, %mul3A_1 : i32
    "tpu.region"() ({
      %run_scoped3A = tpu.sem_alloc : memref<!tpu.dma_semaphore, #tpu.memory_space<semaphore_mem>>
      %dma_start3A = arith.constant 0 : i32
      %dma_start3A_14 = tpu.memref_slice %arg6[%mul3A_2, %dma_start3A] : memref<100352x16xf32, #tpu.memory_space<vmem_shared>> -> memref<6272x16xf32, #tpu.memory_space<vmem_shared>>
      %dma_start3A_15 = arith.constant 0 : i32
      %dma_start3A_16 = tpu.memref_slice %arg4[%mul3A_0, %dma_start3A_15] : memref<100352x16xf32, #tpu.memory_space<hbm>> -> memref<6272x16xf32, #tpu.memory_space<hbm>>
      tpu.enqueue_dma source(%dma_start3A_16 : memref<6272x16xf32, #tpu.memory_space<hbm>>) target(%dma_start3A_14 : memref<6272x16xf32, #tpu.memory_space<vmem_shared>>) target_semaphore(%run_scoped3A : memref<!tpu.dma_semaphore, #tpu.memory_space<semaphore_mem>>)
      %dma_wait3A = arith.constant 0 : i32
      %dma_wait3A_17 = tpu.memref_slice %arg6[%mul3A_2, %dma_wait3A] : memref<100352x16xf32, #tpu.memory_space<vmem_shared>> -> memref<6272x16xf32, #tpu.memory_space<vmem_shared>>
      %dma_wait3A_18 = arith.constant 0 : i32
      %dma_wait3A_19 = tpu.memref_slice %arg4[%mul3A_0, %dma_wait3A_18] : memref<100352x16xf32, #tpu.memory_space<hbm>> -> memref<6272x16xf32, #tpu.memory_space<hbm>>
      tpu.wait_dma2 semaphore(%run_scoped3A : memref<!tpu.dma_semaphore, #tpu.memory_space<semaphore_mem>>) src(%dma_wait3A_19 : memref<6272x16xf32, #tpu.memory_space<hbm>>) dst(%dma_wait3A_17 : memref<6272x16xf32, #tpu.memory_space<vmem_shared>>)
      tpu.yield
    }) : () -> ()
    "tpu.region"() ({
      %run_scoped3A = tpu.sem_alloc : memref<!tpu.dma_semaphore, #tpu.memory_space<semaphore_mem>>
      tpu.enqueue_dma source(%arg3 : memref<1000x16xf32, #tpu.memory_space<hbm>>) target(%arg8 : memref<1000x16xf32, #tpu.memory_space<vmem>>) target_semaphore(%run_scoped3A : memref<!tpu.dma_semaphore, #tpu.memory_space<semaphore_mem>>)
      tpu.wait_dma2 semaphore(%run_scoped3A : memref<!tpu.dma_semaphore, #tpu.memory_space<semaphore_mem>>) src(%arg3 : memref<1000x16xf32, #tpu.memory_space<hbm>>) dst(%arg8 : memref<1000x16xf32, #tpu.memory_space<vmem>>)
      tpu.yield
    }) : () -> ()
    %barrier3A = arith.constant 0 : index
    tpu.barrier barrier_id(%barrier3A)
    %mul3A_3 = arith.constant 16 : i32
    %mul3A_4 = arith.muli %arg0, %mul3A_3 : i32
    %add3A = arith.addi %mul3A_4, %arg1 : i32
    %scan3A = arith.constant 0 : i32
    %scan3A_5 = arith.constant 50 : i32
    %scan3A_6 = arith.addi %scan3A, %scan3A_5 : i32
    %scan3A_7 = arith.constant 1 : i32
    scf.for %scan3A_14 = %scan3A to %scan3A_6 step %scan3A_7  : i32 {
      %mul3A_15 = arith.constant 32 : i32
      %mul3A_16 = arith.muli %scan3A_14, %mul3A_15 : i32
      %add3A_17 = arith.addi %add3A, %mul3A_16 : i32
      %mul3A_18 = arith.constant 1000 : i32
      %mul3A_19 = arith.muli %add3A_17, %mul3A_18 : i32
      "tpu.region"() ({
        %run_scoped3A = tpu.sem_alloc : memref<!tpu.dma_semaphore, #tpu.memory_space<semaphore_mem>>
        %dma_start3A = tpu.memref_slice %arg2[%mul3A_19] : memref<1600000xi32, #tpu.memory_space<hbm>> -> memref<1000xi32, #tpu.memory_space<hbm>>
        %dma_start3A_20 = tpu.memref_slice %arg2[%mul3A_19] : memref<1600000xi32, #tpu.memory_space<hbm>> -> memref<1000xi32, #tpu.memory_space<hbm>>
        tpu.enqueue_dma source(%dma_start3A_20 : memref<1000xi32, #tpu.memory_space<hbm>>) target(%arg7 : memref<1000xi32, #tpu.memory_space<vmem>>) target_semaphore(%run_scoped3A : memref<!tpu.dma_semaphore, #tpu.memory_space<semaphore_mem>>)
        %dma_wait3A = tpu.memref_slice %arg2[%mul3A_19] : memref<1600000xi32, #tpu.memory_space<hbm>> -> memref<1000xi32, #tpu.memory_space<hbm>>
        %dma_wait3A_21 = tpu.memref_slice %arg2[%mul3A_19] : memref<1600000xi32, #tpu.memory_space<hbm>> -> memref<1000xi32, #tpu.memory_space<hbm>>
        tpu.wait_dma2 semaphore(%run_scoped3A : memref<!tpu.dma_semaphore, #tpu.memory_space<semaphore_mem>>) src(%dma_wait3A_21 : memref<1000xi32, #tpu.memory_space<hbm>>) dst(%arg7 : memref<1000xi32, #tpu.memory_space<vmem>>)
        tpu.yield
      }) : () -> ()
      "tpu.region"() ({
        %run_scoped3A = tpu.sem_alloc : memref<!tpu.dma_semaphore, #tpu.memory_space<semaphore_mem>>
        %dma_start3A = arith.constant 0 : i32
        %dma_start3A_20 = arith.constant 0 : i32
        %dma_start3A_21 = tpu.memref_slice %arg6[%dma_start3A, %dma_start3A_20] : memref<100352x16xf32, #tpu.memory_space<vmem_shared>> -> memref<100352x16xf32, #tpu.memory_space<vmem_shared>>
        tpu.enqueue_indirect_dma source(%arg8 : memref<1000x16xf32, #tpu.memory_space<vmem>>) target(%dma_start3A_21 : memref<100352x16xf32, #tpu.memory_space<vmem_shared>>) offsets(%arg7 : memref<1000xi32, #tpu.memory_space<vmem>>) semaphore(%run_scoped3A : memref<!tpu.dma_semaphore, #tpu.memory_space<semaphore_mem>>) {add = true}
        %dma_wait3A = arith.constant 0 : i32
        %dma_wait3A_22 = arith.constant 0 : i32
        %dma_wait3A_23 = tpu.memref_slice %arg6[%dma_wait3A, %dma_wait3A_22] : memref<100352x16xf32, #tpu.memory_space<vmem_shared>> -> memref<100352x16xf32, #tpu.memory_space<vmem_shared>>
        tpu.wait_indirect_dma semaphore(%run_scoped3A : memref<!tpu.dma_semaphore, #tpu.memory_space<semaphore_mem>>) src(%arg8 : memref<1000x16xf32, #tpu.memory_space<vmem>>) dst(%dma_wait3A_23 : memref<100352x16xf32, #tpu.memory_space<vmem_shared>>)
        tpu.yield
      }) : () -> ()
    }
    %scan3A_8 = arith.constant 50 : i32
    %barrier3A_9 = arith.constant 0 : index
    tpu.barrier barrier_id(%barrier3A_9)
    %mul3A_10 = arith.constant 6272 : i32
    %mul3A_11 = arith.muli %arg1, %mul3A_10 : i32
    %mul3A_12 = arith.constant 6272 : i32
    %mul3A_13 = arith.muli %arg1, %mul3A_12 : i32
    "tpu.region"() ({
      %run_scoped3A = tpu.sem_alloc : memref<!tpu.dma_semaphore, #tpu.memory_space<semaphore_mem>>
      %dma_start3A = arith.constant 0 : i32
      %dma_start3A_14 = arith.constant 0 : i32
      %dma_start3A_15 = tpu.memref_slice %arg5[%arg0, %dma_start3A, %dma_start3A_14] : memref<2x100352x16xf32, #tpu.memory_space<hbm>> -> memref<1x100352x16xf32, #tpu.memory_space<hbm>>
      %dma_start3A_16 = tpu.memref_squeeze %dma_start3A_15 : memref<1x100352x16xf32, #tpu.memory_space<hbm>> -> memref<100352x16xf32, #tpu.memory_space<hbm>>
      %dma_start3A_17 = arith.constant 0 : i32
      %dma_start3A_18 = tpu.memref_slice %dma_start3A_16[%mul3A_13, %dma_start3A_17] : memref<100352x16xf32, #tpu.memory_space<hbm>> -> memref<6272x16xf32, #tpu.memory_space<hbm>>
      %dma_start3A_19 = arith.constant 0 : i32
      %dma_start3A_20 = tpu.memref_slice %arg6[%mul3A_11, %dma_start3A_19] : memref<100352x16xf32, #tpu.memory_space<vmem_shared>> -> memref<6272x16xf32, #tpu.memory_space<vmem_shared>>
      tpu.enqueue_dma source(%dma_start3A_20 : memref<6272x16xf32, #tpu.memory_space<vmem_shared>>) target(%dma_start3A_18 : memref<6272x16xf32, #tpu.memory_space<hbm>>) target_semaphore(%run_scoped3A : memref<!tpu.dma_semaphore, #tpu.memory_space<semaphore_mem>>)
      %dma_wait3A = arith.constant 0 : i32
      %dma_wait3A_21 = arith.constant 0 : i32
      %dma_wait3A_22 = tpu.memref_slice %arg5[%arg0, %dma_wait3A, %dma_wait3A_21] : memref<2x100352x16xf32, #tpu.memory_space<hbm>> -> memref<1x100352x16xf32, #tpu.memory_space<hbm>>
      %dma_wait3A_23 = tpu.memref_squeeze %dma_wait3A_22 : memref<1x100352x16xf32, #tpu.memory_space<hbm>> -> memref<100352x16xf32, #tpu.memory_space<hbm>>
      %dma_wait3A_24 = arith.constant 0 : i32
      %dma_wait3A_25 = tpu.memref_slice %dma_wait3A_23[%mul3A_13, %dma_wait3A_24] : memref<100352x16xf32, #tpu.memory_space<hbm>> -> memref<6272x16xf32, #tpu.memory_space<hbm>>
      %dma_wait3A_26 = arith.constant 0 : i32
      %dma_wait3A_27 = tpu.memref_slice %arg6[%mul3A_11, %dma_wait3A_26] : memref<100352x16xf32, #tpu.memory_space<vmem_shared>> -> memref<6272x16xf32, #tpu.memory_space<vmem_shared>>
      tpu.wait_dma2 semaphore(%run_scoped3A : memref<!tpu.dma_semaphore, #tpu.memory_space<semaphore_mem>>) src(%dma_wait3A_27 : memref<6272x16xf32, #tpu.memory_space<vmem_shared>>) dst(%dma_wait3A_25 : memref<6272x16xf32, #tpu.memory_space<hbm>>)
      tpu.yield
    }) : () -> ()
    return
  }
}

#map = affine_map<(d0, d1) -> (0, 0, 0)>
#map1 = affine_map<(d0, d1) -> (0)>
#map2 = affine_map<(d0, d1) -> (0, 0)>
module attributes {stable_mosaic.version = 14 : i64} {
  func.func @_gs_kernel(%arg0: i32, %arg1: i32, %arg2: memref<3x100000x16xf32, #tpu.memory_space<hbm>>, %arg3: memref<1600000xi32, #tpu.memory_space<hbm>>, %arg4: memref<1600000xi32, #tpu.memory_space<hbm>>, %arg5: memref<100352x16xf32, #tpu.memory_space<hbm>>, %arg6: memref<4x100352x16xf32, #tpu.memory_space<hbm>>, %arg7: memref<100352x16xf32, #tpu.memory_space<vmem_shared>>, %arg8: memref<1000xi32, #tpu.memory_space<vmem>>, %arg9: memref<1000xi32, #tpu.memory_space<vmem>>, %arg10: memref<1000x16xf32, #tpu.memory_space<vmem>>, %arg11: memref<!tpu.dma_semaphore, #tpu.memory_space<semaphore_mem>>) attributes {dimension_semantics = [#tpu.dimension_semantics<core_parallel>, #tpu.dimension_semantics<subcore_parallel>], iteration_bounds = array<i64: 2, 16>, scalar_prefetch = 0 : i64, scratch_operands = 5 : i64, tpu.core_type = #tpu.core_type<sc_vector_subcore>, window_params = [{transform_indices = #map}, {transform_indices = #map1}, {transform_indices = #map1}, {transform_indices = #map2}, {transform_indices = #map}]} {
    %mul3A = arith.constant 6272 : i32
    %mul3A_0 = arith.muli %arg1, %mul3A : i32
    %mul3A_1 = arith.constant 6272 : i32
    %mul3A_2 = arith.muli %arg1, %mul3A_1 : i32
    "tpu.region"() ({
      %run_scoped3A = tpu.sem_alloc : memref<!tpu.dma_semaphore, #tpu.memory_space<semaphore_mem>>
      %dma_start3A = arith.constant 0 : i32
      %dma_start3A_28 = tpu.memref_slice %arg7[%mul3A_2, %dma_start3A] : memref<100352x16xf32, #tpu.memory_space<vmem_shared>> -> memref<6272x16xf32, #tpu.memory_space<vmem_shared>>
      %dma_start3A_29 = arith.constant 0 : i32
      %dma_start3A_30 = tpu.memref_slice %arg5[%mul3A_0, %dma_start3A_29] : memref<100352x16xf32, #tpu.memory_space<hbm>> -> memref<6272x16xf32, #tpu.memory_space<hbm>>
      tpu.enqueue_dma source(%dma_start3A_30 : memref<6272x16xf32, #tpu.memory_space<hbm>>) target(%dma_start3A_28 : memref<6272x16xf32, #tpu.memory_space<vmem_shared>>) target_semaphore(%run_scoped3A : memref<!tpu.dma_semaphore, #tpu.memory_space<semaphore_mem>>)
      %dma_wait3A = arith.constant 0 : i32
      %dma_wait3A_31 = tpu.memref_slice %arg7[%mul3A_2, %dma_wait3A] : memref<100352x16xf32, #tpu.memory_space<vmem_shared>> -> memref<6272x16xf32, #tpu.memory_space<vmem_shared>>
      %dma_wait3A_32 = arith.constant 0 : i32
      %dma_wait3A_33 = tpu.memref_slice %arg5[%mul3A_0, %dma_wait3A_32] : memref<100352x16xf32, #tpu.memory_space<hbm>> -> memref<6272x16xf32, #tpu.memory_space<hbm>>
      tpu.wait_dma2 semaphore(%run_scoped3A : memref<!tpu.dma_semaphore, #tpu.memory_space<semaphore_mem>>) src(%dma_wait3A_33 : memref<6272x16xf32, #tpu.memory_space<hbm>>) dst(%dma_wait3A_31 : memref<6272x16xf32, #tpu.memory_space<vmem_shared>>)
      tpu.yield
    }) : () -> ()
    %barrier3A = arith.constant 0 : index
    tpu.barrier barrier_id(%barrier3A)
    %scan3A = arith.constant 0 : i32
    %scan3A_3 = arith.constant 100 : i32
    %scan3A_4 = arith.addi %scan3A, %scan3A_3 : i32
    %scan3A_5 = arith.constant 1 : i32
    scf.for %scan3A_28 = %scan3A to %scan3A_4 step %scan3A_5  : i32 {
      %mul3A_29 = arith.constant 16 : i32
      %mul3A_30 = arith.muli %scan3A_28, %mul3A_29 : i32
      %add3A_31 = arith.addi %arg1, %mul3A_30 : i32
      %mul3A_32 = arith.constant 1000 : i32
      %mul3A_33 = arith.muli %add3A_31, %mul3A_32 : i32
      "tpu.region"() ({
        %run_scoped3A = tpu.sem_alloc : memref<!tpu.dma_semaphore, #tpu.memory_space<semaphore_mem>>
        %dma_start3A_48 = tpu.memref_slice %arg3[%mul3A_33] : memref<1600000xi32, #tpu.memory_space<hbm>> -> memref<1000xi32, #tpu.memory_space<hbm>>
        %dma_start3A_49 = tpu.memref_slice %arg3[%mul3A_33] : memref<1600000xi32, #tpu.memory_space<hbm>> -> memref<1000xi32, #tpu.memory_space<hbm>>
        tpu.enqueue_dma source(%dma_start3A_49 : memref<1000xi32, #tpu.memory_space<hbm>>) target(%arg8 : memref<1000xi32, #tpu.memory_space<vmem>>) target_semaphore(%run_scoped3A : memref<!tpu.dma_semaphore, #tpu.memory_space<semaphore_mem>>)
        %dma_wait3A_50 = tpu.memref_slice %arg3[%mul3A_33] : memref<1600000xi32, #tpu.memory_space<hbm>> -> memref<1000xi32, #tpu.memory_space<hbm>>
        %dma_wait3A_51 = tpu.memref_slice %arg3[%mul3A_33] : memref<1600000xi32, #tpu.memory_space<hbm>> -> memref<1000xi32, #tpu.memory_space<hbm>>
        tpu.wait_dma2 semaphore(%run_scoped3A : memref<!tpu.dma_semaphore, #tpu.memory_space<semaphore_mem>>) src(%dma_wait3A_51 : memref<1000xi32, #tpu.memory_space<hbm>>) dst(%arg8 : memref<1000xi32, #tpu.memory_space<vmem>>)
        tpu.yield
      }) : () -> ()
      %dma_start3A = arith.constant 0 : i32
      %dma_start3A_34 = arith.constant 0 : i32
      %dma_start3A_35 = tpu.memref_slice %arg2[%arg0, %dma_start3A, %dma_start3A_34] : memref<3x100000x16xf32, #tpu.memory_space<hbm>> -> memref<1x100000x16xf32, #tpu.memory_space<hbm>>
      %dma_start3A_36 = tpu.memref_squeeze %dma_start3A_35 : memref<1x100000x16xf32, #tpu.memory_space<hbm>> -> memref<100000x16xf32, #tpu.memory_space<hbm>>
      %dma_start3A_37 = arith.constant 0 : i32
      %dma_start3A_38 = arith.constant 0 : i32
      %dma_start3A_39 = tpu.memref_slice %dma_start3A_36[%dma_start3A_37, %dma_start3A_38] : memref<100000x16xf32, #tpu.memory_space<hbm>> -> memref<100000x16xf32, #tpu.memory_space<hbm>>
      tpu.enqueue_indirect_dma source(%dma_start3A_39 : memref<100000x16xf32, #tpu.memory_space<hbm>>) target(%arg10 : memref<1000x16xf32, #tpu.memory_space<vmem>>) offsets(%arg8 : memref<1000xi32, #tpu.memory_space<vmem>>) semaphore(%arg11 : memref<!tpu.dma_semaphore, #tpu.memory_space<semaphore_mem>>)
      %dma_wait3A = arith.constant 0 : i32
      %dma_wait3A_40 = arith.constant 0 : i32
      %dma_wait3A_41 = tpu.memref_slice %arg2[%arg0, %dma_wait3A, %dma_wait3A_40] : memref<3x100000x16xf32, #tpu.memory_space<hbm>> -> memref<1x100000x16xf32, #tpu.memory_space<hbm>>
      %dma_wait3A_42 = tpu.memref_squeeze %dma_wait3A_41 : memref<1x100000x16xf32, #tpu.memory_space<hbm>> -> memref<100000x16xf32, #tpu.memory_space<hbm>>
      %dma_wait3A_43 = arith.constant 0 : i32
      %dma_wait3A_44 = arith.constant 0 : i32
      %dma_wait3A_45 = tpu.memref_slice %dma_wait3A_42[%dma_wait3A_43, %dma_wait3A_44] : memref<100000x16xf32, #tpu.memory_space<hbm>> -> memref<100000x16xf32, #tpu.memory_space<hbm>>
      tpu.wait_indirect_dma semaphore(%arg11 : memref<!tpu.dma_semaphore, #tpu.memory_space<semaphore_mem>>) src(%dma_wait3A_45 : memref<100000x16xf32, #tpu.memory_space<hbm>>) dst(%arg10 : memref<1000x16xf32, #tpu.memory_space<vmem>>)
      %mul3A_46 = arith.constant 1000 : i32
      %mul3A_47 = arith.muli %add3A_31, %mul3A_46 : i32
      "tpu.region"() ({
        %run_scoped3A = tpu.sem_alloc : memref<!tpu.dma_semaphore, #tpu.memory_space<semaphore_mem>>
        %dma_start3A_48 = tpu.memref_slice %arg4[%mul3A_47] : memref<1600000xi32, #tpu.memory_space<hbm>> -> memref<1000xi32, #tpu.memory_space<hbm>>
        %dma_start3A_49 = tpu.memref_slice %arg4[%mul3A_47] : memref<1600000xi32, #tpu.memory_space<hbm>> -> memref<1000xi32, #tpu.memory_space<hbm>>
        tpu.enqueue_dma source(%dma_start3A_49 : memref<1000xi32, #tpu.memory_space<hbm>>) target(%arg9 : memref<1000xi32, #tpu.memory_space<vmem>>) target_semaphore(%run_scoped3A : memref<!tpu.dma_semaphore, #tpu.memory_space<semaphore_mem>>)
        %dma_wait3A_50 = tpu.memref_slice %arg4[%mul3A_47] : memref<1600000xi32, #tpu.memory_space<hbm>> -> memref<1000xi32, #tpu.memory_space<hbm>>
        %dma_wait3A_51 = tpu.memref_slice %arg4[%mul3A_47] : memref<1600000xi32, #tpu.memory_space<hbm>> -> memref<1000xi32, #tpu.memory_space<hbm>>
        tpu.wait_dma2 semaphore(%run_scoped3A : memref<!tpu.dma_semaphore, #tpu.memory_space<semaphore_mem>>) src(%dma_wait3A_51 : memref<1000xi32, #tpu.memory_space<hbm>>) dst(%arg9 : memref<1000xi32, #tpu.memory_space<vmem>>)
        tpu.yield
      }) : () -> ()
      "tpu.region"() ({
        %run_scoped3A = tpu.sem_alloc : memref<!tpu.dma_semaphore, #tpu.memory_space<semaphore_mem>>
        %dma_start3A_48 = arith.constant 0 : i32
        %dma_start3A_49 = arith.constant 0 : i32
        %dma_start3A_50 = tpu.memref_slice %arg7[%dma_start3A_48, %dma_start3A_49] : memref<100352x16xf32, #tpu.memory_space<vmem_shared>> -> memref<100352x16xf32, #tpu.memory_space<vmem_shared>>
        tpu.enqueue_indirect_dma source(%arg10 : memref<1000x16xf32, #tpu.memory_space<vmem>>) target(%dma_start3A_50 : memref<100352x16xf32, #tpu.memory_space<vmem_shared>>) offsets(%arg9 : memref<1000xi32, #tpu.memory_space<vmem>>) semaphore(%run_scoped3A : memref<!tpu.dma_semaphore, #tpu.memory_space<semaphore_mem>>) {add = true}
        %dma_wait3A_51 = arith.constant 0 : i32
        %dma_wait3A_52 = arith.constant 0 : i32
        %dma_wait3A_53 = tpu.memref_slice %arg7[%dma_wait3A_51, %dma_wait3A_52] : memref<100352x16xf32, #tpu.memory_space<vmem_shared>> -> memref<100352x16xf32, #tpu.memory_space<vmem_shared>>
        tpu.wait_indirect_dma semaphore(%run_scoped3A : memref<!tpu.dma_semaphore, #tpu.memory_space<semaphore_mem>>) src(%arg10 : memref<1000x16xf32, #tpu.memory_space<vmem>>) dst(%dma_wait3A_53 : memref<100352x16xf32, #tpu.memory_space<vmem_shared>>)
        tpu.yield
      }) : () -> ()
    }
    %scan3A_6 = arith.constant 100 : i32
    %barrier3A_7 = arith.constant 0 : index
    tpu.barrier barrier_id(%barrier3A_7)
    %mul3A_8 = arith.constant 6272 : i32
    %mul3A_9 = arith.muli %arg1, %mul3A_8 : i32
    %mul3A_10 = arith.constant 6272 : i32
    %mul3A_11 = arith.muli %arg1, %mul3A_10 : i32
    "tpu.region"() ({
      %run_scoped3A = tpu.sem_alloc : memref<!tpu.dma_semaphore, #tpu.memory_space<semaphore_mem>>
      %dma_start3A = arith.constant 0 : i32
      %dma_start3A_28 = arith.constant 0 : i32
      %dma_start3A_29 = tpu.memref_slice %arg6[%arg0, %dma_start3A, %dma_start3A_28] : memref<4x100352x16xf32, #tpu.memory_space<hbm>> -> memref<1x100352x16xf32, #tpu.memory_space<hbm>>
      %dma_start3A_30 = tpu.memref_squeeze %dma_start3A_29 : memref<1x100352x16xf32, #tpu.memory_space<hbm>> -> memref<100352x16xf32, #tpu.memory_space<hbm>>
      %dma_start3A_31 = arith.constant 0 : i32
      %dma_start3A_32 = tpu.memref_slice %dma_start3A_30[%mul3A_11, %dma_start3A_31] : memref<100352x16xf32, #tpu.memory_space<hbm>> -> memref<6272x16xf32, #tpu.memory_space<hbm>>
      %dma_start3A_33 = arith.constant 0 : i32
      %dma_start3A_34 = tpu.memref_slice %arg7[%mul3A_9, %dma_start3A_33] : memref<100352x16xf32, #tpu.memory_space<vmem_shared>> -> memref<6272x16xf32, #tpu.memory_space<vmem_shared>>
      tpu.enqueue_dma source(%dma_start3A_34 : memref<6272x16xf32, #tpu.memory_space<vmem_shared>>) target(%dma_start3A_32 : memref<6272x16xf32, #tpu.memory_space<hbm>>) target_semaphore(%run_scoped3A : memref<!tpu.dma_semaphore, #tpu.memory_space<semaphore_mem>>)
      %dma_wait3A = arith.constant 0 : i32
      %dma_wait3A_35 = arith.constant 0 : i32
      %dma_wait3A_36 = tpu.memref_slice %arg6[%arg0, %dma_wait3A, %dma_wait3A_35] : memref<4x100352x16xf32, #tpu.memory_space<hbm>> -> memref<1x100352x16xf32, #tpu.memory_space<hbm>>
      %dma_wait3A_37 = tpu.memref_squeeze %dma_wait3A_36 : memref<1x100352x16xf32, #tpu.memory_space<hbm>> -> memref<100352x16xf32, #tpu.memory_space<hbm>>
      %dma_wait3A_38 = arith.constant 0 : i32
      %dma_wait3A_39 = tpu.memref_slice %dma_wait3A_37[%mul3A_11, %dma_wait3A_38] : memref<100352x16xf32, #tpu.memory_space<hbm>> -> memref<6272x16xf32, #tpu.memory_space<hbm>>
      %dma_wait3A_40 = arith.constant 0 : i32
      %dma_wait3A_41 = tpu.memref_slice %arg7[%mul3A_9, %dma_wait3A_40] : memref<100352x16xf32, #tpu.memory_space<vmem_shared>> -> memref<6272x16xf32, #tpu.memory_space<vmem_shared>>
      tpu.wait_dma2 semaphore(%run_scoped3A : memref<!tpu.dma_semaphore, #tpu.memory_space<semaphore_mem>>) src(%dma_wait3A_41 : memref<6272x16xf32, #tpu.memory_space<vmem_shared>>) dst(%dma_wait3A_39 : memref<6272x16xf32, #tpu.memory_space<hbm>>)
      tpu.yield
    }) : () -> ()
    %mul3A_12 = arith.constant 6272 : i32
    %mul3A_13 = arith.muli %arg1, %mul3A_12 : i32
    %mul3A_14 = arith.constant 6272 : i32
    %mul3A_15 = arith.muli %arg1, %mul3A_14 : i32
    "tpu.region"() ({
      %run_scoped3A = tpu.sem_alloc : memref<!tpu.dma_semaphore, #tpu.memory_space<semaphore_mem>>
      %dma_start3A = arith.constant 0 : i32
      %dma_start3A_28 = tpu.memref_slice %arg7[%mul3A_15, %dma_start3A] : memref<100352x16xf32, #tpu.memory_space<vmem_shared>> -> memref<6272x16xf32, #tpu.memory_space<vmem_shared>>
      %dma_start3A_29 = arith.constant 0 : i32
      %dma_start3A_30 = tpu.memref_slice %arg5[%mul3A_13, %dma_start3A_29] : memref<100352x16xf32, #tpu.memory_space<hbm>> -> memref<6272x16xf32, #tpu.memory_space<hbm>>
      tpu.enqueue_dma source(%dma_start3A_30 : memref<6272x16xf32, #tpu.memory_space<hbm>>) target(%dma_start3A_28 : memref<6272x16xf32, #tpu.memory_space<vmem_shared>>) target_semaphore(%run_scoped3A : memref<!tpu.dma_semaphore, #tpu.memory_space<semaphore_mem>>)
      %dma_wait3A = arith.constant 0 : i32
      %dma_wait3A_31 = tpu.memref_slice %arg7[%mul3A_15, %dma_wait3A] : memref<100352x16xf32, #tpu.memory_space<vmem_shared>> -> memref<6272x16xf32, #tpu.memory_space<vmem_shared>>
      %dma_wait3A_32 = arith.constant 0 : i32
      %dma_wait3A_33 = tpu.memref_slice %arg5[%mul3A_13, %dma_wait3A_32] : memref<100352x16xf32, #tpu.memory_space<hbm>> -> memref<6272x16xf32, #tpu.memory_space<hbm>>
      tpu.wait_dma2 semaphore(%run_scoped3A : memref<!tpu.dma_semaphore, #tpu.memory_space<semaphore_mem>>) src(%dma_wait3A_33 : memref<6272x16xf32, #tpu.memory_space<hbm>>) dst(%dma_wait3A_31 : memref<6272x16xf32, #tpu.memory_space<vmem_shared>>)
      tpu.yield
    }) : () -> ()
    %barrier3A_16 = arith.constant 0 : index
    tpu.barrier barrier_id(%barrier3A_16)
    %scan3A_17 = arith.constant 0 : i32
    %scan3A_18 = arith.constant 50 : i32
    %scan3A_19 = arith.addi %scan3A_17, %scan3A_18 : i32
    %scan3A_20 = arith.constant 1 : i32
    scf.for %scan3A_28 = %scan3A_17 to %scan3A_19 step %scan3A_20  : i32 {
      %mul3A_29 = arith.constant 800 : i32
      %mul3A_30 = arith.muli %arg0, %mul3A_29 : i32
      %add3A_31 = arith.addi %mul3A_30, %arg1 : i32
      %mul3A_32 = arith.constant 16 : i32
      %mul3A_33 = arith.muli %scan3A_28, %mul3A_32 : i32
      %add3A_34 = arith.addi %add3A_31, %mul3A_33 : i32
      %mul3A_35 = arith.constant 1000 : i32
      %mul3A_36 = arith.muli %add3A_34, %mul3A_35 : i32
      "tpu.region"() ({
        %run_scoped3A = tpu.sem_alloc : memref<!tpu.dma_semaphore, #tpu.memory_space<semaphore_mem>>
        %dma_start3A_53 = tpu.memref_slice %arg3[%mul3A_36] : memref<1600000xi32, #tpu.memory_space<hbm>> -> memref<1000xi32, #tpu.memory_space<hbm>>
        %dma_start3A_54 = tpu.memref_slice %arg3[%mul3A_36] : memref<1600000xi32, #tpu.memory_space<hbm>> -> memref<1000xi32, #tpu.memory_space<hbm>>
        tpu.enqueue_dma source(%dma_start3A_54 : memref<1000xi32, #tpu.memory_space<hbm>>) target(%arg8 : memref<1000xi32, #tpu.memory_space<vmem>>) target_semaphore(%run_scoped3A : memref<!tpu.dma_semaphore, #tpu.memory_space<semaphore_mem>>)
        %dma_wait3A_55 = tpu.memref_slice %arg3[%mul3A_36] : memref<1600000xi32, #tpu.memory_space<hbm>> -> memref<1000xi32, #tpu.memory_space<hbm>>
        %dma_wait3A_56 = tpu.memref_slice %arg3[%mul3A_36] : memref<1600000xi32, #tpu.memory_space<hbm>> -> memref<1000xi32, #tpu.memory_space<hbm>>
        tpu.wait_dma2 semaphore(%run_scoped3A : memref<!tpu.dma_semaphore, #tpu.memory_space<semaphore_mem>>) src(%dma_wait3A_56 : memref<1000xi32, #tpu.memory_space<hbm>>) dst(%arg8 : memref<1000xi32, #tpu.memory_space<vmem>>)
        tpu.yield
      }) : () -> ()
      %dma_start3A = arith.constant 2 : i32
      %dma_start3A_37 = arith.constant 0 : i32
      %dma_start3A_38 = arith.constant 0 : i32
      %dma_start3A_39 = tpu.memref_slice %arg2[%dma_start3A, %dma_start3A_37, %dma_start3A_38] : memref<3x100000x16xf32, #tpu.memory_space<hbm>> -> memref<1x100000x16xf32, #tpu.memory_space<hbm>>
      %dma_start3A_40 = tpu.memref_squeeze %dma_start3A_39 : memref<1x100000x16xf32, #tpu.memory_space<hbm>> -> memref<100000x16xf32, #tpu.memory_space<hbm>>
      %dma_start3A_41 = arith.constant 0 : i32
      %dma_start3A_42 = arith.constant 0 : i32
      %dma_start3A_43 = tpu.memref_slice %dma_start3A_40[%dma_start3A_41, %dma_start3A_42] : memref<100000x16xf32, #tpu.memory_space<hbm>> -> memref<100000x16xf32, #tpu.memory_space<hbm>>
      tpu.enqueue_indirect_dma source(%dma_start3A_43 : memref<100000x16xf32, #tpu.memory_space<hbm>>) target(%arg10 : memref<1000x16xf32, #tpu.memory_space<vmem>>) offsets(%arg8 : memref<1000xi32, #tpu.memory_space<vmem>>) semaphore(%arg11 : memref<!tpu.dma_semaphore, #tpu.memory_space<semaphore_mem>>)
      %dma_wait3A = arith.constant 2 : i32
      %dma_wait3A_44 = arith.constant 0 : i32
      %dma_wait3A_45 = arith.constant 0 : i32
      %dma_wait3A_46 = tpu.memref_slice %arg2[%dma_wait3A, %dma_wait3A_44, %dma_wait3A_45] : memref<3x100000x16xf32, #tpu.memory_space<hbm>> -> memref<1x100000x16xf32, #tpu.memory_space<hbm>>
      %dma_wait3A_47 = tpu.memref_squeeze %dma_wait3A_46 : memref<1x100000x16xf32, #tpu.memory_space<hbm>> -> memref<100000x16xf32, #tpu.memory_space<hbm>>
      %dma_wait3A_48 = arith.constant 0 : i32
      %dma_wait3A_49 = arith.constant 0 : i32
      %dma_wait3A_50 = tpu.memref_slice %dma_wait3A_47[%dma_wait3A_48, %dma_wait3A_49] : memref<100000x16xf32, #tpu.memory_space<hbm>> -> memref<100000x16xf32, #tpu.memory_space<hbm>>
      tpu.wait_indirect_dma semaphore(%arg11 : memref<!tpu.dma_semaphore, #tpu.memory_space<semaphore_mem>>) src(%dma_wait3A_50 : memref<100000x16xf32, #tpu.memory_space<hbm>>) dst(%arg10 : memref<1000x16xf32, #tpu.memory_space<vmem>>)
      %mul3A_51 = arith.constant 1000 : i32
      %mul3A_52 = arith.muli %add3A_34, %mul3A_51 : i32
      "tpu.region"() ({
        %run_scoped3A = tpu.sem_alloc : memref<!tpu.dma_semaphore, #tpu.memory_space<semaphore_mem>>
        %dma_start3A_53 = tpu.memref_slice %arg4[%mul3A_52] : memref<1600000xi32, #tpu.memory_space<hbm>> -> memref<1000xi32, #tpu.memory_space<hbm>>
        %dma_start3A_54 = tpu.memref_slice %arg4[%mul3A_52] : memref<1600000xi32, #tpu.memory_space<hbm>> -> memref<1000xi32, #tpu.memory_space<hbm>>
        tpu.enqueue_dma source(%dma_start3A_54 : memref<1000xi32, #tpu.memory_space<hbm>>) target(%arg9 : memref<1000xi32, #tpu.memory_space<vmem>>) target_semaphore(%run_scoped3A : memref<!tpu.dma_semaphore, #tpu.memory_space<semaphore_mem>>)
        %dma_wait3A_55 = tpu.memref_slice %arg4[%mul3A_52] : memref<1600000xi32, #tpu.memory_space<hbm>> -> memref<1000xi32, #tpu.memory_space<hbm>>
        %dma_wait3A_56 = tpu.memref_slice %arg4[%mul3A_52] : memref<1600000xi32, #tpu.memory_space<hbm>> -> memref<1000xi32, #tpu.memory_space<hbm>>
        tpu.wait_dma2 semaphore(%run_scoped3A : memref<!tpu.dma_semaphore, #tpu.memory_space<semaphore_mem>>) src(%dma_wait3A_56 : memref<1000xi32, #tpu.memory_space<hbm>>) dst(%arg9 : memref<1000xi32, #tpu.memory_space<vmem>>)
        tpu.yield
      }) : () -> ()
      "tpu.region"() ({
        %run_scoped3A = tpu.sem_alloc : memref<!tpu.dma_semaphore, #tpu.memory_space<semaphore_mem>>
        %dma_start3A_53 = arith.constant 0 : i32
        %dma_start3A_54 = arith.constant 0 : i32
        %dma_start3A_55 = tpu.memref_slice %arg7[%dma_start3A_53, %dma_start3A_54] : memref<100352x16xf32, #tpu.memory_space<vmem_shared>> -> memref<100352x16xf32, #tpu.memory_space<vmem_shared>>
        tpu.enqueue_indirect_dma source(%arg10 : memref<1000x16xf32, #tpu.memory_space<vmem>>) target(%dma_start3A_55 : memref<100352x16xf32, #tpu.memory_space<vmem_shared>>) offsets(%arg9 : memref<1000xi32, #tpu.memory_space<vmem>>) semaphore(%run_scoped3A : memref<!tpu.dma_semaphore, #tpu.memory_space<semaphore_mem>>) {add = true}
        %dma_wait3A_56 = arith.constant 0 : i32
        %dma_wait3A_57 = arith.constant 0 : i32
        %dma_wait3A_58 = tpu.memref_slice %arg7[%dma_wait3A_56, %dma_wait3A_57] : memref<100352x16xf32, #tpu.memory_space<vmem_shared>> -> memref<100352x16xf32, #tpu.memory_space<vmem_shared>>
        tpu.wait_indirect_dma semaphore(%run_scoped3A : memref<!tpu.dma_semaphore, #tpu.memory_space<semaphore_mem>>) src(%arg10 : memref<1000x16xf32, #tpu.memory_space<vmem>>) dst(%dma_wait3A_58 : memref<100352x16xf32, #tpu.memory_space<vmem_shared>>)
        tpu.yield
      }) : () -> ()
    }
    %scan3A_21 = arith.constant 50 : i32
    %barrier3A_22 = arith.constant 0 : index
    tpu.barrier barrier_id(%barrier3A_22)
    %mul3A_23 = arith.constant 6272 : i32
    %mul3A_24 = arith.muli %arg1, %mul3A_23 : i32
    %add3A = arith.constant 2 : i32
    %add3A_25 = arith.addi %add3A, %arg0 : i32
    %mul3A_26 = arith.constant 6272 : i32
    %mul3A_27 = arith.muli %arg1, %mul3A_26 : i32
    "tpu.region"() ({
      %run_scoped3A = tpu.sem_alloc : memref<!tpu.dma_semaphore, #tpu.memory_space<semaphore_mem>>
      %dma_start3A = arith.constant 0 : i32
      %dma_start3A_28 = arith.constant 0 : i32
      %dma_start3A_29 = tpu.memref_slice %arg6[%add3A_25, %dma_start3A, %dma_start3A_28] : memref<4x100352x16xf32, #tpu.memory_space<hbm>> -> memref<1x100352x16xf32, #tpu.memory_space<hbm>>
      %dma_start3A_30 = tpu.memref_squeeze %dma_start3A_29 : memref<1x100352x16xf32, #tpu.memory_space<hbm>> -> memref<100352x16xf32, #tpu.memory_space<hbm>>
      %dma_start3A_31 = arith.constant 0 : i32
      %dma_start3A_32 = tpu.memref_slice %dma_start3A_30[%mul3A_27, %dma_start3A_31] : memref<100352x16xf32, #tpu.memory_space<hbm>> -> memref<6272x16xf32, #tpu.memory_space<hbm>>
      %dma_start3A_33 = arith.constant 0 : i32
      %dma_start3A_34 = tpu.memref_slice %arg7[%mul3A_24, %dma_start3A_33] : memref<100352x16xf32, #tpu.memory_space<vmem_shared>> -> memref<6272x16xf32, #tpu.memory_space<vmem_shared>>
      tpu.enqueue_dma source(%dma_start3A_34 : memref<6272x16xf32, #tpu.memory_space<vmem_shared>>) target(%dma_start3A_32 : memref<6272x16xf32, #tpu.memory_space<hbm>>) target_semaphore(%run_scoped3A : memref<!tpu.dma_semaphore, #tpu.memory_space<semaphore_mem>>)
      %dma_wait3A = arith.constant 0 : i32
      %dma_wait3A_35 = arith.constant 0 : i32
      %dma_wait3A_36 = tpu.memref_slice %arg6[%add3A_25, %dma_wait3A, %dma_wait3A_35] : memref<4x100352x16xf32, #tpu.memory_space<hbm>> -> memref<1x100352x16xf32, #tpu.memory_space<hbm>>
      %dma_wait3A_37 = tpu.memref_squeeze %dma_wait3A_36 : memref<1x100352x16xf32, #tpu.memory_space<hbm>> -> memref<100352x16xf32, #tpu.memory_space<hbm>>
      %dma_wait3A_38 = arith.constant 0 : i32
      %dma_wait3A_39 = tpu.memref_slice %dma_wait3A_37[%mul3A_27, %dma_wait3A_38] : memref<100352x16xf32, #tpu.memory_space<hbm>> -> memref<6272x16xf32, #tpu.memory_space<hbm>>
      %dma_wait3A_40 = arith.constant 0 : i32
      %dma_wait3A_41 = tpu.memref_slice %arg7[%mul3A_24, %dma_wait3A_40] : memref<100352x16xf32, #tpu.memory_space<vmem_shared>> -> memref<6272x16xf32, #tpu.memory_space<vmem_shared>>
      tpu.wait_dma2 semaphore(%run_scoped3A : memref<!tpu.dma_semaphore, #tpu.memory_space<semaphore_mem>>) src(%dma_wait3A_41 : memref<6272x16xf32, #tpu.memory_space<vmem_shared>>) dst(%dma_wait3A_39 : memref<6272x16xf32, #tpu.memory_space<hbm>>)
      tpu.yield
    }) : () -> ()
    return
  }
}

#map = affine_map<(d0, d1) -> (0, 0, 0)>
#map1 = affine_map<(d0, d1) -> (0)>
#map2 = affine_map<(d0, d1) -> (0, 0)>
module attributes {stable_mosaic.version = 14 : i64} {
  func.func @_gs_kernel(%arg0: i32, %arg1: i32, %arg2: memref<3x100000x16xf32, #tpu.memory_space<hbm>>, %arg3: memref<1600000xi32, #tpu.memory_space<hbm>>, %arg4: memref<1600000xi32, #tpu.memory_space<hbm>>, %arg5: memref<100352x16xf32, #tpu.memory_space<hbm>>, %arg6: memref<4x100352x16xf32, #tpu.memory_space<hbm>>, %arg7: memref<100352x16xf32, #tpu.memory_space<vmem_shared>>, %arg8: memref<1000xi32, #tpu.memory_space<vmem>>, %arg9: memref<1000xi32, #tpu.memory_space<vmem>>, %arg10: memref<1000x16xf32, #tpu.memory_space<vmem>>, %arg11: memref<!tpu.dma_semaphore, #tpu.memory_space<semaphore_mem>>) attributes {dimension_semantics = [#tpu.dimension_semantics<core_parallel>, #tpu.dimension_semantics<subcore_parallel>], iteration_bounds = array<i64: 2, 16>, scalar_prefetch = 0 : i64, scratch_operands = 5 : i64, tpu.core_type = #tpu.core_type<sc_vector_subcore>, window_params = [{transform_indices = #map}, {transform_indices = #map1}, {transform_indices = #map1}, {transform_indices = #map2}, {transform_indices = #map}]} {
    %mul3A = arith.constant 6272 : i32
    %mul3A_0 = arith.muli %arg1, %mul3A : i32
    %mul3A_1 = arith.constant 6272 : i32
    %mul3A_2 = arith.muli %arg1, %mul3A_1 : i32
    "tpu.region"() ({
      %run_scoped3A = tpu.sem_alloc : memref<!tpu.dma_semaphore, #tpu.memory_space<semaphore_mem>>
      %dma_start3A = arith.constant 0 : i32
      %dma_start3A_28 = tpu.memref_slice %arg7[%mul3A_2, %dma_start3A] : memref<100352x16xf32, #tpu.memory_space<vmem_shared>> -> memref<6272x16xf32, #tpu.memory_space<vmem_shared>>
      %dma_start3A_29 = arith.constant 0 : i32
      %dma_start3A_30 = tpu.memref_slice %arg5[%mul3A_0, %dma_start3A_29] : memref<100352x16xf32, #tpu.memory_space<hbm>> -> memref<6272x16xf32, #tpu.memory_space<hbm>>
      tpu.enqueue_dma source(%dma_start3A_30 : memref<6272x16xf32, #tpu.memory_space<hbm>>) target(%dma_start3A_28 : memref<6272x16xf32, #tpu.memory_space<vmem_shared>>) target_semaphore(%run_scoped3A : memref<!tpu.dma_semaphore, #tpu.memory_space<semaphore_mem>>)
      %dma_wait3A = arith.constant 0 : i32
      %dma_wait3A_31 = tpu.memref_slice %arg7[%mul3A_2, %dma_wait3A] : memref<100352x16xf32, #tpu.memory_space<vmem_shared>> -> memref<6272x16xf32, #tpu.memory_space<vmem_shared>>
      %dma_wait3A_32 = arith.constant 0 : i32
      %dma_wait3A_33 = tpu.memref_slice %arg5[%mul3A_0, %dma_wait3A_32] : memref<100352x16xf32, #tpu.memory_space<hbm>> -> memref<6272x16xf32, #tpu.memory_space<hbm>>
      tpu.wait_dma2 semaphore(%run_scoped3A : memref<!tpu.dma_semaphore, #tpu.memory_space<semaphore_mem>>) src(%dma_wait3A_33 : memref<6272x16xf32, #tpu.memory_space<hbm>>) dst(%dma_wait3A_31 : memref<6272x16xf32, #tpu.memory_space<vmem_shared>>)
      tpu.yield
    }) : () -> ()
    %barrier3A = arith.constant 0 : index
    tpu.barrier barrier_id(%barrier3A)
    %scan3A = arith.constant 0 : i32
    %scan3A_3 = arith.constant 100 : i32
    %scan3A_4 = arith.addi %scan3A, %scan3A_3 : i32
    %scan3A_5 = arith.constant 1 : i32
    scf.for %scan3A_28 = %scan3A to %scan3A_4 step %scan3A_5  : i32 {
      %mul3A_29 = arith.constant 16 : i32
      %mul3A_30 = arith.muli %scan3A_28, %mul3A_29 : i32
      %add3A_31 = arith.addi %arg1, %mul3A_30 : i32
      %mul3A_32 = arith.constant 1000 : i32
      %mul3A_33 = arith.muli %add3A_31, %mul3A_32 : i32
      "tpu.region"() ({
        %run_scoped3A = tpu.sem_alloc : memref<!tpu.dma_semaphore, #tpu.memory_space<semaphore_mem>>
        %dma_start3A_48 = tpu.memref_slice %arg3[%mul3A_33] : memref<1600000xi32, #tpu.memory_space<hbm>> -> memref<1000xi32, #tpu.memory_space<hbm>>
        %dma_start3A_49 = tpu.memref_slice %arg3[%mul3A_33] : memref<1600000xi32, #tpu.memory_space<hbm>> -> memref<1000xi32, #tpu.memory_space<hbm>>
        tpu.enqueue_dma source(%dma_start3A_49 : memref<1000xi32, #tpu.memory_space<hbm>>) target(%arg8 : memref<1000xi32, #tpu.memory_space<vmem>>) target_semaphore(%run_scoped3A : memref<!tpu.dma_semaphore, #tpu.memory_space<semaphore_mem>>)
        %dma_wait3A_50 = tpu.memref_slice %arg3[%mul3A_33] : memref<1600000xi32, #tpu.memory_space<hbm>> -> memref<1000xi32, #tpu.memory_space<hbm>>
        %dma_wait3A_51 = tpu.memref_slice %arg3[%mul3A_33] : memref<1600000xi32, #tpu.memory_space<hbm>> -> memref<1000xi32, #tpu.memory_space<hbm>>
        tpu.wait_dma2 semaphore(%run_scoped3A : memref<!tpu.dma_semaphore, #tpu.memory_space<semaphore_mem>>) src(%dma_wait3A_51 : memref<1000xi32, #tpu.memory_space<hbm>>) dst(%arg8 : memref<1000xi32, #tpu.memory_space<vmem>>)
        tpu.yield
      }) : () -> ()
      %dma_start3A = arith.constant 0 : i32
      %dma_start3A_34 = arith.constant 0 : i32
      %dma_start3A_35 = tpu.memref_slice %arg2[%arg0, %dma_start3A, %dma_start3A_34] : memref<3x100000x16xf32, #tpu.memory_space<hbm>> -> memref<1x100000x16xf32, #tpu.memory_space<hbm>>
      %dma_start3A_36 = tpu.memref_squeeze %dma_start3A_35 : memref<1x100000x16xf32, #tpu.memory_space<hbm>> -> memref<100000x16xf32, #tpu.memory_space<hbm>>
      %dma_start3A_37 = arith.constant 0 : i32
      %dma_start3A_38 = arith.constant 0 : i32
      %dma_start3A_39 = tpu.memref_slice %dma_start3A_36[%dma_start3A_37, %dma_start3A_38] : memref<100000x16xf32, #tpu.memory_space<hbm>> -> memref<100000x16xf32, #tpu.memory_space<hbm>>
      tpu.enqueue_indirect_dma source(%dma_start3A_39 : memref<100000x16xf32, #tpu.memory_space<hbm>>) target(%arg10 : memref<1000x16xf32, #tpu.memory_space<vmem>>) offsets(%arg8 : memref<1000xi32, #tpu.memory_space<vmem>>) semaphore(%arg11 : memref<!tpu.dma_semaphore, #tpu.memory_space<semaphore_mem>>)
      %dma_wait3A = arith.constant 0 : i32
      %dma_wait3A_40 = arith.constant 0 : i32
      %dma_wait3A_41 = tpu.memref_slice %arg2[%arg0, %dma_wait3A, %dma_wait3A_40] : memref<3x100000x16xf32, #tpu.memory_space<hbm>> -> memref<1x100000x16xf32, #tpu.memory_space<hbm>>
      %dma_wait3A_42 = tpu.memref_squeeze %dma_wait3A_41 : memref<1x100000x16xf32, #tpu.memory_space<hbm>> -> memref<100000x16xf32, #tpu.memory_space<hbm>>
      %dma_wait3A_43 = arith.constant 0 : i32
      %dma_wait3A_44 = arith.constant 0 : i32
      %dma_wait3A_45 = tpu.memref_slice %dma_wait3A_42[%dma_wait3A_43, %dma_wait3A_44] : memref<100000x16xf32, #tpu.memory_space<hbm>> -> memref<100000x16xf32, #tpu.memory_space<hbm>>
      tpu.wait_indirect_dma semaphore(%arg11 : memref<!tpu.dma_semaphore, #tpu.memory_space<semaphore_mem>>) src(%dma_wait3A_45 : memref<100000x16xf32, #tpu.memory_space<hbm>>) dst(%arg10 : memref<1000x16xf32, #tpu.memory_space<vmem>>)
      %mul3A_46 = arith.constant 1000 : i32
      %mul3A_47 = arith.muli %add3A_31, %mul3A_46 : i32
      "tpu.region"() ({
        %run_scoped3A = tpu.sem_alloc : memref<!tpu.dma_semaphore, #tpu.memory_space<semaphore_mem>>
        %dma_start3A_48 = tpu.memref_slice %arg4[%mul3A_47] : memref<1600000xi32, #tpu.memory_space<hbm>> -> memref<1000xi32, #tpu.memory_space<hbm>>
        %dma_start3A_49 = tpu.memref_slice %arg4[%mul3A_47] : memref<1600000xi32, #tpu.memory_space<hbm>> -> memref<1000xi32, #tpu.memory_space<hbm>>
        tpu.enqueue_dma source(%dma_start3A_49 : memref<1000xi32, #tpu.memory_space<hbm>>) target(%arg9 : memref<1000xi32, #tpu.memory_space<vmem>>) target_semaphore(%run_scoped3A : memref<!tpu.dma_semaphore, #tpu.memory_space<semaphore_mem>>)
        %dma_wait3A_50 = tpu.memref_slice %arg4[%mul3A_47] : memref<1600000xi32, #tpu.memory_space<hbm>> -> memref<1000xi32, #tpu.memory_space<hbm>>
        %dma_wait3A_51 = tpu.memref_slice %arg4[%mul3A_47] : memref<1600000xi32, #tpu.memory_space<hbm>> -> memref<1000xi32, #tpu.memory_space<hbm>>
        tpu.wait_dma2 semaphore(%run_scoped3A : memref<!tpu.dma_semaphore, #tpu.memory_space<semaphore_mem>>) src(%dma_wait3A_51 : memref<1000xi32, #tpu.memory_space<hbm>>) dst(%arg9 : memref<1000xi32, #tpu.memory_space<vmem>>)
        tpu.yield
      }) : () -> ()
      "tpu.region"() ({
        %run_scoped3A = tpu.sem_alloc : memref<!tpu.dma_semaphore, #tpu.memory_space<semaphore_mem>>
        %dma_start3A_48 = arith.constant 0 : i32
        %dma_start3A_49 = arith.constant 0 : i32
        %dma_start3A_50 = tpu.memref_slice %arg7[%dma_start3A_48, %dma_start3A_49] : memref<100352x16xf32, #tpu.memory_space<vmem_shared>> -> memref<100352x16xf32, #tpu.memory_space<vmem_shared>>
        tpu.enqueue_indirect_dma source(%arg10 : memref<1000x16xf32, #tpu.memory_space<vmem>>) target(%dma_start3A_50 : memref<100352x16xf32, #tpu.memory_space<vmem_shared>>) offsets(%arg9 : memref<1000xi32, #tpu.memory_space<vmem>>) semaphore(%run_scoped3A : memref<!tpu.dma_semaphore, #tpu.memory_space<semaphore_mem>>) {add = true}
        %dma_wait3A_51 = arith.constant 0 : i32
        %dma_wait3A_52 = arith.constant 0 : i32
        %dma_wait3A_53 = tpu.memref_slice %arg7[%dma_wait3A_51, %dma_wait3A_52] : memref<100352x16xf32, #tpu.memory_space<vmem_shared>> -> memref<100352x16xf32, #tpu.memory_space<vmem_shared>>
        tpu.wait_indirect_dma semaphore(%run_scoped3A : memref<!tpu.dma_semaphore, #tpu.memory_space<semaphore_mem>>) src(%arg10 : memref<1000x16xf32, #tpu.memory_space<vmem>>) dst(%dma_wait3A_53 : memref<100352x16xf32, #tpu.memory_space<vmem_shared>>)
        tpu.yield
      }) : () -> ()
    }
    %scan3A_6 = arith.constant 100 : i32
    %barrier3A_7 = arith.constant 0 : index
    tpu.barrier barrier_id(%barrier3A_7)
    %mul3A_8 = arith.constant 6272 : i32
    %mul3A_9 = arith.muli %arg1, %mul3A_8 : i32
    %mul3A_10 = arith.constant 6272 : i32
    %mul3A_11 = arith.muli %arg1, %mul3A_10 : i32
    "tpu.region"() ({
      %run_scoped3A = tpu.sem_alloc : memref<!tpu.dma_semaphore, #tpu.memory_space<semaphore_mem>>
      %dma_start3A = arith.constant 0 : i32
      %dma_start3A_28 = arith.constant 0 : i32
      %dma_start3A_29 = tpu.memref_slice %arg6[%arg0, %dma_start3A, %dma_start3A_28] : memref<4x100352x16xf32, #tpu.memory_space<hbm>> -> memref<1x100352x16xf32, #tpu.memory_space<hbm>>
      %dma_start3A_30 = tpu.memref_squeeze %dma_start3A_29 : memref<1x100352x16xf32, #tpu.memory_space<hbm>> -> memref<100352x16xf32, #tpu.memory_space<hbm>>
      %dma_start3A_31 = arith.constant 0 : i32
      %dma_start3A_32 = tpu.memref_slice %dma_start3A_30[%mul3A_11, %dma_start3A_31] : memref<100352x16xf32, #tpu.memory_space<hbm>> -> memref<6272x16xf32, #tpu.memory_space<hbm>>
      %dma_start3A_33 = arith.constant 0 : i32
      %dma_start3A_34 = tpu.memref_slice %arg7[%mul3A_9, %dma_start3A_33] : memref<100352x16xf32, #tpu.memory_space<vmem_shared>> -> memref<6272x16xf32, #tpu.memory_space<vmem_shared>>
      tpu.enqueue_dma source(%dma_start3A_34 : memref<6272x16xf32, #tpu.memory_space<vmem_shared>>) target(%dma_start3A_32 : memref<6272x16xf32, #tpu.memory_space<hbm>>) target_semaphore(%run_scoped3A : memref<!tpu.dma_semaphore, #tpu.memory_space<semaphore_mem>>)
      %dma_wait3A = arith.constant 0 : i32
      %dma_wait3A_35 = arith.constant 0 : i32
      %dma_wait3A_36 = tpu.memref_slice %arg6[%arg0, %dma_wait3A, %dma_wait3A_35] : memref<4x100352x16xf32, #tpu.memory_space<hbm>> -> memref<1x100352x16xf32, #tpu.memory_space<hbm>>
      %dma_wait3A_37 = tpu.memref_squeeze %dma_wait3A_36 : memref<1x100352x16xf32, #tpu.memory_space<hbm>> -> memref<100352x16xf32, #tpu.memory_space<hbm>>
      %dma_wait3A_38 = arith.constant 0 : i32
      %dma_wait3A_39 = tpu.memref_slice %dma_wait3A_37[%mul3A_11, %dma_wait3A_38] : memref<100352x16xf32, #tpu.memory_space<hbm>> -> memref<6272x16xf32, #tpu.memory_space<hbm>>
      %dma_wait3A_40 = arith.constant 0 : i32
      %dma_wait3A_41 = tpu.memref_slice %arg7[%mul3A_9, %dma_wait3A_40] : memref<100352x16xf32, #tpu.memory_space<vmem_shared>> -> memref<6272x16xf32, #tpu.memory_space<vmem_shared>>
      tpu.wait_dma2 semaphore(%run_scoped3A : memref<!tpu.dma_semaphore, #tpu.memory_space<semaphore_mem>>) src(%dma_wait3A_41 : memref<6272x16xf32, #tpu.memory_space<vmem_shared>>) dst(%dma_wait3A_39 : memref<6272x16xf32, #tpu.memory_space<hbm>>)
      tpu.yield
    }) : () -> ()
    %mul3A_12 = arith.constant 6272 : i32
    %mul3A_13 = arith.muli %arg1, %mul3A_12 : i32
    %mul3A_14 = arith.constant 6272 : i32
    %mul3A_15 = arith.muli %arg1, %mul3A_14 : i32
    "tpu.region"() ({
      %run_scoped3A = tpu.sem_alloc : memref<!tpu.dma_semaphore, #tpu.memory_space<semaphore_mem>>
      %dma_start3A = arith.constant 0 : i32
      %dma_start3A_28 = tpu.memref_slice %arg7[%mul3A_15, %dma_start3A] : memref<100352x16xf32, #tpu.memory_space<vmem_shared>> -> memref<6272x16xf32, #tpu.memory_space<vmem_shared>>
      %dma_start3A_29 = arith.constant 0 : i32
      %dma_start3A_30 = tpu.memref_slice %arg5[%mul3A_13, %dma_start3A_29] : memref<100352x16xf32, #tpu.memory_space<hbm>> -> memref<6272x16xf32, #tpu.memory_space<hbm>>
      tpu.enqueue_dma source(%dma_start3A_30 : memref<6272x16xf32, #tpu.memory_space<hbm>>) target(%dma_start3A_28 : memref<6272x16xf32, #tpu.memory_space<vmem_shared>>) target_semaphore(%run_scoped3A : memref<!tpu.dma_semaphore, #tpu.memory_space<semaphore_mem>>)
      %dma_wait3A = arith.constant 0 : i32
      %dma_wait3A_31 = tpu.memref_slice %arg7[%mul3A_15, %dma_wait3A] : memref<100352x16xf32, #tpu.memory_space<vmem_shared>> -> memref<6272x16xf32, #tpu.memory_space<vmem_shared>>
      %dma_wait3A_32 = arith.constant 0 : i32
      %dma_wait3A_33 = tpu.memref_slice %arg5[%mul3A_13, %dma_wait3A_32] : memref<100352x16xf32, #tpu.memory_space<hbm>> -> memref<6272x16xf32, #tpu.memory_space<hbm>>
      tpu.wait_dma2 semaphore(%run_scoped3A : memref<!tpu.dma_semaphore, #tpu.memory_space<semaphore_mem>>) src(%dma_wait3A_33 : memref<6272x16xf32, #tpu.memory_space<hbm>>) dst(%dma_wait3A_31 : memref<6272x16xf32, #tpu.memory_space<vmem_shared>>)
      tpu.yield
    }) : () -> ()
    %barrier3A_16 = arith.constant 0 : index
    tpu.barrier barrier_id(%barrier3A_16)
    %scan3A_17 = arith.constant 0 : i32
    %scan3A_18 = arith.constant 50 : i32
    %scan3A_19 = arith.addi %scan3A_17, %scan3A_18 : i32
    %scan3A_20 = arith.constant 1 : i32
    scf.for %scan3A_28 = %scan3A_17 to %scan3A_19 step %scan3A_20  : i32 {
      %mul3A_29 = arith.constant 800 : i32
      %mul3A_30 = arith.muli %arg0, %mul3A_29 : i32
      %add3A_31 = arith.addi %mul3A_30, %arg1 : i32
      %mul3A_32 = arith.constant 16 : i32
      %mul3A_33 = arith.muli %scan3A_28, %mul3A_32 : i32
      %add3A_34 = arith.addi %add3A_31, %mul3A_33 : i32
      %mul3A_35 = arith.constant 1000 : i32
      %mul3A_36 = arith.muli %add3A_34, %mul3A_35 : i32
      "tpu.region"() ({
        %run_scoped3A = tpu.sem_alloc : memref<!tpu.dma_semaphore, #tpu.memory_space<semaphore_mem>>
        %dma_start3A_53 = tpu.memref_slice %arg3[%mul3A_36] : memref<1600000xi32, #tpu.memory_space<hbm>> -> memref<1000xi32, #tpu.memory_space<hbm>>
        %dma_start3A_54 = tpu.memref_slice %arg3[%mul3A_36] : memref<1600000xi32, #tpu.memory_space<hbm>> -> memref<1000xi32, #tpu.memory_space<hbm>>
        tpu.enqueue_dma source(%dma_start3A_54 : memref<1000xi32, #tpu.memory_space<hbm>>) target(%arg8 : memref<1000xi32, #tpu.memory_space<vmem>>) target_semaphore(%run_scoped3A : memref<!tpu.dma_semaphore, #tpu.memory_space<semaphore_mem>>)
        %dma_wait3A_55 = tpu.memref_slice %arg3[%mul3A_36] : memref<1600000xi32, #tpu.memory_space<hbm>> -> memref<1000xi32, #tpu.memory_space<hbm>>
        %dma_wait3A_56 = tpu.memref_slice %arg3[%mul3A_36] : memref<1600000xi32, #tpu.memory_space<hbm>> -> memref<1000xi32, #tpu.memory_space<hbm>>
        tpu.wait_dma2 semaphore(%run_scoped3A : memref<!tpu.dma_semaphore, #tpu.memory_space<semaphore_mem>>) src(%dma_wait3A_56 : memref<1000xi32, #tpu.memory_space<hbm>>) dst(%arg8 : memref<1000xi32, #tpu.memory_space<vmem>>)
        tpu.yield
      }) : () -> ()
      %dma_start3A = arith.constant 2 : i32
      %dma_start3A_37 = arith.constant 0 : i32
      %dma_start3A_38 = arith.constant 0 : i32
      %dma_start3A_39 = tpu.memref_slice %arg2[%dma_start3A, %dma_start3A_37, %dma_start3A_38] : memref<3x100000x16xf32, #tpu.memory_space<hbm>> -> memref<1x100000x16xf32, #tpu.memory_space<hbm>>
      %dma_start3A_40 = tpu.memref_squeeze %dma_start3A_39 : memref<1x100000x16xf32, #tpu.memory_space<hbm>> -> memref<100000x16xf32, #tpu.memory_space<hbm>>
      %dma_start3A_41 = arith.constant 0 : i32
      %dma_start3A_42 = arith.constant 0 : i32
      %dma_start3A_43 = tpu.memref_slice %dma_start3A_40[%dma_start3A_41, %dma_start3A_42] : memref<100000x16xf32, #tpu.memory_space<hbm>> -> memref<100000x16xf32, #tpu.memory_space<hbm>>
      tpu.enqueue_indirect_dma source(%dma_start3A_43 : memref<100000x16xf32, #tpu.memory_space<hbm>>) target(%arg10 : memref<1000x16xf32, #tpu.memory_space<vmem>>) offsets(%arg8 : memref<1000xi32, #tpu.memory_space<vmem>>) semaphore(%arg11 : memref<!tpu.dma_semaphore, #tpu.memory_space<semaphore_mem>>)
      %dma_wait3A = arith.constant 2 : i32
      %dma_wait3A_44 = arith.constant 0 : i32
      %dma_wait3A_45 = arith.constant 0 : i32
      %dma_wait3A_46 = tpu.memref_slice %arg2[%dma_wait3A, %dma_wait3A_44, %dma_wait3A_45] : memref<3x100000x16xf32, #tpu.memory_space<hbm>> -> memref<1x100000x16xf32, #tpu.memory_space<hbm>>
      %dma_wait3A_47 = tpu.memref_squeeze %dma_wait3A_46 : memref<1x100000x16xf32, #tpu.memory_space<hbm>> -> memref<100000x16xf32, #tpu.memory_space<hbm>>
      %dma_wait3A_48 = arith.constant 0 : i32
      %dma_wait3A_49 = arith.constant 0 : i32
      %dma_wait3A_50 = tpu.memref_slice %dma_wait3A_47[%dma_wait3A_48, %dma_wait3A_49] : memref<100000x16xf32, #tpu.memory_space<hbm>> -> memref<100000x16xf32, #tpu.memory_space<hbm>>
      tpu.wait_indirect_dma semaphore(%arg11 : memref<!tpu.dma_semaphore, #tpu.memory_space<semaphore_mem>>) src(%dma_wait3A_50 : memref<100000x16xf32, #tpu.memory_space<hbm>>) dst(%arg10 : memref<1000x16xf32, #tpu.memory_space<vmem>>)
      %mul3A_51 = arith.constant 1000 : i32
      %mul3A_52 = arith.muli %add3A_34, %mul3A_51 : i32
      "tpu.region"() ({
        %run_scoped3A = tpu.sem_alloc : memref<!tpu.dma_semaphore, #tpu.memory_space<semaphore_mem>>
        %dma_start3A_53 = tpu.memref_slice %arg4[%mul3A_52] : memref<1600000xi32, #tpu.memory_space<hbm>> -> memref<1000xi32, #tpu.memory_space<hbm>>
        %dma_start3A_54 = tpu.memref_slice %arg4[%mul3A_52] : memref<1600000xi32, #tpu.memory_space<hbm>> -> memref<1000xi32, #tpu.memory_space<hbm>>
        tpu.enqueue_dma source(%dma_start3A_54 : memref<1000xi32, #tpu.memory_space<hbm>>) target(%arg9 : memref<1000xi32, #tpu.memory_space<vmem>>) target_semaphore(%run_scoped3A : memref<!tpu.dma_semaphore, #tpu.memory_space<semaphore_mem>>)
        %dma_wait3A_55 = tpu.memref_slice %arg4[%mul3A_52] : memref<1600000xi32, #tpu.memory_space<hbm>> -> memref<1000xi32, #tpu.memory_space<hbm>>
        %dma_wait3A_56 = tpu.memref_slice %arg4[%mul3A_52] : memref<1600000xi32, #tpu.memory_space<hbm>> -> memref<1000xi32, #tpu.memory_space<hbm>>
        tpu.wait_dma2 semaphore(%run_scoped3A : memref<!tpu.dma_semaphore, #tpu.memory_space<semaphore_mem>>) src(%dma_wait3A_56 : memref<1000xi32, #tpu.memory_space<hbm>>) dst(%arg9 : memref<1000xi32, #tpu.memory_space<vmem>>)
        tpu.yield
      }) : () -> ()
      "tpu.region"() ({
        %run_scoped3A = tpu.sem_alloc : memref<!tpu.dma_semaphore, #tpu.memory_space<semaphore_mem>>
        %dma_start3A_53 = arith.constant 0 : i32
        %dma_start3A_54 = arith.constant 0 : i32
        %dma_start3A_55 = tpu.memref_slice %arg7[%dma_start3A_53, %dma_start3A_54] : memref<100352x16xf32, #tpu.memory_space<vmem_shared>> -> memref<100352x16xf32, #tpu.memory_space<vmem_shared>>
        tpu.enqueue_indirect_dma source(%arg10 : memref<1000x16xf32, #tpu.memory_space<vmem>>) target(%dma_start3A_55 : memref<100352x16xf32, #tpu.memory_space<vmem_shared>>) offsets(%arg9 : memref<1000xi32, #tpu.memory_space<vmem>>) semaphore(%run_scoped3A : memref<!tpu.dma_semaphore, #tpu.memory_space<semaphore_mem>>) {add = true}
        %dma_wait3A_56 = arith.constant 0 : i32
        %dma_wait3A_57 = arith.constant 0 : i32
        %dma_wait3A_58 = tpu.memref_slice %arg7[%dma_wait3A_56, %dma_wait3A_57] : memref<100352x16xf32, #tpu.memory_space<vmem_shared>> -> memref<100352x16xf32, #tpu.memory_space<vmem_shared>>
        tpu.wait_indirect_dma semaphore(%run_scoped3A : memref<!tpu.dma_semaphore, #tpu.memory_space<semaphore_mem>>) src(%arg10 : memref<1000x16xf32, #tpu.memory_space<vmem>>) dst(%dma_wait3A_58 : memref<100352x16xf32, #tpu.memory_space<vmem_shared>>)
        tpu.yield
      }) : () -> ()
    }
    %scan3A_21 = arith.constant 50 : i32
    %barrier3A_22 = arith.constant 0 : index
    tpu.barrier barrier_id(%barrier3A_22)
    %mul3A_23 = arith.constant 6272 : i32
    %mul3A_24 = arith.muli %arg1, %mul3A_23 : i32
    %add3A = arith.constant 2 : i32
    %add3A_25 = arith.addi %add3A, %arg0 : i32
    %mul3A_26 = arith.constant 6272 : i32
    %mul3A_27 = arith.muli %arg1, %mul3A_26 : i32
    "tpu.region"() ({
      %run_scoped3A = tpu.sem_alloc : memref<!tpu.dma_semaphore, #tpu.memory_space<semaphore_mem>>
      %dma_start3A = arith.constant 0 : i32
      %dma_start3A_28 = arith.constant 0 : i32
      %dma_start3A_29 = tpu.memref_slice %arg6[%add3A_25, %dma_start3A, %dma_start3A_28] : memref<4x100352x16xf32, #tpu.memory_space<hbm>> -> memref<1x100352x16xf32, #tpu.memory_space<hbm>>
      %dma_start3A_30 = tpu.memref_squeeze %dma_start3A_29 : memref<1x100352x16xf32, #tpu.memory_space<hbm>> -> memref<100352x16xf32, #tpu.memory_space<hbm>>
      %dma_start3A_31 = arith.constant 0 : i32
      %dma_start3A_32 = tpu.memref_slice %dma_start3A_30[%mul3A_27, %dma_start3A_31] : memref<100352x16xf32, #tpu.memory_space<hbm>> -> memref<6272x16xf32, #tpu.memory_space<hbm>>
      %dma_start3A_33 = arith.constant 0 : i32
      %dma_start3A_34 = tpu.memref_slice %arg7[%mul3A_24, %dma_start3A_33] : memref<100352x16xf32, #tpu.memory_space<vmem_shared>> -> memref<6272x16xf32, #tpu.memory_space<vmem_shared>>
      tpu.enqueue_dma source(%dma_start3A_34 : memref<6272x16xf32, #tpu.memory_space<vmem_shared>>) target(%dma_start3A_32 : memref<6272x16xf32, #tpu.memory_space<hbm>>) target_semaphore(%run_scoped3A : memref<!tpu.dma_semaphore, #tpu.memory_space<semaphore_mem>>)
      %dma_wait3A = arith.constant 0 : i32
      %dma_wait3A_35 = arith.constant 0 : i32
      %dma_wait3A_36 = tpu.memref_slice %arg6[%add3A_25, %dma_wait3A, %dma_wait3A_35] : memref<4x100352x16xf32, #tpu.memory_space<hbm>> -> memref<1x100352x16xf32, #tpu.memory_space<hbm>>
      %dma_wait3A_37 = tpu.memref_squeeze %dma_wait3A_36 : memref<1x100352x16xf32, #tpu.memory_space<hbm>> -> memref<100352x16xf32, #tpu.memory_space<hbm>>
      %dma_wait3A_38 = arith.constant 0 : i32
      %dma_wait3A_39 = tpu.memref_slice %dma_wait3A_37[%mul3A_27, %dma_wait3A_38] : memref<100352x16xf32, #tpu.memory_space<hbm>> -> memref<6272x16xf32, #tpu.memory_space<hbm>>
      %dma_wait3A_40 = arith.constant 0 : i32
      %dma_wait3A_41 = tpu.memref_slice %arg7[%mul3A_24, %dma_wait3A_40] : memref<100352x16xf32, #tpu.memory_space<vmem_shared>> -> memref<6272x16xf32, #tpu.memory_space<vmem_shared>>
      tpu.wait_dma2 semaphore(%run_scoped3A : memref<!tpu.dma_semaphore, #tpu.memory_space<semaphore_mem>>) src(%dma_wait3A_41 : memref<6272x16xf32, #tpu.memory_space<vmem_shared>>) dst(%dma_wait3A_39 : memref<6272x16xf32, #tpu.memory_space<hbm>>)
      tpu.yield
    }) : () -> ()
    return
  }
}

#map = affine_map<(d0, d1) -> (0, 0, 0)>
#map1 = affine_map<(d0, d1) -> (0)>
#map2 = affine_map<(d0, d1) -> (0, 0)>
module attributes {stable_mosaic.version = 14 : i64} {
  func.func @_gs_kernel(%arg0: i32, %arg1: i32, %arg2: memref<3x100000x16xf32, #tpu.memory_space<hbm>>, %arg3: memref<1600000xi32, #tpu.memory_space<hbm>>, %arg4: memref<1600000xi32, #tpu.memory_space<hbm>>, %arg5: memref<100352x16xf32, #tpu.memory_space<hbm>>, %arg6: memref<4x100352x16xf32, #tpu.memory_space<hbm>>, %arg7: memref<100352x16xf32, #tpu.memory_space<vmem_shared>>, %arg8: memref<1000xi32, #tpu.memory_space<vmem>>, %arg9: memref<1000xi32, #tpu.memory_space<vmem>>, %arg10: memref<1000x16xf32, #tpu.memory_space<vmem>>, %arg11: memref<!tpu.dma_semaphore, #tpu.memory_space<semaphore_mem>>) attributes {dimension_semantics = [#tpu.dimension_semantics<core_parallel>, #tpu.dimension_semantics<subcore_parallel>], iteration_bounds = array<i64: 2, 16>, scalar_prefetch = 0 : i64, scratch_operands = 5 : i64, tpu.core_type = #tpu.core_type<sc_vector_subcore>, window_params = [{transform_indices = #map}, {transform_indices = #map1}, {transform_indices = #map1}, {transform_indices = #map2}, {transform_indices = #map}]} {
    %mul3A = arith.constant 6272 : i32
    %mul3A_0 = arith.muli %arg1, %mul3A : i32
    %mul3A_1 = arith.constant 6272 : i32
    %mul3A_2 = arith.muli %arg1, %mul3A_1 : i32
    "tpu.region"() ({
      %run_scoped3A = tpu.sem_alloc : memref<!tpu.dma_semaphore, #tpu.memory_space<semaphore_mem>>
      %dma_start3A = arith.constant 0 : i32
      %dma_start3A_28 = tpu.memref_slice %arg7[%mul3A_2, %dma_start3A] : memref<100352x16xf32, #tpu.memory_space<vmem_shared>> -> memref<6272x16xf32, #tpu.memory_space<vmem_shared>>
      %dma_start3A_29 = arith.constant 0 : i32
      %dma_start3A_30 = tpu.memref_slice %arg5[%mul3A_0, %dma_start3A_29] : memref<100352x16xf32, #tpu.memory_space<hbm>> -> memref<6272x16xf32, #tpu.memory_space<hbm>>
      tpu.enqueue_dma source(%dma_start3A_30 : memref<6272x16xf32, #tpu.memory_space<hbm>>) target(%dma_start3A_28 : memref<6272x16xf32, #tpu.memory_space<vmem_shared>>) target_semaphore(%run_scoped3A : memref<!tpu.dma_semaphore, #tpu.memory_space<semaphore_mem>>)
      %dma_wait3A = arith.constant 0 : i32
      %dma_wait3A_31 = tpu.memref_slice %arg7[%mul3A_2, %dma_wait3A] : memref<100352x16xf32, #tpu.memory_space<vmem_shared>> -> memref<6272x16xf32, #tpu.memory_space<vmem_shared>>
      %dma_wait3A_32 = arith.constant 0 : i32
      %dma_wait3A_33 = tpu.memref_slice %arg5[%mul3A_0, %dma_wait3A_32] : memref<100352x16xf32, #tpu.memory_space<hbm>> -> memref<6272x16xf32, #tpu.memory_space<hbm>>
      tpu.wait_dma2 semaphore(%run_scoped3A : memref<!tpu.dma_semaphore, #tpu.memory_space<semaphore_mem>>) src(%dma_wait3A_33 : memref<6272x16xf32, #tpu.memory_space<hbm>>) dst(%dma_wait3A_31 : memref<6272x16xf32, #tpu.memory_space<vmem_shared>>)
      tpu.yield
    }) : () -> ()
    %barrier3A = arith.constant 0 : index
    tpu.barrier barrier_id(%barrier3A)
    %scan3A = arith.constant 0 : i32
    %scan3A_3 = arith.constant 100 : i32
    %scan3A_4 = arith.addi %scan3A, %scan3A_3 : i32
    %scan3A_5 = arith.constant 1 : i32
    scf.for %scan3A_28 = %scan3A to %scan3A_4 step %scan3A_5  : i32 {
      %mul3A_29 = arith.constant 16 : i32
      %mul3A_30 = arith.muli %scan3A_28, %mul3A_29 : i32
      %add3A_31 = arith.addi %arg1, %mul3A_30 : i32
      %mul3A_32 = arith.constant 1000 : i32
      %mul3A_33 = arith.muli %add3A_31, %mul3A_32 : i32
      "tpu.region"() ({
        %run_scoped3A = tpu.sem_alloc : memref<!tpu.dma_semaphore, #tpu.memory_space<semaphore_mem>>
        %dma_start3A_48 = tpu.memref_slice %arg3[%mul3A_33] : memref<1600000xi32, #tpu.memory_space<hbm>> -> memref<1000xi32, #tpu.memory_space<hbm>>
        %dma_start3A_49 = tpu.memref_slice %arg3[%mul3A_33] : memref<1600000xi32, #tpu.memory_space<hbm>> -> memref<1000xi32, #tpu.memory_space<hbm>>
        tpu.enqueue_dma source(%dma_start3A_49 : memref<1000xi32, #tpu.memory_space<hbm>>) target(%arg8 : memref<1000xi32, #tpu.memory_space<vmem>>) target_semaphore(%run_scoped3A : memref<!tpu.dma_semaphore, #tpu.memory_space<semaphore_mem>>)
        %dma_wait3A_50 = tpu.memref_slice %arg3[%mul3A_33] : memref<1600000xi32, #tpu.memory_space<hbm>> -> memref<1000xi32, #tpu.memory_space<hbm>>
        %dma_wait3A_51 = tpu.memref_slice %arg3[%mul3A_33] : memref<1600000xi32, #tpu.memory_space<hbm>> -> memref<1000xi32, #tpu.memory_space<hbm>>
        tpu.wait_dma2 semaphore(%run_scoped3A : memref<!tpu.dma_semaphore, #tpu.memory_space<semaphore_mem>>) src(%dma_wait3A_51 : memref<1000xi32, #tpu.memory_space<hbm>>) dst(%arg8 : memref<1000xi32, #tpu.memory_space<vmem>>)
        tpu.yield
      }) : () -> ()
      %dma_start3A = arith.constant 0 : i32
      %dma_start3A_34 = arith.constant 0 : i32
      %dma_start3A_35 = tpu.memref_slice %arg2[%arg0, %dma_start3A, %dma_start3A_34] : memref<3x100000x16xf32, #tpu.memory_space<hbm>> -> memref<1x100000x16xf32, #tpu.memory_space<hbm>>
      %dma_start3A_36 = tpu.memref_squeeze %dma_start3A_35 : memref<1x100000x16xf32, #tpu.memory_space<hbm>> -> memref<100000x16xf32, #tpu.memory_space<hbm>>
      %dma_start3A_37 = arith.constant 0 : i32
      %dma_start3A_38 = arith.constant 0 : i32
      %dma_start3A_39 = tpu.memref_slice %dma_start3A_36[%dma_start3A_37, %dma_start3A_38] : memref<100000x16xf32, #tpu.memory_space<hbm>> -> memref<100000x16xf32, #tpu.memory_space<hbm>>
      tpu.enqueue_indirect_dma source(%dma_start3A_39 : memref<100000x16xf32, #tpu.memory_space<hbm>>) target(%arg10 : memref<1000x16xf32, #tpu.memory_space<vmem>>) offsets(%arg8 : memref<1000xi32, #tpu.memory_space<vmem>>) semaphore(%arg11 : memref<!tpu.dma_semaphore, #tpu.memory_space<semaphore_mem>>)
      %dma_wait3A = arith.constant 0 : i32
      %dma_wait3A_40 = arith.constant 0 : i32
      %dma_wait3A_41 = tpu.memref_slice %arg2[%arg0, %dma_wait3A, %dma_wait3A_40] : memref<3x100000x16xf32, #tpu.memory_space<hbm>> -> memref<1x100000x16xf32, #tpu.memory_space<hbm>>
      %dma_wait3A_42 = tpu.memref_squeeze %dma_wait3A_41 : memref<1x100000x16xf32, #tpu.memory_space<hbm>> -> memref<100000x16xf32, #tpu.memory_space<hbm>>
      %dma_wait3A_43 = arith.constant 0 : i32
      %dma_wait3A_44 = arith.constant 0 : i32
      %dma_wait3A_45 = tpu.memref_slice %dma_wait3A_42[%dma_wait3A_43, %dma_wait3A_44] : memref<100000x16xf32, #tpu.memory_space<hbm>> -> memref<100000x16xf32, #tpu.memory_space<hbm>>
      tpu.wait_indirect_dma semaphore(%arg11 : memref<!tpu.dma_semaphore, #tpu.memory_space<semaphore_mem>>) src(%dma_wait3A_45 : memref<100000x16xf32, #tpu.memory_space<hbm>>) dst(%arg10 : memref<1000x16xf32, #tpu.memory_space<vmem>>)
      %mul3A_46 = arith.constant 1000 : i32
      %mul3A_47 = arith.muli %add3A_31, %mul3A_46 : i32
      "tpu.region"() ({
        %run_scoped3A = tpu.sem_alloc : memref<!tpu.dma_semaphore, #tpu.memory_space<semaphore_mem>>
        %dma_start3A_48 = tpu.memref_slice %arg4[%mul3A_47] : memref<1600000xi32, #tpu.memory_space<hbm>> -> memref<1000xi32, #tpu.memory_space<hbm>>
        %dma_start3A_49 = tpu.memref_slice %arg4[%mul3A_47] : memref<1600000xi32, #tpu.memory_space<hbm>> -> memref<1000xi32, #tpu.memory_space<hbm>>
        tpu.enqueue_dma source(%dma_start3A_49 : memref<1000xi32, #tpu.memory_space<hbm>>) target(%arg9 : memref<1000xi32, #tpu.memory_space<vmem>>) target_semaphore(%run_scoped3A : memref<!tpu.dma_semaphore, #tpu.memory_space<semaphore_mem>>)
        %dma_wait3A_50 = tpu.memref_slice %arg4[%mul3A_47] : memref<1600000xi32, #tpu.memory_space<hbm>> -> memref<1000xi32, #tpu.memory_space<hbm>>
        %dma_wait3A_51 = tpu.memref_slice %arg4[%mul3A_47] : memref<1600000xi32, #tpu.memory_space<hbm>> -> memref<1000xi32, #tpu.memory_space<hbm>>
        tpu.wait_dma2 semaphore(%run_scoped3A : memref<!tpu.dma_semaphore, #tpu.memory_space<semaphore_mem>>) src(%dma_wait3A_51 : memref<1000xi32, #tpu.memory_space<hbm>>) dst(%arg9 : memref<1000xi32, #tpu.memory_space<vmem>>)
        tpu.yield
      }) : () -> ()
      "tpu.region"() ({
        %run_scoped3A = tpu.sem_alloc : memref<!tpu.dma_semaphore, #tpu.memory_space<semaphore_mem>>
        %dma_start3A_48 = arith.constant 0 : i32
        %dma_start3A_49 = arith.constant 0 : i32
        %dma_start3A_50 = tpu.memref_slice %arg7[%dma_start3A_48, %dma_start3A_49] : memref<100352x16xf32, #tpu.memory_space<vmem_shared>> -> memref<100352x16xf32, #tpu.memory_space<vmem_shared>>
        tpu.enqueue_indirect_dma source(%arg10 : memref<1000x16xf32, #tpu.memory_space<vmem>>) target(%dma_start3A_50 : memref<100352x16xf32, #tpu.memory_space<vmem_shared>>) offsets(%arg9 : memref<1000xi32, #tpu.memory_space<vmem>>) semaphore(%run_scoped3A : memref<!tpu.dma_semaphore, #tpu.memory_space<semaphore_mem>>) {add = true}
        %dma_wait3A_51 = arith.constant 0 : i32
        %dma_wait3A_52 = arith.constant 0 : i32
        %dma_wait3A_53 = tpu.memref_slice %arg7[%dma_wait3A_51, %dma_wait3A_52] : memref<100352x16xf32, #tpu.memory_space<vmem_shared>> -> memref<100352x16xf32, #tpu.memory_space<vmem_shared>>
        tpu.wait_indirect_dma semaphore(%run_scoped3A : memref<!tpu.dma_semaphore, #tpu.memory_space<semaphore_mem>>) src(%arg10 : memref<1000x16xf32, #tpu.memory_space<vmem>>) dst(%dma_wait3A_53 : memref<100352x16xf32, #tpu.memory_space<vmem_shared>>)
        tpu.yield
      }) : () -> ()
    }
    %scan3A_6 = arith.constant 100 : i32
    %barrier3A_7 = arith.constant 0 : index
    tpu.barrier barrier_id(%barrier3A_7)
    %mul3A_8 = arith.constant 6272 : i32
    %mul3A_9 = arith.muli %arg1, %mul3A_8 : i32
    %mul3A_10 = arith.constant 6272 : i32
    %mul3A_11 = arith.muli %arg1, %mul3A_10 : i32
    "tpu.region"() ({
      %run_scoped3A = tpu.sem_alloc : memref<!tpu.dma_semaphore, #tpu.memory_space<semaphore_mem>>
      %dma_start3A = arith.constant 0 : i32
      %dma_start3A_28 = arith.constant 0 : i32
      %dma_start3A_29 = tpu.memref_slice %arg6[%arg0, %dma_start3A, %dma_start3A_28] : memref<4x100352x16xf32, #tpu.memory_space<hbm>> -> memref<1x100352x16xf32, #tpu.memory_space<hbm>>
      %dma_start3A_30 = tpu.memref_squeeze %dma_start3A_29 : memref<1x100352x16xf32, #tpu.memory_space<hbm>> -> memref<100352x16xf32, #tpu.memory_space<hbm>>
      %dma_start3A_31 = arith.constant 0 : i32
      %dma_start3A_32 = tpu.memref_slice %dma_start3A_30[%mul3A_11, %dma_start3A_31] : memref<100352x16xf32, #tpu.memory_space<hbm>> -> memref<6272x16xf32, #tpu.memory_space<hbm>>
      %dma_start3A_33 = arith.constant 0 : i32
      %dma_start3A_34 = tpu.memref_slice %arg7[%mul3A_9, %dma_start3A_33] : memref<100352x16xf32, #tpu.memory_space<vmem_shared>> -> memref<6272x16xf32, #tpu.memory_space<vmem_shared>>
      tpu.enqueue_dma source(%dma_start3A_34 : memref<6272x16xf32, #tpu.memory_space<vmem_shared>>) target(%dma_start3A_32 : memref<6272x16xf32, #tpu.memory_space<hbm>>) target_semaphore(%run_scoped3A : memref<!tpu.dma_semaphore, #tpu.memory_space<semaphore_mem>>)
      %dma_wait3A = arith.constant 0 : i32
      %dma_wait3A_35 = arith.constant 0 : i32
      %dma_wait3A_36 = tpu.memref_slice %arg6[%arg0, %dma_wait3A, %dma_wait3A_35] : memref<4x100352x16xf32, #tpu.memory_space<hbm>> -> memref<1x100352x16xf32, #tpu.memory_space<hbm>>
      %dma_wait3A_37 = tpu.memref_squeeze %dma_wait3A_36 : memref<1x100352x16xf32, #tpu.memory_space<hbm>> -> memref<100352x16xf32, #tpu.memory_space<hbm>>
      %dma_wait3A_38 = arith.constant 0 : i32
      %dma_wait3A_39 = tpu.memref_slice %dma_wait3A_37[%mul3A_11, %dma_wait3A_38] : memref<100352x16xf32, #tpu.memory_space<hbm>> -> memref<6272x16xf32, #tpu.memory_space<hbm>>
      %dma_wait3A_40 = arith.constant 0 : i32
      %dma_wait3A_41 = tpu.memref_slice %arg7[%mul3A_9, %dma_wait3A_40] : memref<100352x16xf32, #tpu.memory_space<vmem_shared>> -> memref<6272x16xf32, #tpu.memory_space<vmem_shared>>
      tpu.wait_dma2 semaphore(%run_scoped3A : memref<!tpu.dma_semaphore, #tpu.memory_space<semaphore_mem>>) src(%dma_wait3A_41 : memref<6272x16xf32, #tpu.memory_space<vmem_shared>>) dst(%dma_wait3A_39 : memref<6272x16xf32, #tpu.memory_space<hbm>>)
      tpu.yield
    }) : () -> ()
    %mul3A_12 = arith.constant 6272 : i32
    %mul3A_13 = arith.muli %arg1, %mul3A_12 : i32
    %mul3A_14 = arith.constant 6272 : i32
    %mul3A_15 = arith.muli %arg1, %mul3A_14 : i32
    "tpu.region"() ({
      %run_scoped3A = tpu.sem_alloc : memref<!tpu.dma_semaphore, #tpu.memory_space<semaphore_mem>>
      %dma_start3A = arith.constant 0 : i32
      %dma_start3A_28 = tpu.memref_slice %arg7[%mul3A_15, %dma_start3A] : memref<100352x16xf32, #tpu.memory_space<vmem_shared>> -> memref<6272x16xf32, #tpu.memory_space<vmem_shared>>
      %dma_start3A_29 = arith.constant 0 : i32
      %dma_start3A_30 = tpu.memref_slice %arg5[%mul3A_13, %dma_start3A_29] : memref<100352x16xf32, #tpu.memory_space<hbm>> -> memref<6272x16xf32, #tpu.memory_space<hbm>>
      tpu.enqueue_dma source(%dma_start3A_30 : memref<6272x16xf32, #tpu.memory_space<hbm>>) target(%dma_start3A_28 : memref<6272x16xf32, #tpu.memory_space<vmem_shared>>) target_semaphore(%run_scoped3A : memref<!tpu.dma_semaphore, #tpu.memory_space<semaphore_mem>>)
      %dma_wait3A = arith.constant 0 : i32
      %dma_wait3A_31 = tpu.memref_slice %arg7[%mul3A_15, %dma_wait3A] : memref<100352x16xf32, #tpu.memory_space<vmem_shared>> -> memref<6272x16xf32, #tpu.memory_space<vmem_shared>>
      %dma_wait3A_32 = arith.constant 0 : i32
      %dma_wait3A_33 = tpu.memref_slice %arg5[%mul3A_13, %dma_wait3A_32] : memref<100352x16xf32, #tpu.memory_space<hbm>> -> memref<6272x16xf32, #tpu.memory_space<hbm>>
      tpu.wait_dma2 semaphore(%run_scoped3A : memref<!tpu.dma_semaphore, #tpu.memory_space<semaphore_mem>>) src(%dma_wait3A_33 : memref<6272x16xf32, #tpu.memory_space<hbm>>) dst(%dma_wait3A_31 : memref<6272x16xf32, #tpu.memory_space<vmem_shared>>)
      tpu.yield
    }) : () -> ()
    %barrier3A_16 = arith.constant 0 : index
    tpu.barrier barrier_id(%barrier3A_16)
    %scan3A_17 = arith.constant 0 : i32
    %scan3A_18 = arith.constant 50 : i32
    %scan3A_19 = arith.addi %scan3A_17, %scan3A_18 : i32
    %scan3A_20 = arith.constant 1 : i32
    scf.for %scan3A_28 = %scan3A_17 to %scan3A_19 step %scan3A_20  : i32 {
      %mul3A_29 = arith.constant 800 : i32
      %mul3A_30 = arith.muli %arg0, %mul3A_29 : i32
      %add3A_31 = arith.addi %mul3A_30, %arg1 : i32
      %mul3A_32 = arith.constant 16 : i32
      %mul3A_33 = arith.muli %scan3A_28, %mul3A_32 : i32
      %add3A_34 = arith.addi %add3A_31, %mul3A_33 : i32
      %mul3A_35 = arith.constant 1000 : i32
      %mul3A_36 = arith.muli %add3A_34, %mul3A_35 : i32
      "tpu.region"() ({
        %run_scoped3A = tpu.sem_alloc : memref<!tpu.dma_semaphore, #tpu.memory_space<semaphore_mem>>
        %dma_start3A_53 = tpu.memref_slice %arg3[%mul3A_36] : memref<1600000xi32, #tpu.memory_space<hbm>> -> memref<1000xi32, #tpu.memory_space<hbm>>
        %dma_start3A_54 = tpu.memref_slice %arg3[%mul3A_36] : memref<1600000xi32, #tpu.memory_space<hbm>> -> memref<1000xi32, #tpu.memory_space<hbm>>
        tpu.enqueue_dma source(%dma_start3A_54 : memref<1000xi32, #tpu.memory_space<hbm>>) target(%arg8 : memref<1000xi32, #tpu.memory_space<vmem>>) target_semaphore(%run_scoped3A : memref<!tpu.dma_semaphore, #tpu.memory_space<semaphore_mem>>)
        %dma_wait3A_55 = tpu.memref_slice %arg3[%mul3A_36] : memref<1600000xi32, #tpu.memory_space<hbm>> -> memref<1000xi32, #tpu.memory_space<hbm>>
        %dma_wait3A_56 = tpu.memref_slice %arg3[%mul3A_36] : memref<1600000xi32, #tpu.memory_space<hbm>> -> memref<1000xi32, #tpu.memory_space<hbm>>
        tpu.wait_dma2 semaphore(%run_scoped3A : memref<!tpu.dma_semaphore, #tpu.memory_space<semaphore_mem>>) src(%dma_wait3A_56 : memref<1000xi32, #tpu.memory_space<hbm>>) dst(%arg8 : memref<1000xi32, #tpu.memory_space<vmem>>)
        tpu.yield
      }) : () -> ()
      %dma_start3A = arith.constant 2 : i32
      %dma_start3A_37 = arith.constant 0 : i32
      %dma_start3A_38 = arith.constant 0 : i32
      %dma_start3A_39 = tpu.memref_slice %arg2[%dma_start3A, %dma_start3A_37, %dma_start3A_38] : memref<3x100000x16xf32, #tpu.memory_space<hbm>> -> memref<1x100000x16xf32, #tpu.memory_space<hbm>>
      %dma_start3A_40 = tpu.memref_squeeze %dma_start3A_39 : memref<1x100000x16xf32, #tpu.memory_space<hbm>> -> memref<100000x16xf32, #tpu.memory_space<hbm>>
      %dma_start3A_41 = arith.constant 0 : i32
      %dma_start3A_42 = arith.constant 0 : i32
      %dma_start3A_43 = tpu.memref_slice %dma_start3A_40[%dma_start3A_41, %dma_start3A_42] : memref<100000x16xf32, #tpu.memory_space<hbm>> -> memref<100000x16xf32, #tpu.memory_space<hbm>>
      tpu.enqueue_indirect_dma source(%dma_start3A_43 : memref<100000x16xf32, #tpu.memory_space<hbm>>) target(%arg10 : memref<1000x16xf32, #tpu.memory_space<vmem>>) offsets(%arg8 : memref<1000xi32, #tpu.memory_space<vmem>>) semaphore(%arg11 : memref<!tpu.dma_semaphore, #tpu.memory_space<semaphore_mem>>)
      %dma_wait3A = arith.constant 2 : i32
      %dma_wait3A_44 = arith.constant 0 : i32
      %dma_wait3A_45 = arith.constant 0 : i32
      %dma_wait3A_46 = tpu.memref_slice %arg2[%dma_wait3A, %dma_wait3A_44, %dma_wait3A_45] : memref<3x100000x16xf32, #tpu.memory_space<hbm>> -> memref<1x100000x16xf32, #tpu.memory_space<hbm>>
      %dma_wait3A_47 = tpu.memref_squeeze %dma_wait3A_46 : memref<1x100000x16xf32, #tpu.memory_space<hbm>> -> memref<100000x16xf32, #tpu.memory_space<hbm>>
      %dma_wait3A_48 = arith.constant 0 : i32
      %dma_wait3A_49 = arith.constant 0 : i32
      %dma_wait3A_50 = tpu.memref_slice %dma_wait3A_47[%dma_wait3A_48, %dma_wait3A_49] : memref<100000x16xf32, #tpu.memory_space<hbm>> -> memref<100000x16xf32, #tpu.memory_space<hbm>>
      tpu.wait_indirect_dma semaphore(%arg11 : memref<!tpu.dma_semaphore, #tpu.memory_space<semaphore_mem>>) src(%dma_wait3A_50 : memref<100000x16xf32, #tpu.memory_space<hbm>>) dst(%arg10 : memref<1000x16xf32, #tpu.memory_space<vmem>>)
      %mul3A_51 = arith.constant 1000 : i32
      %mul3A_52 = arith.muli %add3A_34, %mul3A_51 : i32
      "tpu.region"() ({
        %run_scoped3A = tpu.sem_alloc : memref<!tpu.dma_semaphore, #tpu.memory_space<semaphore_mem>>
        %dma_start3A_53 = tpu.memref_slice %arg4[%mul3A_52] : memref<1600000xi32, #tpu.memory_space<hbm>> -> memref<1000xi32, #tpu.memory_space<hbm>>
        %dma_start3A_54 = tpu.memref_slice %arg4[%mul3A_52] : memref<1600000xi32, #tpu.memory_space<hbm>> -> memref<1000xi32, #tpu.memory_space<hbm>>
        tpu.enqueue_dma source(%dma_start3A_54 : memref<1000xi32, #tpu.memory_space<hbm>>) target(%arg9 : memref<1000xi32, #tpu.memory_space<vmem>>) target_semaphore(%run_scoped3A : memref<!tpu.dma_semaphore, #tpu.memory_space<semaphore_mem>>)
        %dma_wait3A_55 = tpu.memref_slice %arg4[%mul3A_52] : memref<1600000xi32, #tpu.memory_space<hbm>> -> memref<1000xi32, #tpu.memory_space<hbm>>
        %dma_wait3A_56 = tpu.memref_slice %arg4[%mul3A_52] : memref<1600000xi32, #tpu.memory_space<hbm>> -> memref<1000xi32, #tpu.memory_space<hbm>>
        tpu.wait_dma2 semaphore(%run_scoped3A : memref<!tpu.dma_semaphore, #tpu.memory_space<semaphore_mem>>) src(%dma_wait3A_56 : memref<1000xi32, #tpu.memory_space<hbm>>) dst(%arg9 : memref<1000xi32, #tpu.memory_space<vmem>>)
        tpu.yield
      }) : () -> ()
      "tpu.region"() ({
        %run_scoped3A = tpu.sem_alloc : memref<!tpu.dma_semaphore, #tpu.memory_space<semaphore_mem>>
        %dma_start3A_53 = arith.constant 0 : i32
        %dma_start3A_54 = arith.constant 0 : i32
        %dma_start3A_55 = tpu.memref_slice %arg7[%dma_start3A_53, %dma_start3A_54] : memref<100352x16xf32, #tpu.memory_space<vmem_shared>> -> memref<100352x16xf32, #tpu.memory_space<vmem_shared>>
        tpu.enqueue_indirect_dma source(%arg10 : memref<1000x16xf32, #tpu.memory_space<vmem>>) target(%dma_start3A_55 : memref<100352x16xf32, #tpu.memory_space<vmem_shared>>) offsets(%arg9 : memref<1000xi32, #tpu.memory_space<vmem>>) semaphore(%run_scoped3A : memref<!tpu.dma_semaphore, #tpu.memory_space<semaphore_mem>>) {add = true}
        %dma_wait3A_56 = arith.constant 0 : i32
        %dma_wait3A_57 = arith.constant 0 : i32
        %dma_wait3A_58 = tpu.memref_slice %arg7[%dma_wait3A_56, %dma_wait3A_57] : memref<100352x16xf32, #tpu.memory_space<vmem_shared>> -> memref<100352x16xf32, #tpu.memory_space<vmem_shared>>
        tpu.wait_indirect_dma semaphore(%run_scoped3A : memref<!tpu.dma_semaphore, #tpu.memory_space<semaphore_mem>>) src(%arg10 : memref<1000x16xf32, #tpu.memory_space<vmem>>) dst(%dma_wait3A_58 : memref<100352x16xf32, #tpu.memory_space<vmem_shared>>)
        tpu.yield
      }) : () -> ()
    }
    %scan3A_21 = arith.constant 50 : i32
    %barrier3A_22 = arith.constant 0 : index
    tpu.barrier barrier_id(%barrier3A_22)
    %mul3A_23 = arith.constant 6272 : i32
    %mul3A_24 = arith.muli %arg1, %mul3A_23 : i32
    %add3A = arith.constant 2 : i32
    %add3A_25 = arith.addi %add3A, %arg0 : i32
    %mul3A_26 = arith.constant 6272 : i32
    %mul3A_27 = arith.muli %arg1, %mul3A_26 : i32
    "tpu.region"() ({
      %run_scoped3A = tpu.sem_alloc : memref<!tpu.dma_semaphore, #tpu.memory_space<semaphore_mem>>
      %dma_start3A = arith.constant 0 : i32
      %dma_start3A_28 = arith.constant 0 : i32
      %dma_start3A_29 = tpu.memref_slice %arg6[%add3A_25, %dma_start3A, %dma_start3A_28] : memref<4x100352x16xf32, #tpu.memory_space<hbm>> -> memref<1x100352x16xf32, #tpu.memory_space<hbm>>
      %dma_start3A_30 = tpu.memref_squeeze %dma_start3A_29 : memref<1x100352x16xf32, #tpu.memory_space<hbm>> -> memref<100352x16xf32, #tpu.memory_space<hbm>>
      %dma_start3A_31 = arith.constant 0 : i32
      %dma_start3A_32 = tpu.memref_slice %dma_start3A_30[%mul3A_27, %dma_start3A_31] : memref<100352x16xf32, #tpu.memory_space<hbm>> -> memref<6272x16xf32, #tpu.memory_space<hbm>>
      %dma_start3A_33 = arith.constant 0 : i32
      %dma_start3A_34 = tpu.memref_slice %arg7[%mul3A_24, %dma_start3A_33] : memref<100352x16xf32, #tpu.memory_space<vmem_shared>> -> memref<6272x16xf32, #tpu.memory_space<vmem_shared>>
      tpu.enqueue_dma source(%dma_start3A_34 : memref<6272x16xf32, #tpu.memory_space<vmem_shared>>) target(%dma_start3A_32 : memref<6272x16xf32, #tpu.memory_space<hbm>>) target_semaphore(%run_scoped3A : memref<!tpu.dma_semaphore, #tpu.memory_space<semaphore_mem>>)
      %dma_wait3A = arith.constant 0 : i32
      %dma_wait3A_35 = arith.constant 0 : i32
      %dma_wait3A_36 = tpu.memref_slice %arg6[%add3A_25, %dma_wait3A, %dma_wait3A_35] : memref<4x100352x16xf32, #tpu.memory_space<hbm>> -> memref<1x100352x16xf32, #tpu.memory_space<hbm>>
      %dma_wait3A_37 = tpu.memref_squeeze %dma_wait3A_36 : memref<1x100352x16xf32, #tpu.memory_space<hbm>> -> memref<100352x16xf32, #tpu.memory_space<hbm>>
      %dma_wait3A_38 = arith.constant 0 : i32
      %dma_wait3A_39 = tpu.memref_slice %dma_wait3A_37[%mul3A_27, %dma_wait3A_38] : memref<100352x16xf32, #tpu.memory_space<hbm>> -> memref<6272x16xf32, #tpu.memory_space<hbm>>
      %dma_wait3A_40 = arith.constant 0 : i32
      %dma_wait3A_41 = tpu.memref_slice %arg7[%mul3A_24, %dma_wait3A_40] : memref<100352x16xf32, #tpu.memory_space<vmem_shared>> -> memref<6272x16xf32, #tpu.memory_space<vmem_shared>>
      tpu.wait_dma2 semaphore(%run_scoped3A : memref<!tpu.dma_semaphore, #tpu.memory_space<semaphore_mem>>) src(%dma_wait3A_41 : memref<6272x16xf32, #tpu.memory_space<vmem_shared>>) dst(%dma_wait3A_39 : memref<6272x16xf32, #tpu.memory_space<hbm>>)
      tpu.yield
    }) : () -> ()
    return
  }
}

module attributes {stable_mosaic.version = 14 : i64} {
  func.func @_enc_body(%arg0: i32, %arg1: memref<1000x16xf32, #tpu.memory_space<vmem>>, %arg2: memref<2x1000x16xf32, #tpu.memory_space<vmem>>, %arg3: memref<16x48xf32, #tpu.memory_space<vmem>>, %arg4: memref<1x48xf32, #tpu.memory_space<vmem>>, %arg5: memref<1000x48xf32, #tpu.memory_space<vmem>>, %arg6: memref<3x1000x16xf32, #tpu.memory_space<vmem>>, %arg7: memref<1000x16xf32, #tpu.memory_space<vmem>>) attributes {dimension_semantics = [#tpu.dimension_semantics<arbitrary>], iteration_bounds = array<i64: 100>, scalar_prefetch = 0 : i64, scratch_operands = 0 : i64, tpu.core_type = #tpu.core_type<tc>, window_params = [{transform_indices = @transform_0, window_bounds = array<i64: 1000, 16>}, {transform_indices = @transform_1, window_bounds = array<i64: 2, 1000, 16>}, {pipeline_mode = #tpu.pipeline_mode<synchronous>, transform_indices = @transform_2, window_bounds = array<i64: 16, 48>}, {pipeline_mode = #tpu.pipeline_mode<synchronous>, transform_indices = @transform_3, window_bounds = array<i64: 1, 48>}, {transform_indices = @transform_4, window_bounds = array<i64: 1000, 48>}, {transform_indices = @transform_5, window_bounds = array<i64: 3, 1000, 16>}, {transform_indices = @transform_6, window_bounds = array<i64: 1000, 16>}]} {
    %get3A = arith.constant 0 : index
    %get3A_0 = arith.constant 0 : index
    %get3A_1 = arith.constant 0 : index
    %get3A_2 = vector.load %arg2[%get3A, %get3A_0, %get3A_1] : memref<2x1000x16xf32, #tpu.memory_space<vmem>>, vector<1x1000x16xf32>
    %get3A_3 = vector.shape_cast %get3A_2 : vector<1x1000x16xf32> to vector<1000x16xf32>
    %get3A_4 = arith.constant 1 : index
    %get3A_5 = arith.constant 0 : index
    %get3A_6 = arith.constant 0 : index
    %get3A_7 = vector.load %arg2[%get3A_4, %get3A_5, %get3A_6] : memref<2x1000x16xf32, #tpu.memory_space<vmem>>, vector<1x1000x16xf32>
    %get3A_8 = vector.shape_cast %get3A_7 : vector<1x1000x16xf32> to vector<1000x16xf32>
    %add3A = arith.addf %get3A_3, %get3A_8 : vector<1000x16xf32>
    %max3A = arith.constant 1.000000e+00 : f32
    %max3A_9 = vector.broadcast %max3A : f32 to vector<1000x16xf32>
    %max3A_10 = arith.maximumf %add3A, %max3A_9 : vector<1000x16xf32>
    %rsqrt3A = math.rsqrt %max3A_10 : vector<1000x16xf32>
    %mul3A = arith.constant 5.000000e-01 : f32
    %mul3A_11 = vector.broadcast %mul3A : f32 to vector<1000x16xf32>
    %mul3A_12 = arith.mulf %mul3A_11, %max3A_10 : vector<1000x16xf32>
    %mul3A_13 = arith.mulf %mul3A_12, %rsqrt3A : vector<1000x16xf32>
    %mul3A_14 = arith.mulf %mul3A_13, %rsqrt3A : vector<1000x16xf32>
    %sub3A = arith.constant 1.500000e+00 : f32
    %sub3A_15 = vector.broadcast %sub3A : f32 to vector<1000x16xf32>
    %sub3A_16 = arith.subf %sub3A_15, %mul3A_14 : vector<1000x16xf32>
    %mul3A_17 = arith.mulf %rsqrt3A, %sub3A_16 : vector<1000x16xf32>
    %gt3A = arith.constant 0.000000e+00 : f32
    %gt3A_18 = vector.broadcast %gt3A : f32 to vector<1000x16xf32>
    %gt3A_19 = arith.cmpf ogt, %add3A, %gt3A_18 : vector<1000x16xf32>
    %jit3A = arith.constant 0.000000e+00 : f32
    %broadcast_in_dim3A = vector.broadcast %jit3A : f32 to vector<1000x16xf32>
    %select_n3A = arith.select %gt3A_19, %mul3A_17, %broadcast_in_dim3A : vector<1000x16xi1>, vector<1000x16xf32>
    %concatenate3A = tpu.concatenate %select_n3A, %select_n3A, %select_n3A in 1 : vector<1000x16xf32>, vector<1000x16xf32>, vector<1000x16xf32> -> vector<1000x48xf32>
    %get3A_20 = arith.constant 0 : index
    %get3A_21 = arith.constant 0 : index
    %get3A_22 = vector.load %arg1[%get3A_20, %get3A_21] : memref<1000x16xf32, #tpu.memory_space<vmem>>, vector<1000x16xf32>
    %get3A_23 = arith.constant 0 : index
    %get3A_24 = arith.constant 0 : index
    %get3A_25 = vector.load %arg3[%get3A_23, %get3A_24] : memref<16x48xf32, #tpu.memory_space<vmem>>, vector<16x48xf32>
    %convert_element_type3A = arith.truncf %get3A_22 : vector<1000x16xf32> to vector<1000x16xbf16>
    %convert_element_type3A_26 = arith.truncf %get3A_25 : vector<16x48xf32> to vector<16x48xbf16>
    %dot_general3A = arith.constant dense<0.000000e+00> : vector<1000x48xf32>
    %dot_general3A_27 = tpu.matmul %convert_element_type3A, %convert_element_type3A_26, %dot_general3A {dimension_numbers = #tpu.dot_dimension_numbers<[1], [0], [0], [1], [0, 0, 1, 1], [], []>, transpose_lhs_hint = false} : vector<1000x16xbf16>, vector<16x48xbf16>, vector<1000x48xf32> -> vector<1000x48xf32>
    %get3A_28 = arith.constant 0 : index
    %get3A_29 = arith.constant 0 : index
    %get3A_30 = vector.load %arg4[%get3A_28, %get3A_29] : memref<1x48xf32, #tpu.memory_space<vmem>>, vector<1x48xf32>
    %add3A_31 = vector.broadcast %get3A_30 : vector<1x48xf32> to vector<1000x48xf32>
    %add3A_32 = arith.addf %dot_general3A_27, %add3A_31 : vector<1000x48xf32>
    %swap3A = arith.constant 0 : index
    %swap3A_33 = arith.constant 0 : index
    %swap3A_34 = vector.load %arg5[%swap3A, %swap3A_33] : memref<1000x48xf32, #tpu.memory_space<vmem>>, vector<1000x48xf32>
    tpu.vector_store %arg5[%swap3A, %swap3A_33], %add3A_32 {strides = array<i32>} : memref<1000x48xf32, #tpu.memory_space<vmem>>, vector<1000x48xf32>,
    %swap3A_35 = arith.constant 0 : index
    %swap3A_36 = arith.constant 0 : index
    %swap3A_37 = vector.load %arg7[%swap3A_35, %swap3A_36] : memref<1000x16xf32, #tpu.memory_space<vmem>>, vector<1000x16xf32>
    tpu.vector_store %arg7[%swap3A_35, %swap3A_36], %select_n3A {strides = array<i32>} : memref<1000x16xf32, #tpu.memory_space<vmem>>, vector<1000x16xf32>,
    %mul3A_38 = arith.mulf %concatenate3A, %add3A_32 : vector<1000x48xf32>
    %slice3A = vector.extract_strided_slice %mul3A_38 {offsets = [0, 0], sizes = [1000, 16], strides = [1, 1]} : vector<1000x48xf32> to vector<1000x16xf32>
    %swap3A_39 = arith.constant 0 : index
    %swap3A_40 = arith.constant 0 : index
    %swap3A_41 = arith.constant 0 : index
    %swap3A_42 = vector.load %arg6[%swap3A_39, %swap3A_40, %swap3A_41] : memref<3x1000x16xf32, #tpu.memory_space<vmem>>, vector<1x1000x16xf32>
    %swap3A_43 = vector.shape_cast %swap3A_42 : vector<1x1000x16xf32> to vector<1000x16xf32>
    %swap3A_44 = vector.shape_cast %slice3A : vector<1000x16xf32> to vector<1x1000x16xf32>
    tpu.vector_store %arg6[%swap3A_39, %swap3A_40, %swap3A_41], %swap3A_44 {strides = array<i32>} : memref<3x1000x16xf32, #tpu.memory_space<vmem>>, vector<1x1000x16xf32>,
    %slice3A_45 = vector.extract_strided_slice %mul3A_38 {offsets = [0, 16], sizes = [1000, 16], strides = [1, 1]} : vector<1000x48xf32> to vector<1000x16xf32>
    %swap3A_46 = arith.constant 1 : index
    %swap3A_47 = arith.constant 0 : index
    %swap3A_48 = arith.constant 0 : index
    %swap3A_49 = vector.load %arg6[%swap3A_46, %swap3A_47, %swap3A_48] : memref<3x1000x16xf32, #tpu.memory_space<vmem>>, vector<1x1000x16xf32>
    %swap3A_50 = vector.shape_cast %swap3A_49 : vector<1x1000x16xf32> to vector<1000x16xf32>
    %swap3A_51 = vector.shape_cast %slice3A_45 : vector<1000x16xf32> to vector<1x1000x16xf32>
    tpu.vector_store %arg6[%swap3A_46, %swap3A_47, %swap3A_48], %swap3A_51 {strides = array<i32>} : memref<3x1000x16xf32, #tpu.memory_space<vmem>>, vector<1x1000x16xf32>,
    %slice3A_52 = vector.extract_strided_slice %mul3A_38 {offsets = [0, 32], sizes = [1000, 16], strides = [1, 1]} : vector<1000x48xf32> to vector<1000x16xf32>
    %swap3A_53 = arith.constant 2 : index
    %swap3A_54 = arith.constant 0 : index
    %swap3A_55 = arith.constant 0 : index
    %swap3A_56 = vector.load %arg6[%swap3A_53, %swap3A_54, %swap3A_55] : memref<3x1000x16xf32, #tpu.memory_space<vmem>>, vector<1x1000x16xf32>
    %swap3A_57 = vector.shape_cast %swap3A_56 : vector<1x1000x16xf32> to vector<1000x16xf32>
    %swap3A_58 = vector.shape_cast %slice3A_52 : vector<1000x16xf32> to vector<1x1000x16xf32>
    tpu.vector_store %arg6[%swap3A_53, %swap3A_54, %swap3A_55], %swap3A_58 {strides = array<i32>} : memref<3x1000x16xf32, #tpu.memory_space<vmem>>, vector<1x1000x16xf32>,
    return
  }
  func.func @transform_0(%arg0: i32) -> (i32, i32) {
    %c0_i32 = arith.constant 0 : i32
    %c0_i32_0 = arith.constant 0 : i32
    return %arg0, %c0_i32 : i32, i32
  }
  func.func @transform_1(%arg0: i32) -> (i32, i32, i32) {
    %c0_i32 = arith.constant 0 : i32
    %c0_i32_0 = arith.constant 0 : i32
    %c0_i32_1 = arith.constant 0 : i32
    return %c0_i32, %arg0, %c0_i32_0 : i32, i32, i32
  }
  func.func @transform_2(%arg0: i32) -> (i32, i32) {
    %c0_i32 = arith.constant 0 : i32
    %c0_i32_0 = arith.constant 0 : i32
    %c0_i32_1 = arith.constant 0 : i32
    return %c0_i32, %c0_i32_0 : i32, i32
  }
  func.func @transform_3(%arg0: i32) -> (i32, i32) {
    %c0_i32 = arith.constant 0 : i32
    %c0_i32_0 = arith.constant 0 : i32
    %c0_i32_1 = arith.constant 0 : i32
    return %c0_i32, %c0_i32_0 : i32, i32
  }
  func.func @transform_4(%arg0: i32) -> (i32, i32) {
    %c0_i32 = arith.constant 0 : i32
    %c0_i32_0 = arith.constant 0 : i32
    return %arg0, %c0_i32 : i32, i32
  }
  func.func @transform_5(%arg0: i32) -> (i32, i32, i32) {
    %c0_i32 = arith.constant 0 : i32
    %c0_i32_0 = arith.constant 0 : i32
    %c0_i32_1 = arith.constant 0 : i32
    return %c0_i32, %arg0, %c0_i32_0 : i32, i32, i32
  }
  func.func @transform_6(%arg0: i32) -> (i32, i32) {
    %c0_i32 = arith.constant 0 : i32
    %c0_i32_0 = arith.constant 0 : i32
    return %arg0, %c0_i32 : i32, i32
  }
}

module attributes {stable_mosaic.version = 14 : i64} {
  func.func @_layer_body(%arg0: i32, %arg1: memref<4x1000x16xf32, #tpu.memory_space<vmem>>, %arg2: memref<1000x48xf32, #tpu.memory_space<vmem>>, %arg3: memref<1000x16xf32, #tpu.memory_space<vmem>>, %arg4: memref<48x48xf32, #tpu.memory_space<vmem>>, %arg5: memref<1x48xf32, #tpu.memory_space<vmem>>, %arg6: memref<1x48xf32, #tpu.memory_space<vmem>>, %arg7: memref<1000x48xf32, #tpu.memory_space<vmem>>, %arg8: memref<3x1000x16xf32, #tpu.memory_space<vmem>>) attributes {dimension_semantics = [#tpu.dimension_semantics<arbitrary>], iteration_bounds = array<i64: 100>, scalar_prefetch = 0 : i64, scratch_operands = 0 : i64, tpu.core_type = #tpu.core_type<tc>, window_params = [{transform_indices = @transform_0, window_bounds = array<i64: 4, 1000, 16>}, {transform_indices = @transform_1, window_bounds = array<i64: 1000, 48>}, {transform_indices = @transform_2, window_bounds = array<i64: 1000, 16>}, {pipeline_mode = #tpu.pipeline_mode<synchronous>, transform_indices = @transform_3, window_bounds = array<i64: 48, 48>}, {pipeline_mode = #tpu.pipeline_mode<synchronous>, transform_indices = @transform_4, window_bounds = array<i64: 1, 48>}, {pipeline_mode = #tpu.pipeline_mode<synchronous>, transform_indices = @transform_5, window_bounds = array<i64: 1, 48>}, {transform_indices = @transform_6, window_bounds = array<i64: 1000, 48>}, {transform_indices = @transform_7, window_bounds = array<i64: 3, 1000, 16>}]} {
    %get3A = arith.constant 0 : index
    %get3A_0 = arith.constant 0 : index
    %get3A_1 = vector.load %arg3[%get3A, %get3A_0] : memref<1000x16xf32, #tpu.memory_space<vmem>>, vector<1000x16xf32>
    %concatenate3A = tpu.concatenate %get3A_1, %get3A_1, %get3A_1 in 1 : vector<1000x16xf32>, vector<1000x16xf32>, vector<1000x16xf32> -> vector<1000x48xf32>
    %get3A_2 = arith.constant 0 : index
    %get3A_3 = arith.constant 0 : index
    %get3A_4 = arith.constant 0 : index
    %get3A_5 = vector.load %arg1[%get3A_2, %get3A_3, %get3A_4] : memref<4x1000x16xf32, #tpu.memory_space<vmem>>, vector<1x1000x16xf32>
    %get3A_6 = vector.shape_cast %get3A_5 : vector<1x1000x16xf32> to vector<1000x16xf32>
    %get3A_7 = arith.constant 1 : index
    %get3A_8 = arith.constant 0 : index
    %get3A_9 = arith.constant 0 : index
    %get3A_10 = vector.load %arg1[%get3A_7, %get3A_8, %get3A_9] : memref<4x1000x16xf32, #tpu.memory_space<vmem>>, vector<1x1000x16xf32>
    %get3A_11 = vector.shape_cast %get3A_10 : vector<1x1000x16xf32> to vector<1000x16xf32>
    %get3A_12 = arith.constant 2 : index
    %get3A_13 = arith.constant 0 : index
    %get3A_14 = arith.constant 0 : index
    %get3A_15 = vector.load %arg1[%get3A_12, %get3A_13, %get3A_14] : memref<4x1000x16xf32, #tpu.memory_space<vmem>>, vector<1x1000x16xf32>
    %get3A_16 = vector.shape_cast %get3A_15 : vector<1x1000x16xf32> to vector<1000x16xf32>
    %get3A_17 = arith.constant 3 : index
    %get3A_18 = arith.constant 0 : index
    %get3A_19 = arith.constant 0 : index
    %get3A_20 = vector.load %arg1[%get3A_17, %get3A_18, %get3A_19] : memref<4x1000x16xf32, #tpu.memory_space<vmem>>, vector<1x1000x16xf32>
    %get3A_21 = vector.shape_cast %get3A_20 : vector<1x1000x16xf32> to vector<1000x16xf32>
    %add3A = arith.addf %get3A_16, %get3A_21 : vector<1000x16xf32>
    %concatenate3A_22 = tpu.concatenate %get3A_6, %get3A_11, %add3A in 1 : vector<1000x16xf32>, vector<1000x16xf32>, vector<1000x16xf32> -> vector<1000x48xf32>
    %mul3A = arith.mulf %concatenate3A, %concatenate3A_22 : vector<1000x48xf32>
    %get3A_23 = arith.constant 0 : index
    %get3A_24 = arith.constant 0 : index
    %get3A_25 = vector.load %arg2[%get3A_23, %get3A_24] : memref<1000x48xf32, #tpu.memory_space<vmem>>, vector<1000x48xf32>
    %add3A_26 = arith.addf %mul3A, %get3A_25 : vector<1000x48xf32>
    %get3A_27 = arith.constant 0 : index
    %get3A_28 = arith.constant 0 : index
    %get3A_29 = vector.load %arg4[%get3A_27, %get3A_28] : memref<48x48xf32, #tpu.memory_space<vmem>>, vector<48x48xf32>
    %convert_element_type3A = arith.truncf %add3A_26 : vector<1000x48xf32> to vector<1000x48xbf16>
    %convert_element_type3A_30 = arith.truncf %get3A_29 : vector<48x48xf32> to vector<48x48xbf16>
    %dot_general3A = arith.constant dense<0.000000e+00> : vector<1000x48xf32>
    %dot_general3A_31 = tpu.matmul %convert_element_type3A, %convert_element_type3A_30, %dot_general3A {dimension_numbers = #tpu.dot_dimension_numbers<[1], [0], [0], [1], [0, 0, 1, 1], [], []>, transpose_lhs_hint = false} : vector<1000x48xbf16>, vector<48x48xbf16>, vector<1000x48xf32> -> vector<1000x48xf32>
    %get3A_32 = arith.constant 0 : index
    %get3A_33 = arith.constant 0 : index
    %get3A_34 = vector.load %arg5[%get3A_32, %get3A_33] : memref<1x48xf32, #tpu.memory_space<vmem>>, vector<1x48xf32>
    %mul3A_35 = vector.broadcast %get3A_34 : vector<1x48xf32> to vector<1000x48xf32>
    %mul3A_36 = arith.mulf %dot_general3A_31, %mul3A_35 : vector<1000x48xf32>
    %get3A_37 = arith.constant 0 : index
    %get3A_38 = arith.constant 0 : index
    %get3A_39 = vector.load %arg6[%get3A_37, %get3A_38] : memref<1x48xf32, #tpu.memory_space<vmem>>, vector<1x48xf32>
    %add3A_40 = vector.broadcast %get3A_39 : vector<1x48xf32> to vector<1000x48xf32>
    %add3A_41 = arith.addf %mul3A_36, %add3A_40 : vector<1000x48xf32>
    %get3A_42 = arith.constant 0 : index
    %get3A_43 = arith.constant 0 : index
    %get3A_44 = vector.load %arg2[%get3A_42, %get3A_43] : memref<1000x48xf32, #tpu.memory_space<vmem>>, vector<1000x48xf32>
    %max3A = arith.constant 0.000000e+00 : f32
    %max3A_45 = vector.broadcast %max3A : f32 to vector<1000x48xf32>
    %max3A_46 = arith.maximumf %add3A_41, %max3A_45 : vector<1000x48xf32>
    %add3A_47 = arith.addf %get3A_44, %max3A_46 : vector<1000x48xf32>
    %swap3A = arith.constant 0 : index
    %swap3A_48 = arith.constant 0 : index
    %swap3A_49 = vector.load %arg7[%swap3A, %swap3A_48] : memref<1000x48xf32, #tpu.memory_space<vmem>>, vector<1000x48xf32>
    tpu.vector_store %arg7[%swap3A, %swap3A_48], %add3A_47 {strides = array<i32>} : memref<1000x48xf32, #tpu.memory_space<vmem>>, vector<1000x48xf32>,
    %mul3A_50 = arith.mulf %concatenate3A, %add3A_47 : vector<1000x48xf32>
    %slice3A = vector.extract_strided_slice %mul3A_50 {offsets = [0, 0], sizes = [1000, 16], strides = [1, 1]} : vector<1000x48xf32> to vector<1000x16xf32>
    %swap3A_51 = arith.constant 0 : index
    %swap3A_52 = arith.constant 0 : index
    %swap3A_53 = arith.constant 0 : index
    %swap3A_54 = vector.load %arg8[%swap3A_51, %swap3A_52, %swap3A_53] : memref<3x1000x16xf32, #tpu.memory_space<vmem>>, vector<1x1000x16xf32>
    %swap3A_55 = vector.shape_cast %swap3A_54 : vector<1x1000x16xf32> to vector<1000x16xf32>
    %swap3A_56 = vector.shape_cast %slice3A : vector<1000x16xf32> to vector<1x1000x16xf32>
    tpu.vector_store %arg8[%swap3A_51, %swap3A_52, %swap3A_53], %swap3A_56 {strides = array<i32>} : memref<3x1000x16xf32, #tpu.memory_space<vmem>>, vector<1x1000x16xf32>,
    %slice3A_57 = vector.extract_strided_slice %mul3A_50 {offsets = [0, 16], sizes = [1000, 16], strides = [1, 1]} : vector<1000x48xf32> to vector<1000x16xf32>
    %swap3A_58 = arith.constant 1 : index
    %swap3A_59 = arith.constant 0 : index
    %swap3A_60 = arith.constant 0 : index
    %swap3A_61 = vector.load %arg8[%swap3A_58, %swap3A_59, %swap3A_60] : memref<3x1000x16xf32, #tpu.memory_space<vmem>>, vector<1x1000x16xf32>
    %swap3A_62 = vector.shape_cast %swap3A_61 : vector<1x1000x16xf32> to vector<1000x16xf32>
    %swap3A_63 = vector.shape_cast %slice3A_57 : vector<1000x16xf32> to vector<1x1000x16xf32>
    tpu.vector_store %arg8[%swap3A_58, %swap3A_59, %swap3A_60], %swap3A_63 {strides = array<i32>} : memref<3x1000x16xf32, #tpu.memory_space<vmem>>, vector<1x1000x16xf32>,
    %slice3A_64 = vector.extract_strided_slice %mul3A_50 {offsets = [0, 32], sizes = [1000, 16], strides = [1, 1]} : vector<1000x48xf32> to vector<1000x16xf32>
    %swap3A_65 = arith.constant 2 : index
    %swap3A_66 = arith.constant 0 : index
    %swap3A_67 = arith.constant 0 : index
    %swap3A_68 = vector.load %arg8[%swap3A_65, %swap3A_66, %swap3A_67] : memref<3x1000x16xf32, #tpu.memory_space<vmem>>, vector<1x1000x16xf32>
    %swap3A_69 = vector.shape_cast %swap3A_68 : vector<1x1000x16xf32> to vector<1000x16xf32>
    %swap3A_70 = vector.shape_cast %slice3A_64 : vector<1000x16xf32> to vector<1x1000x16xf32>
    tpu.vector_store %arg8[%swap3A_65, %swap3A_66, %swap3A_67], %swap3A_70 {strides = array<i32>} : memref<3x1000x16xf32, #tpu.memory_space<vmem>>, vector<1x1000x16xf32>,
    return
  }
  func.func @transform_0(%arg0: i32) -> (i32, i32, i32) {
    %c0_i32 = arith.constant 0 : i32
    %c0_i32_0 = arith.constant 0 : i32
    %c0_i32_1 = arith.constant 0 : i32
    return %c0_i32, %arg0, %c0_i32_0 : i32, i32, i32
  }
  func.func @transform_1(%arg0: i32) -> (i32, i32) {
    %c0_i32 = arith.constant 0 : i32
    %c0_i32_0 = arith.constant 0 : i32
    return %arg0, %c0_i32 : i32, i32
  }
  func.func @transform_2(%arg0: i32) -> (i32, i32) {
    %c0_i32 = arith.constant 0 : i32
    %c0_i32_0 = arith.constant 0 : i32
    return %arg0, %c0_i32 : i32, i32
  }
  func.func @transform_3(%arg0: i32) -> (i32, i32) {
    %c0_i32 = arith.constant 0 : i32
    %c0_i32_0 = arith.constant 0 : i32
    %c0_i32_1 = arith.constant 0 : i32
    return %c0_i32, %c0_i32_0 : i32, i32
  }
  func.func @transform_4(%arg0: i32) -> (i32, i32) {
    %c0_i32 = arith.constant 0 : i32
    %c0_i32_0 = arith.constant 0 : i32
    %c0_i32_1 = arith.constant 0 : i32
    return %c0_i32, %c0_i32_0 : i32, i32
  }
  func.func @transform_5(%arg0: i32) -> (i32, i32) {
    %c0_i32 = arith.constant 0 : i32
    %c0_i32_0 = arith.constant 0 : i32
    %c0_i32_1 = arith.constant 0 : i32
    return %c0_i32, %c0_i32_0 : i32, i32
  }
  func.func @transform_6(%arg0: i32) -> (i32, i32) {
    %c0_i32 = arith.constant 0 : i32
    %c0_i32_0 = arith.constant 0 : i32
    return %arg0, %c0_i32 : i32, i32
  }
  func.func @transform_7(%arg0: i32) -> (i32, i32, i32) {
    %c0_i32 = arith.constant 0 : i32
    %c0_i32_0 = arith.constant 0 : i32
    %c0_i32_1 = arith.constant 0 : i32
    return %c0_i32, %arg0, %c0_i32_0 : i32, i32, i32
  }
}

module attributes {stable_mosaic.version = 14 : i64} {
  func.func @_layer3_pool_body(%arg0: i32, %arg1: memref<4x1000x16xf32, #tpu.memory_space<vmem>>, %arg2: memref<1000x48xf32, #tpu.memory_space<vmem>>, %arg3: memref<1000x16xf32, #tpu.memory_space<vmem>>, %arg4: memref<48x48xf32, #tpu.memory_space<vmem>>, %arg5: memref<1x48xf32, #tpu.memory_space<vmem>>, %arg6: memref<1x48xf32, #tpu.memory_space<vmem>>, %arg7: memref<1x1x1000xi32, #tpu.memory_space<vmem>>, %arg8: memref<48x48xf32, #tpu.memory_space<vmem>>, %arg9: memref<1x48xf32, #tpu.memory_space<vmem>>, %arg10: memref<1x48xf32, #tpu.memory_space<vmem>>, %arg11: memref<1x1xf32, #tpu.memory_space<vmem>>, %arg12: memref<64x1xf32, #tpu.memory_space<vmem>>, %arg13: memref<64x48xf32, #tpu.memory_space<vmem>>, %arg14: memref<64x48xf32, #tpu.memory_space<vmem>>) attributes {dimension_semantics = [#tpu.dimension_semantics<arbitrary>], iteration_bounds = array<i64: 100>, scalar_prefetch = 0 : i64, scratch_operands = 2 : i64, tpu.core_type = #tpu.core_type<tc>, window_params = [{transform_indices = @transform_0, window_bounds = array<i64: 4, 1000, 16>}, {transform_indices = @transform_1, window_bounds = array<i64: 1000, 48>}, {transform_indices = @transform_2, window_bounds = array<i64: 1000, 16>}, {pipeline_mode = #tpu.pipeline_mode<synchronous>, transform_indices = @transform_3, window_bounds = array<i64: 48, 48>}, {pipeline_mode = #tpu.pipeline_mode<synchronous>, transform_indices = @transform_4, window_bounds = array<i64: 1, 48>}, {pipeline_mode = #tpu.pipeline_mode<synchronous>, transform_indices = @transform_5, window_bounds = array<i64: 1, 48>}, {transform_indices = @transform_6, window_bounds = array<i64: 1, 1, 1000>}, {pipeline_mode = #tpu.pipeline_mode<synchronous>, transform_indices = @transform_7, window_bounds = array<i64: 48, 48>}, {pipeline_mode = #tpu.pipeline_mode<synchronous>, transform_indices = @transform_8, window_bounds = array<i64: 1, 48>}, {pipeline_mode = #tpu.pipeline_mode<synchronous>, transform_indices = @transform_9, window_bounds = array<i64: 1, 48>}, {pipeline_mode = #tpu.pipeline_mode<synchronous>, transform_indices = @transform_10, window_bounds = array<i64: 1, 1>}, {pipeline_mode = #tpu.pipeline_mode<synchronous>, transform_indices = @transform_11, window_bounds = array<i64: 64, 1>}]} {
    %get3A = arith.constant 0 : index
    %get3A_0 = arith.constant 0 : index
    %get3A_1 = vector.load %arg3[%get3A, %get3A_0] : memref<1000x16xf32, #tpu.memory_space<vmem>>, vector<1000x16xf32>
    %concatenate3A = tpu.concatenate %get3A_1, %get3A_1, %get3A_1 in 1 : vector<1000x16xf32>, vector<1000x16xf32>, vector<1000x16xf32> -> vector<1000x48xf32>
    %get3A_2 = arith.constant 0 : index
    %get3A_3 = arith.constant 0 : index
    %get3A_4 = arith.constant 0 : index
    %get3A_5 = vector.load %arg1[%get3A_2, %get3A_3, %get3A_4] : memref<4x1000x16xf32, #tpu.memory_space<vmem>>, vector<1x1000x16xf32>
    %get3A_6 = vector.shape_cast %get3A_5 : vector<1x1000x16xf32> to vector<1000x16xf32>
    %get3A_7 = arith.constant 1 : index
    %get3A_8 = arith.constant 0 : index
    %get3A_9 = arith.constant 0 : index
    %get3A_10 = vector.load %arg1[%get3A_7, %get3A_8, %get3A_9] : memref<4x1000x16xf32, #tpu.memory_space<vmem>>, vector<1x1000x16xf32>
    %get3A_11 = vector.shape_cast %get3A_10 : vector<1x1000x16xf32> to vector<1000x16xf32>
    %get3A_12 = arith.constant 2 : index
    %get3A_13 = arith.constant 0 : index
    %get3A_14 = arith.constant 0 : index
    %get3A_15 = vector.load %arg1[%get3A_12, %get3A_13, %get3A_14] : memref<4x1000x16xf32, #tpu.memory_space<vmem>>, vector<1x1000x16xf32>
    %get3A_16 = vector.shape_cast %get3A_15 : vector<1x1000x16xf32> to vector<1000x16xf32>
    %get3A_17 = arith.constant 3 : index
    %get3A_18 = arith.constant 0 : index
    %get3A_19 = arith.constant 0 : index
    %get3A_20 = vector.load %arg1[%get3A_17, %get3A_18, %get3A_19] : memref<4x1000x16xf32, #tpu.memory_space<vmem>>, vector<1x1000x16xf32>
    %get3A_21 = vector.shape_cast %get3A_20 : vector<1x1000x16xf32> to vector<1000x16xf32>
    %add3A = arith.addf %get3A_16, %get3A_21 : vector<1000x16xf32>
    %concatenate3A_22 = tpu.concatenate %get3A_6, %get3A_11, %add3A in 1 : vector<1000x16xf32>, vector<1000x16xf32>, vector<1000x16xf32> -> vector<1000x48xf32>
    %mul3A = arith.mulf %concatenate3A, %concatenate3A_22 : vector<1000x48xf32>
    %get3A_23 = arith.constant 0 : index
    %get3A_24 = arith.constant 0 : index
    %get3A_25 = vector.load %arg2[%get3A_23, %get3A_24] : memref<1000x48xf32, #tpu.memory_space<vmem>>, vector<1000x48xf32>
    %add3A_26 = arith.addf %mul3A, %get3A_25 : vector<1000x48xf32>
    %get3A_27 = arith.constant 0 : index
    %get3A_28 = arith.constant 0 : index
    %get3A_29 = vector.load %arg4[%get3A_27, %get3A_28] : memref<48x48xf32, #tpu.memory_space<vmem>>, vector<48x48xf32>
    %convert_element_type3A = arith.truncf %add3A_26 : vector<1000x48xf32> to vector<1000x48xbf16>
    %convert_element_type3A_30 = arith.truncf %get3A_29 : vector<48x48xf32> to vector<48x48xbf16>
    %dot_general3A = arith.constant dense<0.000000e+00> : vector<1000x48xf32>
    %dot_general3A_31 = tpu.matmul %convert_element_type3A, %convert_element_type3A_30, %dot_general3A {dimension_numbers = #tpu.dot_dimension_numbers<[1], [0], [0], [1], [0, 0, 1, 1], [], []>, transpose_lhs_hint = false} : vector<1000x48xbf16>, vector<48x48xbf16>, vector<1000x48xf32> -> vector<1000x48xf32>
    %get3A_32 = arith.constant 0 : index
    %get3A_33 = arith.constant 0 : index
    %get3A_34 = vector.load %arg5[%get3A_32, %get3A_33] : memref<1x48xf32, #tpu.memory_space<vmem>>, vector<1x48xf32>
    %mul3A_35 = vector.broadcast %get3A_34 : vector<1x48xf32> to vector<1000x48xf32>
    %mul3A_36 = arith.mulf %dot_general3A_31, %mul3A_35 : vector<1000x48xf32>
    %get3A_37 = arith.constant 0 : index
    %get3A_38 = arith.constant 0 : index
    %get3A_39 = vector.load %arg6[%get3A_37, %get3A_38] : memref<1x48xf32, #tpu.memory_space<vmem>>, vector<1x48xf32>
    %add3A_40 = vector.broadcast %get3A_39 : vector<1x48xf32> to vector<1000x48xf32>
    %add3A_41 = arith.addf %mul3A_36, %add3A_40 : vector<1000x48xf32>
    %get3A_42 = arith.constant 0 : index
    %get3A_43 = arith.constant 0 : index
    %get3A_44 = vector.load %arg2[%get3A_42, %get3A_43] : memref<1000x48xf32, #tpu.memory_space<vmem>>, vector<1000x48xf32>
    %max3A = arith.constant 0.000000e+00 : f32
    %max3A_45 = vector.broadcast %max3A : f32 to vector<1000x48xf32>
    %max3A_46 = arith.maximumf %add3A_41, %max3A_45 : vector<1000x48xf32>
    %add3A_47 = arith.addf %get3A_44, %max3A_46 : vector<1000x48xf32>
    %eq3A = arith.constant 0 : i32
    %eq3A_48 = arith.cmpi eq, %arg0, %eq3A : i32
    %convert_element_type3A_49 = arith.extui %eq3A_48 : i1 to i32
    %cond3A = arith.constant 0 : i32
    %cond3A_50 = arith.cmpi ne, %convert_element_type3A_49, %cond3A : i32
    scf.if %cond3A_50 {
      %broadcast_in_dim3A_83 = arith.constant 0.000000e+00 : f32
      %broadcast_in_dim3A_84 = vector.broadcast %broadcast_in_dim3A_83 : f32 to vector<64x48xf32>
      %swap3A_85 = arith.constant 0 : index
      %swap3A_86 = arith.constant 0 : index
      %swap3A_87 = vector.load %arg13[%swap3A_85, %swap3A_86] : memref<64x48xf32, #tpu.memory_space<vmem>>, vector<64x48xf32>
      tpu.vector_store %arg13[%swap3A_85, %swap3A_86], %broadcast_in_dim3A_84 {strides = array<i32>} : memref<64x48xf32, #tpu.memory_space<vmem>>, vector<64x48xf32>,
      %broadcast_in_dim3A_88 = arith.constant 0.000000e+00 : f32
      %broadcast_in_dim3A_89 = vector.broadcast %broadcast_in_dim3A_88 : f32 to vector<64x48xf32>
      %swap3A_90 = arith.constant 0 : index
      %swap3A_91 = arith.constant 0 : index
      %swap3A_92 = vector.load %arg14[%swap3A_90, %swap3A_91] : memref<64x48xf32, #tpu.memory_space<vmem>>, vector<64x48xf32>
      tpu.vector_store %arg14[%swap3A_90, %swap3A_91], %broadcast_in_dim3A_89 {strides = array<i32>} : memref<64x48xf32, #tpu.memory_space<vmem>>, vector<64x48xf32>,
    } else {
    }
    %get3A_51 = arith.constant 0 : index
    %get3A_52 = arith.constant 0 : index
    %get3A_53 = arith.constant 0 : index
    %get3A_54 = vector.load %arg7[%get3A_51, %get3A_52, %get3A_53] : memref<1x1x1000xi32, #tpu.memory_space<vmem>>, vector<1x1x1000xi32>
    %reshape3A = vector.shape_cast %get3A_54 : vector<1x1x1000xi32> to vector<1x1000xi32>
    %iota3A = tpu.iota {dimensions = array<i32: 0>} : vector<64x1000xi32>
    %eq3A_55 = vector.broadcast %reshape3A : vector<1x1000xi32> to vector<64x1000xi32>
    %eq3A_56 = arith.cmpi eq, %iota3A, %eq3A_55 : vector<64x1000xi32>
    %jit3A = arith.constant 1.000000e+00 : f32
    %jit3A_57 = arith.constant 0.000000e+00 : f32
    %broadcast_in_dim3A = vector.broadcast %jit3A : f32 to vector<64x1000xf32>
    %broadcast_in_dim3A_58 = vector.broadcast %jit3A_57 : f32 to vector<64x1000xf32>
    %select_n3A = arith.select %eq3A_56, %broadcast_in_dim3A, %broadcast_in_dim3A_58 : vector<64x1000xi1>, vector<64x1000xf32>
    %get3A_59 = arith.constant 0 : index
    %get3A_60 = arith.constant 0 : index
    %get3A_61 = vector.load %arg13[%get3A_59, %get3A_60] : memref<64x48xf32, #tpu.memory_space<vmem>>, vector<64x48xf32>
    %dot_general3A_62 = arith.constant dense<0.000000e+00> : vector<64x48xf32>
    %dot_general3A_63 = tpu.matmul %select_n3A, %add3A_47, %dot_general3A_62 {dimension_numbers = #tpu.dot_dimension_numbers<[1], [0], [0], [1], [0, 0, 1, 1], [], []>, precision = #tpu.contract_precision<fp32>, transpose_lhs_hint = false} : vector<64x1000xf32>, vector<1000x48xf32>, vector<64x48xf32> -> vector<64x48xf32>
    %add3A_64 = arith.addf %get3A_61, %dot_general3A_63 : vector<64x48xf32>
    %swap3A = arith.constant 0 : index
    %swap3A_65 = arith.constant 0 : index
    %swap3A_66 = vector.load %arg13[%swap3A, %swap3A_65] : memref<64x48xf32, #tpu.memory_space<vmem>>, vector<64x48xf32>
    tpu.vector_store %arg13[%swap3A, %swap3A_65], %add3A_64 {strides = array<i32>} : memref<64x48xf32, #tpu.memory_space<vmem>>, vector<64x48xf32>,
    %get3A_67 = arith.constant 0 : index
    %get3A_68 = arith.constant 0 : index
    %get3A_69 = vector.load %arg14[%get3A_67, %get3A_68] : memref<64x48xf32, #tpu.memory_space<vmem>>, vector<64x48xf32>
    %broadcast_in_dim3A_70 = arith.constant 1.000000e+00 : f32
    %broadcast_in_dim3A_71 = vector.broadcast %broadcast_in_dim3A_70 : f32 to vector<1000x48xf32>
    %dot_general3A_72 = arith.constant dense<0.000000e+00> : vector<64x48xf32>
    %dot_general3A_73 = tpu.matmul %select_n3A, %broadcast_in_dim3A_71, %dot_general3A_72 {dimension_numbers = #tpu.dot_dimension_numbers<[1], [0], [0], [1], [0, 0, 1, 1], [], []>, precision = #tpu.contract_precision<fp32>, transpose_lhs_hint = false} : vector<64x1000xf32>, vector<1000x48xf32>, vector<64x48xf32> -> vector<64x48xf32>
    %add3A_74 = arith.addf %get3A_69, %dot_general3A_73 : vector<64x48xf32>
    %swap3A_75 = arith.constant 0 : index
    %swap3A_76 = arith.constant 0 : index
    %swap3A_77 = vector.load %arg14[%swap3A_75, %swap3A_76] : memref<64x48xf32, #tpu.memory_space<vmem>>, vector<64x48xf32>
    tpu.vector_store %arg14[%swap3A_75, %swap3A_76], %add3A_74 {strides = array<i32>} : memref<64x48xf32, #tpu.memory_space<vmem>>, vector<64x48xf32>,
    %eq3A_78 = arith.constant 99 : i32
    %eq3A_79 = arith.cmpi eq, %arg0, %eq3A_78 : i32
    %convert_element_type3A_80 = arith.extui %eq3A_79 : i1 to i32
    %cond3A_81 = arith.constant 0 : i32
    %cond3A_82 = arith.cmpi ne, %convert_element_type3A_80, %cond3A_81 : i32
    scf.if %cond3A_82 {
      %get3A_83 = arith.constant 0 : index
      %get3A_84 = arith.constant 0 : index
      %get3A_85 = vector.load %arg13[%get3A_83, %get3A_84] : memref<64x48xf32, #tpu.memory_space<vmem>>, vector<64x48xf32>
      %get3A_86 = arith.constant 0 : index
      %get3A_87 = arith.constant 0 : index
      %get3A_88 = vector.load %arg14[%get3A_86, %get3A_87] : memref<64x48xf32, #tpu.memory_space<vmem>>, vector<64x48xf32>
      %max3A_89 = arith.constant 1.000000e+00 : f32
      %max3A_90 = vector.broadcast %max3A_89 : f32 to vector<64x48xf32>
      %max3A_91 = arith.maximumf %get3A_88, %max3A_90 : vector<64x48xf32>
      %div3A = arith.divf %get3A_85, %max3A_91 : vector<64x48xf32>
      %get3A_92 = arith.constant 0 : index
      %get3A_93 = arith.constant 0 : index
      %get3A_94 = vector.load %arg8[%get3A_92, %get3A_93] : memref<48x48xf32, #tpu.memory_space<vmem>>, vector<48x48xf32>
      %convert_element_type3A_95 = arith.truncf %div3A : vector<64x48xf32> to vector<64x48xbf16>
      %convert_element_type3A_96 = arith.truncf %get3A_94 : vector<48x48xf32> to vector<48x48xbf16>
      %dot_general3A_97 = arith.constant dense<0.000000e+00> : vector<64x48xf32>
      %dot_general3A_98 = tpu.matmul %convert_element_type3A_95, %convert_element_type3A_96, %dot_general3A_97 {dimension_numbers = #tpu.dot_dimension_numbers<[1], [0], [0], [1], [0, 0, 1, 1], [], []>, transpose_lhs_hint = false} : vector<64x48xbf16>, vector<48x48xbf16>, vector<64x48xf32> -> vector<64x48xf32>
      %get3A_99 = arith.constant 0 : index
      %get3A_100 = arith.constant 0 : index
      %get3A_101 = vector.load %arg9[%get3A_99, %get3A_100] : memref<1x48xf32, #tpu.memory_space<vmem>>, vector<1x48xf32>
      %add3A_102 = vector.broadcast %get3A_101 : vector<1x48xf32> to vector<64x48xf32>
      %add3A_103 = arith.addf %dot_general3A_98, %add3A_102 : vector<64x48xf32>
      %max3A_104 = arith.constant 0.000000e+00 : f32
      %max3A_105 = vector.broadcast %max3A_104 : f32 to vector<64x48xf32>
      %max3A_106 = arith.maximumf %add3A_103, %max3A_105 : vector<64x48xf32>
      %convert_element_type3A_107 = arith.truncf %max3A_106 : vector<64x48xf32> to vector<64x48xbf16>
      %convert_element_type3A_108 = arith.extf %convert_element_type3A_107 : vector<64x48xbf16> to vector<64x48xf32>
      %get3A_109 = arith.constant 0 : index
      %get3A_110 = arith.constant 0 : index
      %get3A_111 = vector.load %arg10[%get3A_109, %get3A_110] : memref<1x48xf32, #tpu.memory_space<vmem>>, vector<1x48xf32>
      %convert_element_type3A_112 = arith.truncf %get3A_111 : vector<1x48xf32> to vector<1x48xbf16>
      %convert_element_type3A_113 = arith.extf %convert_element_type3A_112 : vector<1x48xbf16> to vector<1x48xf32>
      %mul3A_114 = vector.broadcast %convert_element_type3A_113 : vector<1x48xf32> to vector<64x48xf32>
      %mul3A_115 = arith.mulf %convert_element_type3A_108, %mul3A_114 : vector<64x48xf32>
      %reduce_sum3A = arith.constant dense<0.000000e+00> : vector<64xf32>
      %reduce_sum3A_116 = vector.multi_reduction <add>, %mul3A_115, %reduce_sum3A [1] : vector<64x48xf32> to vector<64xf32>
      %broadcast_in_dim3A_117 = vector.shape_cast %reduce_sum3A_116 : vector<64xf32> to vector<64x1xf32>
      %get3A_118 = arith.constant 0 : index
      %get3A_119 = arith.constant 0 : index
      %get3A_120 = vector.load %arg11[%get3A_118, %get3A_119] : memref<1x1xf32, #tpu.memory_space<vmem>>, vector<1x1xf32>
      %add3A_121 = vector.broadcast %get3A_120 : vector<1x1xf32> to vector<64x1xf32>
      %add3A_122 = arith.addf %broadcast_in_dim3A_117, %add3A_121 : vector<64x1xf32>
      %swap3A_123 = arith.constant 0 : index
      %swap3A_124 = arith.constant 0 : index
      %swap3A_125 = vector.load %arg12[%swap3A_123, %swap3A_124] : memref<64x1xf32, #tpu.memory_space<vmem>>, vector<64x1xf32>
      tpu.vector_store %arg12[%swap3A_123, %swap3A_124], %add3A_122 {strides = array<i32>} : memref<64x1xf32, #tpu.memory_space<vmem>>, vector<64x1xf32>,
    } else {
    }
    return
  }
  func.func @transform_0(%arg0: i32) -> (i32, i32, i32) {
    %c0_i32 = arith.constant 0 : i32
    %c0_i32_0 = arith.constant 0 : i32
    %c0_i32_1 = arith.constant 0 : i32
    return %c0_i32, %arg0, %c0_i32_0 : i32, i32, i32
  }
  func.func @transform_1(%arg0: i32) -> (i32, i32) {
    %c0_i32 = arith.constant 0 : i32
    %c0_i32_0 = arith.constant 0 : i32
    return %arg0, %c0_i32 : i32, i32
  }
  func.func @transform_2(%arg0: i32) -> (i32, i32) {
    %c0_i32 = arith.constant 0 : i32
    %c0_i32_0 = arith.constant 0 : i32
    return %arg0, %c0_i32 : i32, i32
  }
  func.func @transform_3(%arg0: i32) -> (i32, i32) {
    %c0_i32 = arith.constant 0 : i32
    %c0_i32_0 = arith.constant 0 : i32
    %c0_i32_1 = arith.constant 0 : i32
    return %c0_i32, %c0_i32_0 : i32, i32
  }
  func.func @transform_4(%arg0: i32) -> (i32, i32) {
    %c0_i32 = arith.constant 0 : i32
    %c0_i32_0 = arith.constant 0 : i32
    %c0_i32_1 = arith.constant 0 : i32
    return %c0_i32, %c0_i32_0 : i32, i32
  }
  func.func @transform_5(%arg0: i32) -> (i32, i32) {
    %c0_i32 = arith.constant 0 : i32
    %c0_i32_0 = arith.constant 0 : i32
    %c0_i32_1 = arith.constant 0 : i32
    return %c0_i32, %c0_i32_0 : i32, i32
  }
  func.func @transform_6(%arg0: i32) -> (i32, i32, i32) {
    %c0_i32 = arith.constant 0 : i32
    %c0_i32_0 = arith.constant 0 : i32
    %c0_i32_1 = arith.constant 0 : i32
    return %arg0, %c0_i32, %c0_i32_0 : i32, i32, i32
  }
  func.func @transform_7(%arg0: i32) -> (i32, i32) {
    %c0_i32 = arith.constant 0 : i32
    %c0_i32_0 = arith.constant 0 : i32
    %c0_i32_1 = arith.constant 0 : i32
    return %c0_i32, %c0_i32_0 : i32, i32
  }
  func.func @transform_8(%arg0: i32) -> (i32, i32) {
    %c0_i32 = arith.constant 0 : i32
    %c0_i32_0 = arith.constant 0 : i32
    %c0_i32_1 = arith.constant 0 : i32
    return %c0_i32, %c0_i32_0 : i32, i32
  }
  func.func @transform_9(%arg0: i32) -> (i32, i32) {
    %c0_i32 = arith.constant 0 : i32
    %c0_i32_0 = arith.constant 0 : i32
    %c0_i32_1 = arith.constant 0 : i32
    return %c0_i32, %c0_i32_0 : i32, i32
  }
  func.func @transform_10(%arg0: i32) -> (i32, i32) {
    %c0_i32 = arith.constant 0 : i32
    %c0_i32_0 = arith.constant 0 : i32
    %c0_i32_1 = arith.constant 0 : i32
    return %c0_i32, %c0_i32_0 : i32, i32
  }
  func.func @transform_11(%arg0: i32) -> (i32, i32) {
    %c0_i32 = arith.constant 0 : i32
    %c0_i32_0 = arith.constant 0 : i32
    %c0_i32_1 = arith.constant 0 : i32
    return %c0_i32, %c0_i32_0 : i32, i32
  }
}

</mosaic_0001>

<sc_bundles>
// kernel: kernel.10.cloned.1.call-start
scs
__scs_entry_jumppad:
0x0: {  	(pc) =	sbr.rel $0x88, $3  }
0x1: {  	(tag) =	ssettag $0x0;
	lr =	simm.s32 $0x1  }
0x2: {  	[smem:$0x3F8E] =	sst lr;
	_ =	strace $0xD0000000  }
0x3: {  	_ = 	snop  }
0x4: {  	_ = 	snop  }
0x5: {  	_ = 	snop  }
0x6: {  	_ = 	snop  }
0x7: {  	_ = 	snop  }
__scs_overlays_trampoline_lowered:
0x8: {  	[smem:$0x3F9D] =	sst s0  }
0x9: {  	[smem:$0x3F9E] =	sst s1  }
0xa: {  	[smem:$0x3F9F] =	sst s2  }
0xb: {  	[smem:$0x3FA0] =	sst s3  }
0xc: {  	[smem:$0x3FA1] =	sst s4  }
0xd: {  	[smem:$0x3FA2] =	sst s5  }
0xe: {  	[smem:$0x3FA3] =	sst s6  }
0xf: {  	[smem:$0x3FA4] =	sst s7  }
0x10: {  	[smem:$0x3FA5] =	sst s8  }
0x11: {  	[smem:$0x3FA6] =	sst s9;
	s0 =	simm.s32 @!p0 $0x0  }
0x12: {  	s1 =	sld [smem:$0x3F8C];
	s0 =	simm.s32 @p0 $0x1  }
0x13: {  	[smem:$0x3FA7] =	sst s0;
	s0 =	simm.s32 @!p1 $0x0  }
0x14: {  	s2 =	sld [smem:$0x3F8B];
	s0 =	simm.s32 @p1 $0x1  }
0x15: {  	[smem:$0x3FA8] =	sst s0;
	s0 =	simm.s32 @!p2 $0x0  }
0x16: {  	s3 =	sld [smem:$0x3FDB];
	s0 =	simm.s32 @p2 $0x1  }
0x17: {  	s4 =	simm.s32 $0x1BF5;
	[smem:$0x3FAA] =	sst s0  }
0x18: {  	s0 =	sld [smem:$0x3F8D];
	_ =	swait.ge [sflag:s4], $0x0  }
0x19: {  	s7 =	sld [smem:$0x3F8E]  }
0x1a: {  	s8 =	sadd.s32 $0xFFFFE003, lr  }
0x1b: {  	s9 =	sadd.s32 $0xFFFFFEF7, lr;
	s5 =	simm.s32 $0xFFFFFFFF;
	p2 =	slt.u32 s8, $0xFFFFF086  }
0x1c: {  	p1 =	slt.u32 s9, $0xF7A;
	s5 =	simm.s32 @!p2 $0x0  }
0x1d: {  	s5 =	simm.s32 @p1 $0x1;
	p0 =	seq.s32 s7, s2  }
0x1e: {  	s7 =	smul.u32 @!p0 $0xF7A, s2;
	p2 =	seq.s32 @!p0 s5, $0x0  }
0x1f: {  	s9 =	smul.u32 $0xF7A, s1;
	s8 =	simm.s32 @!p0 $0x1BF5;
	p2 =	por !p2, p0  }
0x20: {  	[sflag:s8] =	ssyncset.s32 @!p0 $0xFFFFF086;
	s6 =	sadd.s32 @!p0 s3, s7;
	s7 =	simm.s32 @!p0 $0x108  }
0x21: {  	s3 =	sadd.s32 s3, s9;
	s6 =	sadd.s32 @!p0 $0x88, s6;
	s7 =	simm.s32 @p2 $0x1082  }
0x22: {  	[simem:s7], [sflag:s8] =	dma.local @!p0 [hbm:s6], $0xF7A  }
0x23: {  	s9 =	sor.u32 $0xD0000000, s2;
	s6 =	simm.s32 $0x108;
	_ =	swait.ge @!p0 [sflag:s8], $0x0  }
0x24: {  	s3 =	sadd.s32 $0x88, s3;
	s6 =	simm.s32 @!p1 $0x1082;
	[sflag:s4] =	ssyncset.s32 $0xFFFFF086  }
0x25: {  	[simem:s6], [sflag:s4] =	dma.local [hbm:s3], $0xF7A  }
0x26: {  	[smem:$0x3F8E] =	sst s1;
	(tag) =	ssettag s2;
	_ =	strace s9  }
0x27: {  	s1 =	sld [smem:$0x3F9E]  }
0x28: {  	s2 =	sld [smem:$0x3F9F]  }
0x29: {  	s4 =	sld [smem:$0x3FA1]  }
0x2a: {  	p0 =	seq.s32 s5, $0x0;
	s5 =	sld [smem:$0x3FA2]  }
0x2b: {  	s6 =	sld [smem:$0x3FA3]  }
0x2c: {  	s7 =	sld [smem:$0x3FA4]  }
0x2d: {  	s3 =	simm.s32 $0x108;
	s8 =	sld [smem:$0x3FA5]  }
0x2e: {  	s3 =	simm.s32 @!p0 $0x1082;
	s9 =	sld [smem:$0x3FA6]  }
0x2f: {  	lr =	sadd.s32 s0, s3;
	s0 =	sld [smem:$0x3F9D]  }
0x30: {  	s3 =	sld [smem:$0x3FA0]  }
0x31: {  	[smem:$0x3FA9] =	sst s10  }
0x32: {  	s10 =	sld [smem:$0x3FA7];
	_ =	sdelay $0x3  }
0x33: {  	p0 =	seq.s32 s10, $0x1;
	s10 =	sld [smem:$0x3FA9];
	_ =	sdelay $0x3  }
0x34: {  	[smem:$0x3FA9] =	sst s10  }
0x35: {  	s10 =	sld [smem:$0x3FA8];
	_ =	sdelay $0x3  }
0x36: {  	p1 =	seq.s32 s10, $0x1;
	s10 =	sld [smem:$0x3FA9];
	_ =	sdelay $0x3  }
0x37: {  	[smem:$0x3FA9] =	sst s10  }
0x38: {  	s10 =	sld [smem:$0x3FAA]  }
0x39: {  	_ = 	snop;
	(pc) =	sbr.ind lr, $3  }
0x3a: {  	_ = 	snop  }
0x3b: {  	_ = 	snop  }
0x3c: {  	p2 =	seq.s32 s10, $0x1;
	s10 =	sld [smem:$0x3FA9]  }
0x3d: {  	_ =	shalt  }
0x3e: {  	_ =	shalt  }
0x3f: {  	_ =	shalt  }
0x40: {  	_ =	shalt  }
0x41: {  	_ =	shalt  }
0x42: {  	_ =	shalt  }
0x43: {  	_ =	shalt  }
0x44: {  	_ =	shalt  }
0x45: {  	_ =	shalt  }
0x46: {  	_ =	shalt  }
0x47: {  	_ =	shalt  }
0x48: {  	_ =	shalt  }
0x49: {  	_ =	shalt  }
0x4a: {  	_ =	shalt  }
0x4b: {  	_ =	shalt  }
0x4c: {  	_ =	shalt  }
0x4d: {  	_ =	shalt  }
0x4e: {  	_ =	shalt  }
0x4f: {  	_ =	shalt  }
0x50: {  	_ =	shalt  }
0x51: {  	_ =	shalt  }
0x52: {  	_ =	shalt  }
0x53: {  	_ =	shalt  }
0x54: {  	_ =	shalt  }
0x55: {  	_ =	shalt  }
0x56: {  	_ =	shalt  }
0x57: {  	_ =	shalt  }
0x58: {  	_ =	shalt  }
0x59: {  	_ =	shalt  }
0x5a: {  	_ =	shalt  }
0x5b: {  	_ =	shalt  }
0x5c: {  	_ =	shalt  }
0x5d: {  	_ =	shalt  }
0x5e: {  	_ =	shalt  }
0x5f: {  	_ =	shalt  }
0x60: {  	_ =	shalt  }
0x61: {  	_ =	shalt  }
0x62: {  	_ =	shalt  }
0x63: {  	_ =	shalt  }
0x64: {  	_ =	shalt  }
0x65: {  	_ =	shalt  }
0x66: {  	_ =	shalt  }
0x67: {  	_ =	shalt  }
0x68: {  	_ =	shalt  }
0x69: {  	_ =	shalt  }
0x6a: {  	_ =	shalt  }
0x6b: {  	_ =	shalt  }
0x6c: {  	_ =	shalt  }
0x6d: {  	_ =	shalt  }
0x6e: {  	_ =	shalt  }
0x6f: {  	_ =	shalt  }
0x70: {  	_ =	shalt  }
0x71: {  	_ =	shalt  }
0x72: {  	_ =	shalt  }
0x73: {  	_ =	shalt  }
0x74: {  	_ =	shalt  }
0x75: {  	_ =	shalt  }
0x76: {  	_ =	shalt  }
0x77: {  	_ =	shalt  }
0x78: {  	_ =	shalt  }
0x79: {  	_ =	shalt  }
0x7a: {  	_ =	shalt  }
0x7b: {  	_ =	shalt  }
0x7c: {  	_ =	shalt  }
0x7d: {  	_ =	shalt  }
0x7e: {  	_ =	shalt  }
0x7f: {  	_ =	shalt  }
0x80: {  	_ =	shalt  }
0x81: {  	_ =	shalt  }
0x82: {  	_ =	shalt  }
0x83: {  	_ =	shalt  }
0x84: {  	_ =	shalt  }
0x85: {  	_ =	shalt  }
0x86: {  	_ =	shalt  }
0x87: {  	_ =	shalt  }
.Lfunc_end0:
.L_simem_size_0:
called_computation_lowered:
.L_overlay_start_0:
0x88: {  	s2 =	sld [smem:$0x3FD9]  }
0x89: {  	s3 =	sld [smem:$0x3FFE];
	_ =	sdelay $0x1  }
0x8a: {  	s1 =	srdreg.scid  }
0x8b: {  	s0 =	sand.u32 $0x1, s1  }
0x8c: {  	s16 =	sshll.u32 s0, $0xA;
	s2 =	sadd.s32 s3, s2  }
0x8d: {  	s2 =	sadd.s32 s2, s16  }
0x8e: {  	[smem:$0x3FB5] =	sst s2  }
0x8f: {  	_ = 	snop  }
0x90: {  	(tm) =	ssettm $0x1  }
0x91: {  	s17 =	sld [smem:$0x3FFB];
	_ =	sdelay $0x3  }
0x92: {  	_ =	strace s17  }
0x93: {  	s2 =	sld [smem:$0x3FFC];
	_ =	sdelay $0x3  }
0x94: {  	_ =	strace s2  }
0x95: {  	s2 =	sld [smem:$0x3FFD];
	_ =	sdelay $0x3  }
0x96: {  	_ =	strace s2  }
0x97: {  	_ =	strace $0x8FFFFFFF  }
0x98: {  	s18 =	sld [smem:$0x3FDB];
	_ =	sdelay $0x1  }
0x99: {  	s19 =	simm.s32 $_scs_section_size  }
0x9a: {  	s4 =	simm.s32 $_size__tile_overlayer_lowered;
	s5 =	simm.s32 $_tile_overlayer_lowered  }
0x9b: {  	s22 =	simm.s32 $0x1BFF;
	s21 =	sshll.u32 s5, $0x1;
	s2 =	sadd.s32 s19, s18  }
0x9c: {  	s6 =	simm.s32 $0x0;
	s20 =	sshll.u32 s4, $0x1;
	s4 =	sadd.s32 s21, s2  }
0x9d: {  	[timem:s6], [sflag:s22] =	dma.local [hbm:s4], s20  }
0x9e: {  	_ =	swait.ge [sflag:s22], s20  }
0x9f: {  	s3 =	ssub.s32 $0x0, s20;
	[sflag:s22] =	ssyncset.done $0x0  }
0xa0: {  	[sflag:s22] =	ssyncadd.s32 s3;
	_ =	sdelay $0x1  }
0xa1: {  	s23 =	simm.s32 $0x1B8B  }
0xa2: {  	_ =	swait.ge [sflag:s23], $0x1  }
0xa3: {  	[sflag:s23] =	ssyncset.done $0x0  }
0xa4: {  	s25 =	simm.s32 $0x1B8E;
	s24 =	sld [smem:$0x3FFE];
	[sflag:s23] =	ssyncadd.s32 $0xFFFFFFFF  }
0xa5: {  	s26 =	simm.s32 $execute0_lowered;
	[smem:$0x3FD2] =	sst s25  }
0xa6: {  	s4 =	sshll.u32 s26, $0x1;
	_ =	strace $0x80000046;
	[dreg:$0x1] =	wrdreg $0xFFFFFFFF  }
0xa7: {  	s28 =	simm.s32 $_size_execute0_lowered;
	s2 =	sadd.s32 s2, s4;
	[dreg:$0x0] =	wrdreg $0x0  }
0xa8: {  	s4 =	sshll.u32 s28, $0x1;
	[dreg:$0x2] =	wrdreg s2  }
0xa9: {  	[dreg:$0x3] =	wrdreg s4  }
0xaa: {  	[dreg:$0x4] =	wrdreg $0xC0  }
0xab: {  	_ =	task [dreg:s6], $0x5FFFF  }
0xac: {  	[dreg:$0x1] =	wrdreg $0xFFFFFFFF  }
0xad: {  	[dreg:$0x0] =	wrdreg $0x60  }
0xae: {  	[dreg:$0x2] =	wrdreg s24  }
0xaf: {  	[dreg:$0x3] =	wrdreg $0x0  }
0xb0: {  	[dreg:$0x4] =	wrdreg $0x9  }
0xb1: {  	_ =	task.clear_ibuf [dreg:s6], $0x5FFFF;
	_ =	strace $0x90000046  }
0xb2: {  	s29 =	simm.s32 $0x9;
	_ =	strace $0x80000048  }
0xb3: {  	_ =	swait.ge [sflag:s29], $0x1  }
0xb4: {  	[sflag:s29] =	ssyncadd.s32 $0xFFFFFFFF  }
0xb5: {  	_ =	strace $0x90000048  }
0xb6: {  	_ =	sfence  }
0xb7: {  	s30 =	sld [smem:$0x0];
	_ =	sdelay $0x2  }
0xb8: {  	s31 =	sshll.u32 s1, $0xD;
	s1 =	sshrl.u32 s1, $0x2  }
0xb9: {  	s3 =	sand.u32 $0x4000, s31;
	s1 =	sadd.s32 s1, s30  }
0xba: {  	s0 =	sor.u32 s3, s0;
	s1 =	sshll.u32 s1, $0x11  }
0xbb: {  	s0 =	sor.u32 s1, s0  }
0xbc: {  	s0 =	sadd.s32 $0x8F2B, s0  }
0xbd: {  	[sflag:s0] =	ssyncadd.remote.s32 $0x1  }
0xbe: {  	_ =	sfence.sel $0xFFFF  }
0xbf: {  	[dreg:$0x0] =	wrdreg $0xFFFFFFFF;
	(pc) =	sbr.abs _section_cstart, $3  }
0xc0: {  	[dreg:$0x1] =	wrdreg $0xFFFFFFFF  }
0xc1: {  	_ =	task.clear_ibuf [dreg:s6], $0x2FFFF;
	_ =	strace $0x9FFFFFFF  }
0xc2: {  	(tm) =	ssettm $0x7FFFFFFF  }
0xc3: {  	_ =	shalt  }
tec
execute0_lowered:
.L_overlay_start_1:
0x0: {  	(tag) =	ssettag $0x1  }
0x1: {  	s5 =	rddreg [dreg:$0x0];
	s2 =	srdreg.scid  }
0x2: {  	s1 =	rddreg [dreg:$0x1];
	s4 =	sand.u32 $0x1, s2  }
0x3: {  	s3 =	simm.s32 $0x0;
	s2 =	stileid.u32;
	s6 =	smul.u32 $0x7D0, s4  }
0x4: {  	[smem:$0x7FF] =	sst s3;
	s7 =	smul.u32 $0x18800, s2  }
0x5: {  	s0 =	rddreg [dreg:$0x2];
	_ =	strace $0x80000047;
	s29 =	smul.u32 $0x31000, s4  }
0x6: {  	s9 =	ssub.s32 $0x2, s4;
	s4 =	sadd.s32 $0x96400, s5;
	s30 =	smul.u32 $0x7D, s2  }
0x7: {  	s31 =	sshll.u32 s2, $0x6;
	s11 =	sshrl.u32 s9, $0x1;
	s8 =	sadd.s32 s6, s5  }
0x8: {  	s14 =	sshrl.u32 s7, $0x3;
	s12 =	sadd.s32 s29, s5;
	s9 =	ssub.s32 s9, s11  }
0x9: {  	s13 =	sadd.s32 s7, s1;
	s6 =	sor.u32 $0x1C01, s31;
	s11 =	simm.s32 $0x18BE8  }
0xa: {  	s10 =	sadd.s32 s14, s5;
	s15 =	sadd.s32 $0x96C00, s12;
	s8 =	sadd.s32 s30, s8  }
0xb: {  	s7 =	smax.u32 s9, $0x1;
	s9 =	sshrl.u32 s13, $0x3;
	s12 =	simm.s32 $0x18800  }
0xc: {  	s13 =	simm.s32 $0x3E8;
	s5 =	sadd.s32 $0x65400, s10;
	s8 =	sadd.s32 $0x34600, s8  }
0xd: {  	s10 =	simm.s32 $0x1;
	s14 =	sadd.s32 s14, s15;
	s15 =	simm.s32 $0x0  }
.LBB2_1:
0xe: {  	[spmem:s9], [sflag:s6] =	dma.local [hbm:s5], $0x3100  }
0xf: {  	_ =	swait.ge [sflag:s10], $0x3100  }
0x10: {  	[sflag:s10] =	ssyncset.done $0x0  }
0x11: {  	[sflag:s10] =	ssyncadd.s32 $0xFFFFCF00  }
0x12: {  	[tilespmem:s11], [sflag:$0x1] =	stream.linear.gather [hbm4b:s4+s3], $0x3E80, $0x38;
	[tilespmem:$0x1CA68] =	vst v63  }
0x13: {  	_ =	swait.ge [sflag:s10], $0x3E80  }
0x14: {  	[sflag:s10] =	ssyncset.done $0x0  }
0x15: {  	[sflag:s10] =	ssyncadd.s32 $0xFFFFC180  }
0x16: {  	s16 =	sadd.s32 $0x0, s8;
	[bflag:$0x0] =	sbarrier.arrive $0xFFFF  }
0x17: {  	[tilespmem:s12], [sflag:$0x1] =	stream.linear.gather [hbm4b:s16+s3], $0x3E8, $0x38;
	[tilespmem:$0x1CA68] =	vst v63  }
0x18: {  	_ =	swait.ge [sflag:s10], $0x3E8  }
0x19: {  	[sflag:s10] =	ssyncset.done $0x0  }
0x1a: {  	[sflag:s10] =	ssyncadd.s32 $0xFFFFFC18  }
0x1b: {  	[spmem:s1] =	stream.indirect.scatter.add.f32 [tilespmem:s11], [sflag:$0x1], $0x10, s12, s13, $0xb8;
	[tilespmem:$0x1CA68] =	vst v63  }
0x1c: {  	_ =	swait.ge [sflag:s10], $0x3E80  }
0x1d: {  	s17 =	simm.s32 $0x1F40;
	s16 =	simm.s32 $0xFA0;
	[sflag:s10] =	ssyncset.done $0x0  }
.LBB2_2:
0x1e: {  	s18 =	sadd.s32 s16, s8  }
0x1f: {  	[sflag:s10] =	ssyncadd.s32 $0xFFFFC180;
	s16 =	smov.u32 s17;
	s19 =	sadd.s32 $0xFA0, s17  }
0x20: {  	[tilespmem:s12], [sflag:$0x1] =	stream.linear.gather [hbm4b:s18+s3], $0x3E8, $0x38;
	[tilespmem:$0x1CA68] =	vst v63  }
0x21: {  	p0 =	sne.s32 s17, $0x2FDA0;
	_ =	swait.ge [sflag:s10], $0x3E8  }
.Ltmp0:
0x22: {  	[sflag:s10] =	ssyncset.done $0x0;
	(pc) =	sbr.rel @p0 .LBB2_2-.Ltmp0, $4  }
0x23: {  	[sflag:s10] =	ssyncadd.s32 $0xFFFFFC18  }
0x24: {  	[spmem:s1] =	stream.indirect.scatter.add.f32 [tilespmem:s11], [sflag:$0x1], $0x10, s12, s13, $0xb8;
	[tilespmem:$0x1CA68] =	vst v63  }
0x25: {  	_ =	swait.ge [sflag:s10], $0x3E80  }
0x26: {  	s17 =	smov.u32 s19;
	[sflag:s10] =	ssyncset.done $0x0  }
0x27: {  	s16 =	sadd.s32 s16, s8;
	[sflag:s10] =	ssyncadd.s32 $0xFFFFC180  }
0x28: {  	[tilespmem:s12], [sflag:$0x1] =	stream.linear.gather [hbm4b:s16+s3], $0x3E8, $0x38;
	[tilespmem:$0x1CA68] =	vst v63  }
0x29: {  	_ =	swait.ge [sflag:s10], $0x3E8  }
0x2a: {  	[sflag:s10] =	ssyncset.done $0x0  }
0x2b: {  	[sflag:s10] =	ssyncadd.s32 $0xFFFFFC18  }
0x2c: {  	[spmem:s1] =	stream.indirect.scatter.add.f32 [tilespmem:s11], [sflag:$0x1], $0x10, s12, s13, $0xb8;
	[tilespmem:$0x1CA68] =	vst v63  }
0x2d: {  	_ =	swait.ge [sflag:s10], $0x3E80  }
0x2e: {  	s15 =	sadd.s32 $0x1, s15;
	[sflag:s10] =	ssyncset.done $0x0  }
0x2f: {  	p0 =	sne.s32 s15, s7;
	[sflag:s10] =	ssyncadd.s32 $0xFFFFC180  }
.Ltmp1:
0x30: {  	[bflag:$0x0] =	sbarrier.arrive $0xFFFF;
	(pc) =	sbr.rel @p0 .LBB2_1-.Ltmp1, $4  }
0x31: {  	[hbm:s14], [sflag:s6] =	dma.local [spmem:s9], $0x3100  }
0x32: {  	_ =	swait.ge [sflag:s10], $0x3100  }
0x33: {  	[sflag:s10] =	ssyncset.done $0x0  }
0x34: {  	[sflag:s10] =	ssyncadd.s32 $0xFFFFCF00  }
0x35: {  	_ =	sfence.sel $0x180000  }
0x36: {  	[bflag:$0x0] =	sbarrier.arrive $0xFFFF  }
0x37: {  	p0 =	sne.s32 s2, $0x0;
	_ =	strace $0x90000047  }
0x38: {  	s0 =	sadd.s32 @!p0 $0x100000, s0;
	[bflag:$0x2] =	sbarrier.arrive $0xFFFF  }
0x39: {  	[sflag:s0] =	ssyncadd.tile.s32 @!p0 $0x1;
	_ =	shalt  }
.Lfunc_end2:
_tile_overlayer_lowered:
.L_overlay_start_2:
0x3a: {  	(tag) =	ssettag $0x2  }
0x3b: {  	s0 =	rddreg [dreg:$0x0];
	s2 =	stileid.u32  }
0x3c: {  	s1 =	rddreg [dreg:$0x1];
	p0 =	sne.s32 s2, $0x0  }
0x3d: {  	s3 =	rddreg [dreg:$0x2];
	[bflag:$0x3] =	sbarrier.arrive $0xFFFF;
	s2 =	simm.s32 @!p0 $0x1C01  }
0x3e: {  	[timem:s3], [sflag:s2] =	dma.local @!p0 [hbm:s0], s1  }
0x3f: {  	s0 =	simm.s32 @!p0 $0x1  }
0x40: {  	_ =	swait.ge @!p0 [sflag:s0], s1  }
0x41: {  	s1 =	ssub.s32 @!p0 $0x0, s1;
	[sflag:s0] =	ssyncset.done @!p0 $0x0  }
0x42: {  	[sflag:s0] =	ssyncadd.s32 @!p0 s1  }
0x43: {  	[bflag:$0x3] =	sbarrier.arrive $0xFFFF  }
0x44: {  	_ =	shalt  }

// kernel: kernel.13.cloned.1.call-start
scs
__scs_entry_jumppad:
0x0: {  	(pc) =	sbr.rel $0x88, $3  }
0x1: {  	(tag) =	ssettag $0x0;
	lr =	simm.s32 $0x1  }
0x2: {  	[smem:$0x3F8E] =	sst lr;
	_ =	strace $0xD0000000  }
0x3: {  	_ = 	snop  }
0x4: {  	_ = 	snop  }
0x5: {  	_ = 	snop  }
0x6: {  	_ = 	snop  }
0x7: {  	_ = 	snop  }
__scs_overlays_trampoline_lowered:
0x8: {  	[smem:$0x3F9D] =	sst s0  }
0x9: {  	[smem:$0x3F9E] =	sst s1  }
0xa: {  	[smem:$0x3F9F] =	sst s2  }
0xb: {  	[smem:$0x3FA0] =	sst s3  }
0xc: {  	[smem:$0x3FA1] =	sst s4  }
0xd: {  	[smem:$0x3FA2] =	sst s5  }
0xe: {  	[smem:$0x3FA3] =	sst s6  }
0xf: {  	[smem:$0x3FA4] =	sst s7  }
0x10: {  	[smem:$0x3FA5] =	sst s8  }
0x11: {  	[smem:$0x3FA6] =	sst s9;
	s0 =	simm.s32 @!p0 $0x0  }
0x12: {  	s1 =	sld [smem:$0x3F8C];
	s0 =	simm.s32 @p0 $0x1  }
0x13: {  	[smem:$0x3FA7] =	sst s0;
	s0 =	simm.s32 @!p1 $0x0  }
0x14: {  	s2 =	sld [smem:$0x3F8B];
	s0 =	simm.s32 @p1 $0x1  }
0x15: {  	[smem:$0x3FA8] =	sst s0;
	s0 =	simm.s32 @!p2 $0x0  }
0x16: {  	s3 =	sld [smem:$0x3FDB];
	s0 =	simm.s32 @p2 $0x1  }
0x17: {  	s4 =	simm.s32 $0x1BF5;
	[smem:$0x3FAA] =	sst s0  }
0x18: {  	s0 =	sld [smem:$0x3F8D];
	_ =	swait.ge [sflag:s4], $0x0  }
0x19: {  	s7 =	sld [smem:$0x3F8E]  }
0x1a: {  	s8 =	sadd.s32 $0xFFFFE003, lr  }
0x1b: {  	s9 =	sadd.s32 $0xFFFFFEF7, lr;
	s5 =	simm.s32 $0xFFFFFFFF;
	p2 =	slt.u32 s8, $0xFFFFF086  }
0x1c: {  	p1 =	slt.u32 s9, $0xF7A;
	s5 =	simm.s32 @!p2 $0x0  }
0x1d: {  	s5 =	simm.s32 @p1 $0x1;
	p0 =	seq.s32 s7, s2  }
0x1e: {  	s7 =	smul.u32 @!p0 $0xF7A, s2;
	p2 =	seq.s32 @!p0 s5, $0x0  }
0x1f: {  	s9 =	smul.u32 $0xF7A, s1;
	s8 =	simm.s32 @!p0 $0x1BF5;
	p2 =	por !p2, p0  }
0x20: {  	[sflag:s8] =	ssyncset.s32 @!p0 $0xFFFFF086;
	s6 =	sadd.s32 @!p0 s3, s7;
	s7 =	simm.s32 @!p0 $0x108  }
0x21: {  	s3 =	sadd.s32 s3, s9;
	s6 =	sadd.s32 @!p0 $0x88, s6;
	s7 =	simm.s32 @p2 $0x1082  }
0x22: {  	[simem:s7], [sflag:s8] =	dma.local @!p0 [hbm:s6], $0xF7A  }
0x23: {  	s9 =	sor.u32 $0xD0000000, s2;
	s6 =	simm.s32 $0x108;
	_ =	swait.ge @!p0 [sflag:s8], $0x0  }
0x24: {  	s3 =	sadd.s32 $0x88, s3;
	s6 =	simm.s32 @!p1 $0x1082;
	[sflag:s4] =	ssyncset.s32 $0xFFFFF086  }
0x25: {  	[simem:s6], [sflag:s4] =	dma.local [hbm:s3], $0xF7A  }
0x26: {  	[smem:$0x3F8E] =	sst s1;
	(tag) =	ssettag s2;
	_ =	strace s9  }
0x27: {  	s1 =	sld [smem:$0x3F9E]  }
0x28: {  	s2 =	sld [smem:$0x3F9F]  }
0x29: {  	s4 =	sld [smem:$0x3FA1]  }
0x2a: {  	p0 =	seq.s32 s5, $0x0;
	s5 =	sld [smem:$0x3FA2]  }
0x2b: {  	s6 =	sld [smem:$0x3FA3]  }
0x2c: {  	s7 =	sld [smem:$0x3FA4]  }
0x2d: {  	s3 =	simm.s32 $0x108;
	s8 =	sld [smem:$0x3FA5]  }
0x2e: {  	s3 =	simm.s32 @!p0 $0x1082;
	s9 =	sld [smem:$0x3FA6]  }
0x2f: {  	lr =	sadd.s32 s0, s3;
	s0 =	sld [smem:$0x3F9D]  }
0x30: {  	s3 =	sld [smem:$0x3FA0]  }
0x31: {  	[smem:$0x3FA9] =	sst s10  }
0x32: {  	s10 =	sld [smem:$0x3FA7];
	_ =	sdelay $0x3  }
0x33: {  	p0 =	seq.s32 s10, $0x1;
	s10 =	sld [smem:$0x3FA9];
	_ =	sdelay $0x3  }
0x34: {  	[smem:$0x3FA9] =	sst s10  }
0x35: {  	s10 =	sld [smem:$0x3FA8];
	_ =	sdelay $0x3  }
0x36: {  	p1 =	seq.s32 s10, $0x1;
	s10 =	sld [smem:$0x3FA9];
	_ =	sdelay $0x3  }
0x37: {  	[smem:$0x3FA9] =	sst s10  }
0x38: {  	s10 =	sld [smem:$0x3FAA]  }
0x39: {  	_ = 	snop;
	(pc) =	sbr.ind lr, $3  }
0x3a: {  	_ = 	snop  }
0x3b: {  	_ = 	snop  }
0x3c: {  	p2 =	seq.s32 s10, $0x1;
	s10 =	sld [smem:$0x3FA9]  }
0x3d: {  	_ =	shalt  }
0x3e: {  	_ =	shalt  }
0x3f: {  	_ =	shalt  }
0x40: {  	_ =	shalt  }
0x41: {  	_ =	shalt  }
0x42: {  	_ =	shalt  }
0x43: {  	_ =	shalt  }
0x44: {  	_ =	shalt  }
0x45: {  	_ =	shalt  }
0x46: {  	_ =	shalt  }
0x47: {  	_ =	shalt  }
0x48: {  	_ =	shalt  }
0x49: {  	_ =	shalt  }
0x4a: {  	_ =	shalt  }
0x4b: {  	_ =	shalt  }
0x4c: {  	_ =	shalt  }
0x4d: {  	_ =	shalt  }
0x4e: {  	_ =	shalt  }
0x4f: {  	_ =	shalt  }
0x50: {  	_ =	shalt  }
0x51: {  	_ =	shalt  }
0x52: {  	_ =	shalt  }
0x53: {  	_ =	shalt  }
0x54: {  	_ =	shalt  }
0x55: {  	_ =	shalt  }
0x56: {  	_ =	shalt  }
0x57: {  	_ =	shalt  }
0x58: {  	_ =	shalt  }
0x59: {  	_ =	shalt  }
0x5a: {  	_ =	shalt  }
0x5b: {  	_ =	shalt  }
0x5c: {  	_ =	shalt  }
0x5d: {  	_ =	shalt  }
0x5e: {  	_ =	shalt  }
0x5f: {  	_ =	shalt  }
0x60: {  	_ =	shalt  }
0x61: {  	_ =	shalt  }
0x62: {  	_ =	shalt  }
0x63: {  	_ =	shalt  }
0x64: {  	_ =	shalt  }
0x65: {  	_ =	shalt  }
0x66: {  	_ =	shalt  }
0x67: {  	_ =	shalt  }
0x68: {  	_ =	shalt  }
0x69: {  	_ =	shalt  }
0x6a: {  	_ =	shalt  }
0x6b: {  	_ =	shalt  }
0x6c: {  	_ =	shalt  }
0x6d: {  	_ =	shalt  }
0x6e: {  	_ =	shalt  }
0x6f: {  	_ =	shalt  }
0x70: {  	_ =	shalt  }
0x71: {  	_ =	shalt  }
0x72: {  	_ =	shalt  }
0x73: {  	_ =	shalt  }
0x74: {  	_ =	shalt  }
0x75: {  	_ =	shalt  }
0x76: {  	_ =	shalt  }
0x77: {  	_ =	shalt  }
0x78: {  	_ =	shalt  }
0x79: {  	_ =	shalt  }
0x7a: {  	_ =	shalt  }
0x7b: {  	_ =	shalt  }
0x7c: {  	_ =	shalt  }
0x7d: {  	_ =	shalt  }
0x7e: {  	_ =	shalt  }
0x7f: {  	_ =	shalt  }
0x80: {  	_ =	shalt  }
0x81: {  	_ =	shalt  }
0x82: {  	_ =	shalt  }
0x83: {  	_ =	shalt  }
0x84: {  	_ =	shalt  }
0x85: {  	_ =	shalt  }
0x86: {  	_ =	shalt  }
0x87: {  	_ =	shalt  }
.Lfunc_end0:
.L_simem_size_0:
called_computation.1_lowered:
.L_overlay_start_0:
0x88: {  	s2 =	sld [smem:$0x3FD9]  }
0x89: {  	s3 =	sld [smem:$0x3FFE];
	_ =	sdelay $0x1  }
0x8a: {  	s1 =	srdreg.scid  }
0x8b: {  	s0 =	sand.u32 $0x1, s1  }
0x8c: {  	s16 =	sshll.u32 s0, $0xA;
	s2 =	sadd.s32 s3, s2  }
0x8d: {  	s2 =	sadd.s32 s2, s16  }
0x8e: {  	[smem:$0x3FB5] =	sst s2  }
0x8f: {  	_ = 	snop  }
0x90: {  	(tm) =	ssettm $0x1  }
0x91: {  	s17 =	sld [smem:$0x3FFB];
	_ =	sdelay $0x3  }
0x92: {  	_ =	strace s17  }
0x93: {  	s2 =	sld [smem:$0x3FFC];
	_ =	sdelay $0x3  }
0x94: {  	_ =	strace s2  }
0x95: {  	s2 =	sld [smem:$0x3FFD];
	_ =	sdelay $0x3  }
0x96: {  	_ =	strace s2  }
0x97: {  	_ =	strace $0x8FFFFFFF  }
0x98: {  	s18 =	sld [smem:$0x3FDB];
	_ =	sdelay $0x1  }
0x99: {  	s19 =	simm.s32 $_scs_section_size  }
0x9a: {  	s4 =	simm.s32 $_size__tile_overlayer_lowered;
	s5 =	simm.s32 $_tile_overlayer_lowered  }
0x9b: {  	s22 =	simm.s32 $0x1BFF;
	s21 =	sshll.u32 s5, $0x1;
	s2 =	sadd.s32 s19, s18  }
0x9c: {  	s6 =	simm.s32 $0x0;
	s20 =	sshll.u32 s4, $0x1;
	s4 =	sadd.s32 s21, s2  }
0x9d: {  	[timem:s6], [sflag:s22] =	dma.local [hbm:s4], s20  }
0x9e: {  	_ =	swait.ge [sflag:s22], s20  }
0x9f: {  	s3 =	ssub.s32 $0x0, s20;
	[sflag:s22] =	ssyncset.done $0x0  }
0xa0: {  	[sflag:s22] =	ssyncadd.s32 s3;
	_ =	sdelay $0x1  }
0xa1: {  	s23 =	simm.s32 $0x1B8B  }
0xa2: {  	_ =	swait.ge [sflag:s23], $0x1  }
0xa3: {  	[sflag:s23] =	ssyncset.done $0x0  }
0xa4: {  	s25 =	simm.s32 $0x1B8E;
	s24 =	sld [smem:$0x3FFE];
	[sflag:s23] =	ssyncadd.s32 $0xFFFFFFFF  }
0xa5: {  	s26 =	simm.s32 $execute0_lowered;
	[smem:$0x3FD2] =	sst s25  }
0xa6: {  	s4 =	sshll.u32 s26, $0x1;
	_ =	strace $0x80000049;
	[dreg:$0x1] =	wrdreg $0xFFFFFFFF  }
0xa7: {  	s28 =	simm.s32 $_size_execute0_lowered;
	s2 =	sadd.s32 s2, s4;
	[dreg:$0x0] =	wrdreg $0x0  }
0xa8: {  	s4 =	sshll.u32 s28, $0x1;
	[dreg:$0x2] =	wrdreg s2  }
0xa9: {  	[dreg:$0x3] =	wrdreg s4  }
0xaa: {  	[dreg:$0x4] =	wrdreg $0xC0  }
0xab: {  	_ =	task [dreg:s6], $0x5FFFF  }
0xac: {  	[dreg:$0x1] =	wrdreg $0xFFFFFFFF  }
0xad: {  	[dreg:$0x0] =	wrdreg $0x60  }
0xae: {  	[dreg:$0x2] =	wrdreg s24  }
0xaf: {  	[dreg:$0x3] =	wrdreg $0x0  }
0xb0: {  	[dreg:$0x4] =	wrdreg $0x9  }
0xb1: {  	_ =	task.clear_ibuf [dreg:s6], $0x5FFFF;
	_ =	strace $0x90000049  }
0xb2: {  	s29 =	simm.s32 $0x9;
	_ =	strace $0x8000004B  }
0xb3: {  	_ =	swait.ge [sflag:s29], $0x1  }
0xb4: {  	[sflag:s29] =	ssyncadd.s32 $0xFFFFFFFF  }
0xb5: {  	_ =	strace $0x9000004B  }
0xb6: {  	_ =	sfence  }
0xb7: {  	s30 =	sld [smem:$0x0];
	_ =	sdelay $0x2  }
0xb8: {  	s31 =	sshll.u32 s1, $0xD;
	s1 =	sshrl.u32 s1, $0x2  }
0xb9: {  	s3 =	sand.u32 $0x4000, s31;
	s1 =	sadd.s32 s1, s30  }
0xba: {  	s0 =	sor.u32 s3, s0;
	s1 =	sshll.u32 s1, $0x11  }
0xbb: {  	s0 =	sor.u32 s1, s0  }
0xbc: {  	s0 =	sadd.s32 $0x8F2B, s0  }
0xbd: {  	[sflag:s0] =	ssyncadd.remote.s32 $0x1  }
0xbe: {  	_ =	sfence.sel $0xFFFF  }
0xbf: {  	[dreg:$0x0] =	wrdreg $0xFFFFFFFF;
	(pc) =	sbr.abs _section_cstart, $3  }
0xc0: {  	[dreg:$0x1] =	wrdreg $0xFFFFFFFF  }
0xc1: {  	_ =	task.clear_ibuf [dreg:s6], $0x2FFFF;
	_ =	strace $0x9FFFFFFF  }
0xc2: {  	(tm) =	ssettm $0x7FFFFFFF  }
0xc3: {  	_ =	shalt  }
tec
execute0_lowered:
.L_overlay_start_1:
0x0: {  	(tag) =	ssettag $0x1  }
0x1: {  	s7 =	rddreg [dreg:$0x0]  }
0x2: {  	s1 =	rddreg [dreg:$0x1];
	s2 =	srdreg.scid  }
0x3: {  	s0 =	rddreg [dreg:$0x2];
	s3 =	simm.s32 $0x0;
	s8 =	sand.u32 $0x1, s2  }
0x4: {  	s16 =	simm.s32 $0x3E8;
	s2 =	stileid.u32;
	s4 =	smul.u32 $0x30D40, s8  }
0x5: {  	s17 =	simm.s32 $0x18FD0;
	s18 =	simm.s32 $0x1;
	s5 =	smul.u32 $0x18800, s2  }
0x6: {  	[smem:$0x7FF] =	sst s3;
	s12 =	sadd.s32 $0x128C00, s7;
	s6 =	smul.u32 $0x7D, s2  }
0x7: {  	s19 =	simm.s32 $0x18BE8;
	_ =	strace $0x8000004A;
	s13 =	smul.u32 $0x188000, s8  }
0x8: {  	s26 =	ssub.s32 $0x2, s8;
	s29 =	sshll.u32 s2, $0x6;
	s15 =	smul.u32 $0x31000, s8  }
0x9: {  	s31 =	smul.u32 $0x186A0, s8;
	s11 =	sshrl.u32 s26, $0x1;
	s9 =	sadd.s32 s4, s7  }
0xa: {  	s21 =	sshrl.u32 s5, $0x3;
	s10 =	sadd.s32 s6, s7;
	s11 =	ssub.s32 s26, s11  }
0xb: {  	s14 =	sadd.s32 s5, s1;
	s5 =	sor.u32 $0x1C02, s29;
	s13 =	sshrl.u32 s13, $0x3  }
0xc: {  	s20 =	sadd.s32 s12, s15;
	s15 =	simm.s32 $0x18800;
	s28 =	sadd.s32 s21, s7  }
0xd: {  	s6 =	sadd.s32 $0x96400, s9;
	s30 =	sadd.s32 s12, s13;
	s7 =	sadd.s32 $0xF7E80, s7  }
0xe: {  	s8 =	smax.u32 s11, $0x1;
	s9 =	sadd.s32 $0x3800, s10;
	s10 =	sadd.s32 $0x34600, s10  }
0xf: {  	s13 =	sshrl.u32 s14, $0x3;
	s14 =	simm.s32 $0x2;
	s20 =	sadd.s32 s21, s20  }
0x10: {  	s4 =	sadd.s32 $0x65400, s28;
	s22 =	sadd.s32 $0x62000, s30;
	s11 =	sadd.s32 s31, s9  }
0x11: {  	s12 =	sadd.s32 s31, s10;
	s21 =	sadd.s32 s21, s22;
	s22 =	simm.s32 $0x0  }
.LBB2_1:
0x12: {  	[spmem:s13], [sflag:s5] =	dma.local [hbm:s4], $0x3100  }
0x13: {  	_ =	swait.ge [sflag:s14], $0x3100  }
0x14: {  	[sflag:s14] =	ssyncset.done $0x0  }
0x15: {  	[sflag:s14] =	ssyncadd.s32 $0xFFFFCF00  }
0x16: {  	s23 =	sadd.s32 $0x0, s9;
	[bflag:$0x0] =	sbarrier.arrive $0xFFFF  }
0x17: {  	[tilespmem:s15], [sflag:$0x2] =	stream.linear.gather [hbm4b:s23+s3], $0x3E8, $0x38;
	[tilespmem:$0x1CE50] =	vst v63  }
0x18: {  	_ =	swait.ge [sflag:s14], $0x3E8  }
0x19: {  	[sflag:s14] =	ssyncset.done $0x0  }
0x1a: {  	[sflag:s14] =	ssyncadd.s32 $0xFFFFFC18  }
0x1b: {  	[tilespmem:s17], [sflag:$0x1] =	stream.indirect.gather [hbm4b:s6+s16], $0x10, s15, s16, $0xb8;
	[tilespmem:$0x1CE50] =	vst v63  }
0x1c: {  	_ =	swait.ge [sflag:s18], $0x3E80  }
0x1d: {  	[sflag:s18] =	ssyncset.done $0x0  }
0x1e: {  	s31 =	sadd.s32 $0x0, s10;
	[sflag:s18] =	ssyncadd.s32 $0xFFFFC180  }
0x1f: {  	[tilespmem:s19], [sflag:$0x2] =	stream.linear.gather [hbm4b:s31+s3], $0x3E8, $0x38;
	[tilespmem:$0x1CE50] =	vst v63  }
0x20: {  	_ =	swait.ge [sflag:s14], $0x3E8  }
0x21: {  	[sflag:s14] =	ssyncset.done $0x0  }
0x22: {  	[sflag:s14] =	ssyncadd.s32 $0xFFFFFC18  }
0x23: {  	[spmem:s1] =	stream.indirect.scatter.add.f32 [tilespmem:s17], [sflag:$0x2], $0x10, s19, s16, $0xb8;
	[tilespmem:$0x1CE50] =	vst v63  }
0x24: {  	_ =	swait.ge [sflag:s14], $0x3E80  }
0x25: {  	s24 =	simm.s32 $0xFA0;
	s23 =	simm.s32 $0x7D0;
	[sflag:s14] =	ssyncset.done $0x0  }
.LBB2_2:
0x26: {  	s25 =	sadd.s32 s23, s9  }
0x27: {  	[sflag:s14] =	ssyncadd.s32 $0xFFFFC180;
	s26 =	smov.u32 s24;
	s28 =	sadd.s32 $0x7D0, s24  }
0x28: {  	[tilespmem:s15], [sflag:$0x2] =	stream.linear.gather [hbm4b:s25+s3], $0x3E8, $0x38;
	[tilespmem:$0x1CE50] =	vst v63  }
0x29: {  	p0 =	sne.s32 s24, $0x30570;
	_ =	swait.ge [sflag:s14], $0x3E8  }
0x2a: {  	[sflag:s14] =	ssyncset.done $0x0  }
0x2b: {  	[sflag:s14] =	ssyncadd.s32 $0xFFFFFC18  }
0x2c: {  	[tilespmem:s17], [sflag:$0x1] =	stream.indirect.gather [hbm4b:s6+s16], $0x10, s15, s16, $0xb8;
	[tilespmem:$0x1CE50] =	vst v63  }
0x2d: {  	_ =	swait.ge [sflag:s18], $0x3E80  }
0x2e: {  	[sflag:s18] =	ssyncset.done $0x0  }
0x2f: {  	s24 =	sadd.s32 s23, s10;
	s23 =	smov.u32 s26;
	[sflag:s18] =	ssyncadd.s32 $0xFFFFC180  }
0x30: {  	[tilespmem:s19], [sflag:$0x2] =	stream.linear.gather [hbm4b:s24+s3], $0x3E8, $0x38;
	[tilespmem:$0x1CE50] =	vst v63  }
0x31: {  	_ =	swait.ge [sflag:s14], $0x3E8  }
.Ltmp0:
0x32: {  	[sflag:s14] =	ssyncset.done $0x0;
	(pc) =	sbr.rel @p0 .LBB2_2-.Ltmp0, $4  }
0x33: {  	[sflag:s14] =	ssyncadd.s32 $0xFFFFFC18  }
0x34: {  	[spmem:s1] =	stream.indirect.scatter.add.f32 [tilespmem:s17], [sflag:$0x2], $0x10, s19, s16, $0xb8;
	[tilespmem:$0x1CE50] =	vst v63  }
0x35: {  	_ =	swait.ge [sflag:s14], $0x3E80  }
0x36: {  	s24 =	smov.u32 s28;
	[sflag:s14] =	ssyncset.done $0x0  }
0x37: {  	s24 =	sadd.s32 s23, s9;
	[sflag:s14] =	ssyncadd.s32 $0xFFFFC180  }
0x38: {  	[tilespmem:s15], [sflag:$0x2] =	stream.linear.gather [hbm4b:s24+s3], $0x3E8, $0x38;
	[tilespmem:$0x1CE50] =	vst v63  }
0x39: {  	_ =	swait.ge [sflag:s14], $0x3E8  }
0x3a: {  	[sflag:s14] =	ssyncset.done $0x0  }
0x3b: {  	[sflag:s14] =	ssyncadd.s32 $0xFFFFFC18  }
0x3c: {  	[tilespmem:s17], [sflag:$0x1] =	stream.indirect.gather [hbm4b:s6+s16], $0x10, s15, s16, $0xb8;
	[tilespmem:$0x1CE50] =	vst v63  }
0x3d: {  	_ =	swait.ge [sflag:s18], $0x3E80  }
0x3e: {  	[sflag:s18] =	ssyncset.done $0x0  }
0x3f: {  	s29 =	sadd.s32 s23, s10;
	[sflag:s18] =	ssyncadd.s32 $0xFFFFC180  }
0x40: {  	[tilespmem:s19], [sflag:$0x2] =	stream.linear.gather [hbm4b:s29+s3], $0x3E8, $0x38;
	[tilespmem:$0x1CE50] =	vst v63  }
0x41: {  	_ =	swait.ge [sflag:s14], $0x3E8  }
0x42: {  	[sflag:s14] =	ssyncset.done $0x0  }
0x43: {  	[sflag:s14] =	ssyncadd.s32 $0xFFFFFC18  }
0x44: {  	[spmem:s1] =	stream.indirect.scatter.add.f32 [tilespmem:s17], [sflag:$0x2], $0x10, s19, s16, $0xb8;
	[tilespmem:$0x1CE50] =	vst v63  }
0x45: {  	_ =	swait.ge [sflag:s14], $0x3E80  }
0x46: {  	[sflag:s14] =	ssyncset.done $0x0  }
0x47: {  	[sflag:s14] =	ssyncadd.s32 $0xFFFFC180  }
0x48: {  	[bflag:$0x0] =	sbarrier.arrive $0xFFFF  }
0x49: {  	[hbm:s20], [sflag:s5] =	dma.local [spmem:s13], $0x3100  }
0x4a: {  	_ =	swait.ge [sflag:s14], $0x3100  }
0x4b: {  	[sflag:s14] =	ssyncset.done $0x0  }
0x4c: {  	[sflag:s14] =	ssyncadd.s32 $0xFFFFCF00  }
0x4d: {  	[spmem:s13], [sflag:s5] =	dma.local [hbm:s4], $0x3100  }
0x4e: {  	_ =	swait.ge [sflag:s14], $0x3100  }
0x4f: {  	[sflag:s14] =	ssyncset.done $0x0  }
0x50: {  	[sflag:s14] =	ssyncadd.s32 $0xFFFFCF00  }
0x51: {  	s30 =	sadd.s32 $0x0, s11;
	[bflag:$0x0] =	sbarrier.arrive $0xFFFF  }
0x52: {  	[tilespmem:s15], [sflag:$0x2] =	stream.linear.gather [hbm4b:s30+s3], $0x3E8, $0x38;
	[tilespmem:$0x1CE50] =	vst v63  }
0x53: {  	_ =	swait.ge [sflag:s14], $0x3E8  }
0x54: {  	[sflag:s14] =	ssyncset.done $0x0  }
0x55: {  	[sflag:s14] =	ssyncadd.s32 $0xFFFFFC18  }
0x56: {  	[tilespmem:s17], [sflag:$0x1] =	stream.indirect.gather [hbm4b:s7+s16], $0x10, s15, s16, $0xb8;
	[tilespmem:$0x1CE50] =	vst v63  }
0x57: {  	_ =	swait.ge [sflag:s18], $0x3E80  }
0x58: {  	[sflag:s18] =	ssyncset.done $0x0  }
0x59: {  	s31 =	sadd.s32 $0x0, s12;
	[sflag:s18] =	ssyncadd.s32 $0xFFFFC180  }
0x5a: {  	[tilespmem:s19], [sflag:$0x2] =	stream.linear.gather [hbm4b:s31+s3], $0x3E8, $0x38;
	[tilespmem:$0x1CE50] =	vst v63  }
0x5b: {  	_ =	swait.ge [sflag:s14], $0x3E8  }
0x5c: {  	[sflag:s14] =	ssyncset.done $0x0  }
0x5d: {  	[sflag:s14] =	ssyncadd.s32 $0xFFFFFC18  }
0x5e: {  	[spmem:s1] =	stream.indirect.scatter.add.f32 [tilespmem:s17], [sflag:$0x2], $0x10, s19, s16, $0xb8;
	[tilespmem:$0x1CE50] =	vst v63  }
0x5f: {  	_ =	swait.ge [sflag:s14], $0x3E80  }
0x60: {  	s23 =	simm.s32 $0x7D0;
	s24 =	simm.s32 $0xFA0;
	[sflag:s14] =	ssyncset.done $0x0  }
.LBB2_4:
0x61: {  	s25 =	sadd.s32 s23, s11  }
0x62: {  	[sflag:s14] =	ssyncadd.s32 $0xFFFFC180;
	s26 =	smov.u32 s24;
	s28 =	sadd.s32 $0x7D0, s24  }
0x63: {  	[tilespmem:s15], [sflag:$0x2] =	stream.linear.gather [hbm4b:s25+s3], $0x3E8, $0x38;
	[tilespmem:$0x1CE50] =	vst v63  }
0x64: {  	p0 =	sne.s32 s24, $0x17ED0;
	_ =	swait.ge [sflag:s14], $0x3E8  }
0x65: {  	[sflag:s14] =	ssyncset.done $0x0  }
0x66: {  	[sflag:s14] =	ssyncadd.s32 $0xFFFFFC18  }
0x67: {  	[tilespmem:s17], [sflag:$0x1] =	stream.indirect.gather [hbm4b:s7+s16], $0x10, s15, s16, $0xb8;
	[tilespmem:$0x1CE50] =	vst v63  }
0x68: {  	_ =	swait.ge [sflag:s18], $0x3E80  }
0x69: {  	[sflag:s18] =	ssyncset.done $0x0  }
0x6a: {  	s24 =	sadd.s32 s23, s12;
	s23 =	smov.u32 s26;
	[sflag:s18] =	ssyncadd.s32 $0xFFFFC180  }
0x6b: {  	[tilespmem:s19], [sflag:$0x2] =	stream.linear.gather [hbm4b:s24+s3], $0x3E8, $0x38;
	[tilespmem:$0x1CE50] =	vst v63  }
0x6c: {  	_ =	swait.ge [sflag:s14], $0x3E8  }
.Ltmp1:
0x6d: {  	[sflag:s14] =	ssyncset.done $0x0;
	(pc) =	sbr.rel @p0 .LBB2_4-.Ltmp1, $4  }
0x6e: {  	[sflag:s14] =	ssyncadd.s32 $0xFFFFFC18  }
0x6f: {  	[spmem:s1] =	stream.indirect.scatter.add.f32 [tilespmem:s17], [sflag:$0x2], $0x10, s19, s16, $0xb8;
	[tilespmem:$0x1CE50] =	vst v63  }
0x70: {  	_ =	swait.ge [sflag:s14], $0x3E80  }
0x71: {  	s24 =	smov.u32 s28;
	[sflag:s14] =	ssyncset.done $0x0  }
0x72: {  	s24 =	sadd.s32 s23, s11;
	[sflag:s14] =	ssyncadd.s32 $0xFFFFC180  }
0x73: {  	[tilespmem:s15], [sflag:$0x2] =	stream.linear.gather [hbm4b:s24+s3], $0x3E8, $0x38;
	[tilespmem:$0x1CE50] =	vst v63  }
0x74: {  	_ =	swait.ge [sflag:s14], $0x3E8  }
0x75: {  	[sflag:s14] =	ssyncset.done $0x0  }
0x76: {  	[sflag:s14] =	ssyncadd.s32 $0xFFFFFC18  }
0x77: {  	[tilespmem:s17], [sflag:$0x1] =	stream.indirect.gather [hbm4b:s7+s16], $0x10, s15, s16, $0xb8;
	[tilespmem:$0x1CE50] =	vst v63  }
0x78: {  	_ =	swait.ge [sflag:s18], $0x3E80  }
0x79: {  	[sflag:s18] =	ssyncset.done $0x0  }
0x7a: {  	s31 =	sadd.s32 s23, s12;
	[sflag:s18] =	ssyncadd.s32 $0xFFFFC180  }
0x7b: {  	[tilespmem:s19], [sflag:$0x2] =	stream.linear.gather [hbm4b:s31+s3], $0x3E8, $0x38;
	[tilespmem:$0x1CE50] =	vst v63  }
0x7c: {  	_ =	swait.ge [sflag:s14], $0x3E8  }
0x7d: {  	[sflag:s14] =	ssyncset.done $0x0  }
0x7e: {  	[sflag:s14] =	ssyncadd.s32 $0xFFFFFC18  }
0x7f: {  	[spmem:s1] =	stream.indirect.scatter.add.f32 [tilespmem:s17], [sflag:$0x2], $0x10, s19, s16, $0xb8;
	[tilespmem:$0x1CE50] =	vst v63  }
0x80: {  	_ =	swait.ge [sflag:s14], $0x3E80  }
0x81: {  	s22 =	sadd.s32 $0x1, s22;
	[sflag:s14] =	ssyncset.done $0x0  }
0x82: {  	p0 =	sne.s32 s22, s8;
	[sflag:s14] =	ssyncadd.s32 $0xFFFFC180  }
.Ltmp2:
0x83: {  	[bflag:$0x0] =	sbarrier.arrive $0xFFFF;
	(pc) =	sbr.rel @p0 .LBB2_1-.Ltmp2, $4  }
0x84: {  	[hbm:s21], [sflag:s5] =	dma.local [spmem:s13], $0x3100  }
0x85: {  	_ =	swait.ge [sflag:s14], $0x3100  }
0x86: {  	[sflag:s14] =	ssyncset.done $0x0  }
0x87: {  	[sflag:s14] =	ssyncadd.s32 $0xFFFFCF00  }
0x88: {  	_ =	sfence.sel $0x180000  }
0x89: {  	[bflag:$0x0] =	sbarrier.arrive $0xFFFF  }
0x8a: {  	p0 =	sne.s32 s2, $0x0;
	_ =	strace $0x9000004A  }
0x8b: {  	s0 =	sadd.s32 @!p0 $0x100000, s0;
	[bflag:$0x2] =	sbarrier.arrive $0xFFFF  }
0x8c: {  	[sflag:s0] =	ssyncadd.tile.s32 @!p0 $0x1;
	_ =	shalt  }
.Lfunc_end2:
_tile_overlayer_lowered:
.L_overlay_start_2:
0x8d: {  	(tag) =	ssettag $0x2  }
0x8e: {  	s0 =	rddreg [dreg:$0x0];
	s2 =	stileid.u32  }
0x8f: {  	s1 =	rddreg [dreg:$0x1];
	p0 =	sne.s32 s2, $0x0  }
0x90: {  	s3 =	rddreg [dreg:$0x2];
	[bflag:$0x3] =	sbarrier.arrive $0xFFFF;
	s2 =	simm.s32 @!p0 $0x1C02  }
0x91: {  	[timem:s3], [sflag:s2] =	dma.local @!p0 [hbm:s0], s1  }
0x92: {  	s0 =	simm.s32 @!p0 $0x2  }
0x93: {  	_ =	swait.ge @!p0 [sflag:s0], s1  }
0x94: {  	s1 =	ssub.s32 @!p0 $0x0, s1;
	[sflag:s0] =	ssyncset.done @!p0 $0x0  }
0x95: {  	[sflag:s0] =	ssyncadd.s32 @!p0 s1  }
0x96: {  	[bflag:$0x3] =	sbarrier.arrive $0xFFFF  }
0x97: {  	_ =	shalt  }

// kernel: kernel.16.cloned.1.call-start
scs
__scs_entry_jumppad:
0x0: {  	(pc) =	sbr.rel $0x88, $3  }
0x1: {  	(tag) =	ssettag $0x0;
	lr =	simm.s32 $0x1  }
0x2: {  	[smem:$0x3F8E] =	sst lr;
	_ =	strace $0xD0000000  }
0x3: {  	_ = 	snop  }
0x4: {  	_ = 	snop  }
0x5: {  	_ = 	snop  }
0x6: {  	_ = 	snop  }
0x7: {  	_ = 	snop  }
__scs_overlays_trampoline_lowered:
0x8: {  	[smem:$0x3F9D] =	sst s0  }
0x9: {  	[smem:$0x3F9E] =	sst s1  }
0xa: {  	[smem:$0x3F9F] =	sst s2  }
0xb: {  	[smem:$0x3FA0] =	sst s3  }
0xc: {  	[smem:$0x3FA1] =	sst s4  }
0xd: {  	[smem:$0x3FA2] =	sst s5  }
0xe: {  	[smem:$0x3FA3] =	sst s6  }
0xf: {  	[smem:$0x3FA4] =	sst s7  }
0x10: {  	[smem:$0x3FA5] =	sst s8  }
0x11: {  	[smem:$0x3FA6] =	sst s9;
	s0 =	simm.s32 @!p0 $0x0  }
0x12: {  	s1 =	sld [smem:$0x3F8C];
	s0 =	simm.s32 @p0 $0x1  }
0x13: {  	[smem:$0x3FA7] =	sst s0;
	s0 =	simm.s32 @!p1 $0x0  }
0x14: {  	s2 =	sld [smem:$0x3F8B];
	s0 =	simm.s32 @p1 $0x1  }
0x15: {  	[smem:$0x3FA8] =	sst s0;
	s0 =	simm.s32 @!p2 $0x0  }
0x16: {  	s3 =	sld [smem:$0x3FDB];
	s0 =	simm.s32 @p2 $0x1  }
0x17: {  	s4 =	simm.s32 $0x1BF5;
	[smem:$0x3FAA] =	sst s0  }
0x18: {  	s0 =	sld [smem:$0x3F8D];
	_ =	swait.ge [sflag:s4], $0x0  }
0x19: {  	s7 =	sld [smem:$0x3F8E]  }
0x1a: {  	s8 =	sadd.s32 $0xFFFFE003, lr  }
0x1b: {  	s9 =	sadd.s32 $0xFFFFFEF7, lr;
	s5 =	simm.s32 $0xFFFFFFFF;
	p2 =	slt.u32 s8, $0xFFFFF086  }
0x1c: {  	p1 =	slt.u32 s9, $0xF7A;
	s5 =	simm.s32 @!p2 $0x0  }
0x1d: {  	s5 =	simm.s32 @p1 $0x1;
	p0 =	seq.s32 s7, s2  }
0x1e: {  	s7 =	smul.u32 @!p0 $0xF7A, s2;
	p2 =	seq.s32 @!p0 s5, $0x0  }
0x1f: {  	s9 =	smul.u32 $0xF7A, s1;
	s8 =	simm.s32 @!p0 $0x1BF5;
	p2 =	por !p2, p0  }
0x20: {  	[sflag:s8] =	ssyncset.s32 @!p0 $0xFFFFF086;
	s6 =	sadd.s32 @!p0 s3, s7;
	s7 =	simm.s32 @!p0 $0x108  }
0x21: {  	s3 =	sadd.s32 s3, s9;
	s6 =	sadd.s32 @!p0 $0x88, s6;
	s7 =	simm.s32 @p2 $0x1082  }
0x22: {  	[simem:s7], [sflag:s8] =	dma.local @!p0 [hbm:s6], $0xF7A  }
0x23: {  	s9 =	sor.u32 $0xD0000000, s2;
	s6 =	simm.s32 $0x108;
	_ =	swait.ge @!p0 [sflag:s8], $0x0  }
0x24: {  	s3 =	sadd.s32 $0x88, s3;
	s6 =	simm.s32 @!p1 $0x1082;
	[sflag:s4] =	ssyncset.s32 $0xFFFFF086  }
0x25: {  	[simem:s6], [sflag:s4] =	dma.local [hbm:s3], $0xF7A  }
0x26: {  	[smem:$0x3F8E] =	sst s1;
	(tag) =	ssettag s2;
	_ =	strace s9  }
0x27: {  	s1 =	sld [smem:$0x3F9E]  }
0x28: {  	s2 =	sld [smem:$0x3F9F]  }
0x29: {  	s4 =	sld [smem:$0x3FA1]  }
0x2a: {  	p0 =	seq.s32 s5, $0x0;
	s5 =	sld [smem:$0x3FA2]  }
0x2b: {  	s6 =	sld [smem:$0x3FA3]  }
0x2c: {  	s7 =	sld [smem:$0x3FA4]  }
0x2d: {  	s3 =	simm.s32 $0x108;
	s8 =	sld [smem:$0x3FA5]  }
0x2e: {  	s3 =	simm.s32 @!p0 $0x1082;
	s9 =	sld [smem:$0x3FA6]  }
0x2f: {  	lr =	sadd.s32 s0, s3;
	s0 =	sld [smem:$0x3F9D]  }
0x30: {  	s3 =	sld [smem:$0x3FA0]  }
0x31: {  	[smem:$0x3FA9] =	sst s10  }
0x32: {  	s10 =	sld [smem:$0x3FA7];
	_ =	sdelay $0x3  }
0x33: {  	p0 =	seq.s32 s10, $0x1;
	s10 =	sld [smem:$0x3FA9];
	_ =	sdelay $0x3  }
0x34: {  	[smem:$0x3FA9] =	sst s10  }
0x35: {  	s10 =	sld [smem:$0x3FA8];
	_ =	sdelay $0x3  }
0x36: {  	p1 =	seq.s32 s10, $0x1;
	s10 =	sld [smem:$0x3FA9];
	_ =	sdelay $0x3  }
0x37: {  	[smem:$0x3FA9] =	sst s10  }
0x38: {  	s10 =	sld [smem:$0x3FAA]  }
0x39: {  	_ = 	snop;
	(pc) =	sbr.ind lr, $3  }
0x3a: {  	_ = 	snop  }
0x3b: {  	_ = 	snop  }
0x3c: {  	p2 =	seq.s32 s10, $0x1;
	s10 =	sld [smem:$0x3FA9]  }
0x3d: {  	_ =	shalt  }
0x3e: {  	_ =	shalt  }
0x3f: {  	_ =	shalt  }
0x40: {  	_ =	shalt  }
0x41: {  	_ =	shalt  }
0x42: {  	_ =	shalt  }
0x43: {  	_ =	shalt  }
0x44: {  	_ =	shalt  }
0x45: {  	_ =	shalt  }
0x46: {  	_ =	shalt  }
0x47: {  	_ =	shalt  }
0x48: {  	_ =	shalt  }
0x49: {  	_ =	shalt  }
0x4a: {  	_ =	shalt  }
0x4b: {  	_ =	shalt  }
0x4c: {  	_ =	shalt  }
0x4d: {  	_ =	shalt  }
0x4e: {  	_ =	shalt  }
0x4f: {  	_ =	shalt  }
0x50: {  	_ =	shalt  }
0x51: {  	_ =	shalt  }
0x52: {  	_ =	shalt  }
0x53: {  	_ =	shalt  }
0x54: {  	_ =	shalt  }
0x55: {  	_ =	shalt  }
0x56: {  	_ =	shalt  }
0x57: {  	_ =	shalt  }
0x58: {  	_ =	shalt  }
0x59: {  	_ =	shalt  }
0x5a: {  	_ =	shalt  }
0x5b: {  	_ =	shalt  }
0x5c: {  	_ =	shalt  }
0x5d: {  	_ =	shalt  }
0x5e: {  	_ =	shalt  }
0x5f: {  	_ =	shalt  }
0x60: {  	_ =	shalt  }
0x61: {  	_ =	shalt  }
0x62: {  	_ =	shalt  }
0x63: {  	_ =	shalt  }
0x64: {  	_ =	shalt  }
0x65: {  	_ =	shalt  }
0x66: {  	_ =	shalt  }
0x67: {  	_ =	shalt  }
0x68: {  	_ =	shalt  }
0x69: {  	_ =	shalt  }
0x6a: {  	_ =	shalt  }
0x6b: {  	_ =	shalt  }
0x6c: {  	_ =	shalt  }
0x6d: {  	_ =	shalt  }
0x6e: {  	_ =	shalt  }
0x6f: {  	_ =	shalt  }
0x70: {  	_ =	shalt  }
0x71: {  	_ =	shalt  }
0x72: {  	_ =	shalt  }
0x73: {  	_ =	shalt  }
0x74: {  	_ =	shalt  }
0x75: {  	_ =	shalt  }
0x76: {  	_ =	shalt  }
0x77: {  	_ =	shalt  }
0x78: {  	_ =	shalt  }
0x79: {  	_ =	shalt  }
0x7a: {  	_ =	shalt  }
0x7b: {  	_ =	shalt  }
0x7c: {  	_ =	shalt  }
0x7d: {  	_ =	shalt  }
0x7e: {  	_ =	shalt  }
0x7f: {  	_ =	shalt  }
0x80: {  	_ =	shalt  }
0x81: {  	_ =	shalt  }
0x82: {  	_ =	shalt  }
0x83: {  	_ =	shalt  }
0x84: {  	_ =	shalt  }
0x85: {  	_ =	shalt  }
0x86: {  	_ =	shalt  }
0x87: {  	_ =	shalt  }
.Lfunc_end0:
.L_simem_size_0:
called_computation.2_lowered:
.L_overlay_start_0:
0x88: {  	s2 =	sld [smem:$0x3FD9]  }
0x89: {  	s3 =	sld [smem:$0x3FFE];
	_ =	sdelay $0x1  }
0x8a: {  	s1 =	srdreg.scid  }
0x8b: {  	s0 =	sand.u32 $0x1, s1  }
0x8c: {  	s16 =	sshll.u32 s0, $0xA;
	s2 =	sadd.s32 s3, s2  }
0x8d: {  	s2 =	sadd.s32 s2, s16  }
0x8e: {  	[smem:$0x3FB5] =	sst s2  }
0x8f: {  	_ = 	snop  }
0x90: {  	(tm) =	ssettm $0x1  }
0x91: {  	s17 =	sld [smem:$0x3FFB];
	_ =	sdelay $0x3  }
0x92: {  	_ =	strace s17  }
0x93: {  	s2 =	sld [smem:$0x3FFC];
	_ =	sdelay $0x3  }
0x94: {  	_ =	strace s2  }
0x95: {  	s2 =	sld [smem:$0x3FFD];
	_ =	sdelay $0x3  }
0x96: {  	_ =	strace s2  }
0x97: {  	_ =	strace $0x8FFFFFFF  }
0x98: {  	s18 =	sld [smem:$0x3FDB];
	_ =	sdelay $0x1  }
0x99: {  	s19 =	simm.s32 $_scs_section_size  }
0x9a: {  	s4 =	simm.s32 $_size__tile_overlayer_lowered;
	s5 =	simm.s32 $_tile_overlayer_lowered  }
0x9b: {  	s22 =	simm.s32 $0x1BFF;
	s21 =	sshll.u32 s5, $0x1;
	s2 =	sadd.s32 s19, s18  }
0x9c: {  	s6 =	simm.s32 $0x0;
	s20 =	sshll.u32 s4, $0x1;
	s4 =	sadd.s32 s21, s2  }
0x9d: {  	[timem:s6], [sflag:s22] =	dma.local [hbm:s4], s20  }
0x9e: {  	_ =	swait.ge [sflag:s22], s20  }
0x9f: {  	s3 =	ssub.s32 $0x0, s20;
	[sflag:s22] =	ssyncset.done $0x0  }
0xa0: {  	[sflag:s22] =	ssyncadd.s32 s3;
	_ =	sdelay $0x1  }
0xa1: {  	s23 =	simm.s32 $0x1B8B  }
0xa2: {  	_ =	swait.ge [sflag:s23], $0x1  }
0xa3: {  	[sflag:s23] =	ssyncset.done $0x0  }
0xa4: {  	s25 =	simm.s32 $0x1B8E;
	s24 =	sld [smem:$0x3FFE];
	[sflag:s23] =	ssyncadd.s32 $0xFFFFFFFF  }
0xa5: {  	s26 =	simm.s32 $execute0_lowered;
	[smem:$0x3FD2] =	sst s25  }
0xa6: {  	s4 =	sshll.u32 s26, $0x1;
	_ =	strace $0x8000004C;
	[dreg:$0x1] =	wrdreg $0xFFFFFFFF  }
0xa7: {  	s28 =	simm.s32 $_size_execute0_lowered;
	s2 =	sadd.s32 s2, s4;
	[dreg:$0x0] =	wrdreg $0x0  }
0xa8: {  	s4 =	sshll.u32 s28, $0x1;
	[dreg:$0x2] =	wrdreg s2  }
0xa9: {  	[dreg:$0x3] =	wrdreg s4  }
0xaa: {  	[dreg:$0x4] =	wrdreg $0xC0  }
0xab: {  	_ =	task [dreg:s6], $0x5FFFF  }
0xac: {  	[dreg:$0x1] =	wrdreg $0xFFFFFFFF  }
0xad: {  	[dreg:$0x0] =	wrdreg $0x60  }
0xae: {  	[dreg:$0x2] =	wrdreg s24  }
0xaf: {  	[dreg:$0x3] =	wrdreg $0x0  }
0xb0: {  	[dreg:$0x4] =	wrdreg $0x9  }
0xb1: {  	_ =	task.clear_ibuf [dreg:s6], $0x5FFFF;
	_ =	strace $0x9000004C  }
0xb2: {  	s29 =	simm.s32 $0x9;
	_ =	strace $0x8000004E  }
0xb3: {  	_ =	swait.ge [sflag:s29], $0x1  }
0xb4: {  	[sflag:s29] =	ssyncadd.s32 $0xFFFFFFFF  }
0xb5: {  	_ =	strace $0x9000004E  }
0xb6: {  	_ =	sfence  }
0xb7: {  	s30 =	sld [smem:$0x0];
	_ =	sdelay $0x2  }
0xb8: {  	s31 =	sshll.u32 s1, $0xD;
	s1 =	sshrl.u32 s1, $0x2  }
0xb9: {  	s3 =	sand.u32 $0x4000, s31;
	s1 =	sadd.s32 s1, s30  }
0xba: {  	s0 =	sor.u32 s3, s0;
	s1 =	sshll.u32 s1, $0x11  }
0xbb: {  	s0 =	sor.u32 s1, s0  }
0xbc: {  	s0 =	sadd.s32 $0x8F2B, s0  }
0xbd: {  	[sflag:s0] =	ssyncadd.remote.s32 $0x1  }
0xbe: {  	_ =	sfence.sel $0xFFFF  }
0xbf: {  	[dreg:$0x0] =	wrdreg $0xFFFFFFFF;
	(pc) =	sbr.abs _section_cstart, $3  }
0xc0: {  	[dreg:$0x1] =	wrdreg $0xFFFFFFFF  }
0xc1: {  	_ =	task.clear_ibuf [dreg:s6], $0x2FFFF;
	_ =	strace $0x9FFFFFFF  }
0xc2: {  	(tm) =	ssettm $0x7FFFFFFF  }
0xc3: {  	_ =	shalt  }
tec
execute0_lowered:
.L_overlay_start_1:
0x0: {  	(tag) =	ssettag $0x1  }
0x1: {  	s7 =	rddreg [dreg:$0x0]  }
0x2: {  	s1 =	rddreg [dreg:$0x1];
	s2 =	srdreg.scid  }
0x3: {  	s0 =	rddreg [dreg:$0x2];
	s3 =	simm.s32 $0x0;
	s8 =	sand.u32 $0x1, s2  }
0x4: {  	s16 =	simm.s32 $0x3E8;
	s2 =	stileid.u32;
	s4 =	smul.u32 $0x30D40, s8  }
0x5: {  	s17 =	simm.s32 $0x18FD0;
	s18 =	simm.s32 $0x1;
	s5 =	smul.u32 $0x18800, s2  }
0x6: {  	[smem:$0x7FF] =	sst s3;
	s12 =	sadd.s32 $0x128C00, s7;
	s6 =	smul.u32 $0x7D, s2  }
0x7: {  	s19 =	simm.s32 $0x18BE8;
	_ =	strace $0x8000004D;
	s13 =	smul.u32 $0x188000, s8  }
0x8: {  	s26 =	ssub.s32 $0x2, s8;
	s29 =	sshll.u32 s2, $0x6;
	s15 =	smul.u32 $0x31000, s8  }
0x9: {  	s31 =	smul.u32 $0x186A0, s8;
	s11 =	sshrl.u32 s26, $0x1;
	s9 =	sadd.s32 s4, s7  }
0xa: {  	s21 =	sshrl.u32 s5, $0x3;
	s10 =	sadd.s32 s6, s7;
	s11 =	ssub.s32 s26, s11  }
0xb: {  	s14 =	sadd.s32 s5, s1;
	s5 =	sor.u32 $0x1C02, s29;
	s13 =	sshrl.u32 s13, $0x3  }
0xc: {  	s20 =	sadd.s32 s12, s15;
	s15 =	simm.s32 $0x18800;
	s28 =	sadd.s32 s21, s7  }
0xd: {  	s6 =	sadd.s32 $0x96400, s9;
	s30 =	sadd.s32 s12, s13;
	s7 =	sadd.s32 $0xF7E80, s7  }
0xe: {  	s8 =	smax.u32 s11, $0x1;
	s9 =	sadd.s32 $0x3800, s10;
	s10 =	sadd.s32 $0x34600, s10  }
0xf: {  	s13 =	sshrl.u32 s14, $0x3;
	s14 =	simm.s32 $0x2;
	s20 =	sadd.s32 s21, s20  }
0x10: {  	s4 =	sadd.s32 $0x65400, s28;
	s22 =	sadd.s32 $0x62000, s30;
	s11 =	sadd.s32 s31, s9  }
0x11: {  	s12 =	sadd.s32 s31, s10;
	s21 =	sadd.s32 s21, s22;
	s22 =	simm.s32 $0x0  }
.LBB2_1:
0x12: {  	[spmem:s13], [sflag:s5] =	dma.local [hbm:s4], $0x3100  }
0x13: {  	_ =	swait.ge [sflag:s14], $0x3100  }
0x14: {  	[sflag:s14] =	ssyncset.done $0x0  }
0x15: {  	[sflag:s14] =	ssyncadd.s32 $0xFFFFCF00  }
0x16: {  	s23 =	sadd.s32 $0x0, s9;
	[bflag:$0x0] =	sbarrier.arrive $0xFFFF  }
0x17: {  	[tilespmem:s15], [sflag:$0x2] =	stream.linear.gather [hbm4b:s23+s3], $0x3E8, $0x38;
	[tilespmem:$0x1CE50] =	vst v63  }
0x18: {  	_ =	swait.ge [sflag:s14], $0x3E8  }
0x19: {  	[sflag:s14] =	ssyncset.done $0x0  }
0x1a: {  	[sflag:s14] =	ssyncadd.s32 $0xFFFFFC18  }
0x1b: {  	[tilespmem:s17], [sflag:$0x1] =	stream.indirect.gather [hbm4b:s6+s16], $0x10, s15, s16, $0xb8;
	[tilespmem:$0x1CE50] =	vst v63  }
0x1c: {  	_ =	swait.ge [sflag:s18], $0x3E80  }
0x1d: {  	[sflag:s18] =	ssyncset.done $0x0  }
0x1e: {  	s31 =	sadd.s32 $0x0, s10;
	[sflag:s18] =	ssyncadd.s32 $0xFFFFC180  }
0x1f: {  	[tilespmem:s19], [sflag:$0x2] =	stream.linear.gather [hbm4b:s31+s3], $0x3E8, $0x38;
	[tilespmem:$0x1CE50] =	vst v63  }
0x20: {  	_ =	swait.ge [sflag:s14], $0x3E8  }
0x21: {  	[sflag:s14] =	ssyncset.done $0x0  }
0x22: {  	[sflag:s14] =	ssyncadd.s32 $0xFFFFFC18  }
0x23: {  	[spmem:s1] =	stream.indirect.scatter.add.f32 [tilespmem:s17], [sflag:$0x2], $0x10, s19, s16, $0xb8;
	[tilespmem:$0x1CE50] =	vst v63  }
0x24: {  	_ =	swait.ge [sflag:s14], $0x3E80  }
0x25: {  	s24 =	simm.s32 $0xFA0;
	s23 =	simm.s32 $0x7D0;
	[sflag:s14] =	ssyncset.done $0x0  }
.LBB2_2:
0x26: {  	s25 =	sadd.s32 s23, s9  }
0x27: {  	[sflag:s14] =	ssyncadd.s32 $0xFFFFC180;
	s26 =	smov.u32 s24;
	s28 =	sadd.s32 $0x7D0, s24  }
0x28: {  	[tilespmem:s15], [sflag:$0x2] =	stream.linear.gather [hbm4b:s25+s3], $0x3E8, $0x38;
	[tilespmem:$0x1CE50] =	vst v63  }
0x29: {  	p0 =	sne.s32 s24, $0x30570;
	_ =	swait.ge [sflag:s14], $0x3E8  }
0x2a: {  	[sflag:s14] =	ssyncset.done $0x0  }
0x2b: {  	[sflag:s14] =	ssyncadd.s32 $0xFFFFFC18  }
0x2c: {  	[tilespmem:s17], [sflag:$0x1] =	stream.indirect.gather [hbm4b:s6+s16], $0x10, s15, s16, $0xb8;
	[tilespmem:$0x1CE50] =	vst v63  }
0x2d: {  	_ =	swait.ge [sflag:s18], $0x3E80  }
0x2e: {  	[sflag:s18] =	ssyncset.done $0x0  }
0x2f: {  	s24 =	sadd.s32 s23, s10;
	s23 =	smov.u32 s26;
	[sflag:s18] =	ssyncadd.s32 $0xFFFFC180  }
0x30: {  	[tilespmem:s19], [sflag:$0x2] =	stream.linear.gather [hbm4b:s24+s3], $0x3E8, $0x38;
	[tilespmem:$0x1CE50] =	vst v63  }
0x31: {  	_ =	swait.ge [sflag:s14], $0x3E8  }
.Ltmp0:
0x32: {  	[sflag:s14] =	ssyncset.done $0x0;
	(pc) =	sbr.rel @p0 .LBB2_2-.Ltmp0, $4  }
0x33: {  	[sflag:s14] =	ssyncadd.s32 $0xFFFFFC18  }
0x34: {  	[spmem:s1] =	stream.indirect.scatter.add.f32 [tilespmem:s17], [sflag:$0x2], $0x10, s19, s16, $0xb8;
	[tilespmem:$0x1CE50] =	vst v63  }
0x35: {  	_ =	swait.ge [sflag:s14], $0x3E80  }
0x36: {  	s24 =	smov.u32 s28;
	[sflag:s14] =	ssyncset.done $0x0  }
0x37: {  	s24 =	sadd.s32 s23, s9;
	[sflag:s14] =	ssyncadd.s32 $0xFFFFC180  }
0x38: {  	[tilespmem:s15], [sflag:$0x2] =	stream.linear.gather [hbm4b:s24+s3], $0x3E8, $0x38;
	[tilespmem:$0x1CE50] =	vst v63  }
0x39: {  	_ =	swait.ge [sflag:s14], $0x3E8  }
0x3a: {  	[sflag:s14] =	ssyncset.done $0x0  }
0x3b: {  	[sflag:s14] =	ssyncadd.s32 $0xFFFFFC18  }
0x3c: {  	[tilespmem:s17], [sflag:$0x1] =	stream.indirect.gather [hbm4b:s6+s16], $0x10, s15, s16, $0xb8;
	[tilespmem:$0x1CE50] =	vst v63  }
0x3d: {  	_ =	swait.ge [sflag:s18], $0x3E80  }
0x3e: {  	[sflag:s18] =	ssyncset.done $0x0  }
0x3f: {  	s29 =	sadd.s32 s23, s10;
	[sflag:s18] =	ssyncadd.s32 $0xFFFFC180  }
0x40: {  	[tilespmem:s19], [sflag:$0x2] =	stream.linear.gather [hbm4b:s29+s3], $0x3E8, $0x38;
	[tilespmem:$0x1CE50] =	vst v63  }
0x41: {  	_ =	swait.ge [sflag:s14], $0x3E8  }
0x42: {  	[sflag:s14] =	ssyncset.done $0x0  }
0x43: {  	[sflag:s14] =	ssyncadd.s32 $0xFFFFFC18  }
0x44: {  	[spmem:s1] =	stream.indirect.scatter.add.f32 [tilespmem:s17], [sflag:$0x2], $0x10, s19, s16, $0xb8;
	[tilespmem:$0x1CE50] =	vst v63  }
0x45: {  	_ =	swait.ge [sflag:s14], $0x3E80  }
0x46: {  	[sflag:s14] =	ssyncset.done $0x0  }
0x47: {  	[sflag:s14] =	ssyncadd.s32 $0xFFFFC180  }
0x48: {  	[bflag:$0x0] =	sbarrier.arrive $0xFFFF  }
0x49: {  	[hbm:s20], [sflag:s5] =	dma.local [spmem:s13], $0x3100  }
0x4a: {  	_ =	swait.ge [sflag:s14], $0x3100  }
0x4b: {  	[sflag:s14] =	ssyncset.done $0x0  }
0x4c: {  	[sflag:s14] =	ssyncadd.s32 $0xFFFFCF00  }
0x4d: {  	[spmem:s13], [sflag:s5] =	dma.local [hbm:s4], $0x3100  }
0x4e: {  	_ =	swait.ge [sflag:s14], $0x3100  }
0x4f: {  	[sflag:s14] =	ssyncset.done $0x0  }
0x50: {  	[sflag:s14] =	ssyncadd.s32 $0xFFFFCF00  }
0x51: {  	s30 =	sadd.s32 $0x0, s11;
	[bflag:$0x0] =	sbarrier.arrive $0xFFFF  }
0x52: {  	[tilespmem:s15], [sflag:$0x2] =	stream.linear.gather [hbm4b:s30+s3], $0x3E8, $0x38;
	[tilespmem:$0x1CE50] =	vst v63  }
0x53: {  	_ =	swait.ge [sflag:s14], $0x3E8  }
0x54: {  	[sflag:s14] =	ssyncset.done $0x0  }
0x55: {  	[sflag:s14] =	ssyncadd.s32 $0xFFFFFC18  }
0x56: {  	[tilespmem:s17], [sflag:$0x1] =	stream.indirect.gather [hbm4b:s7+s16], $0x10, s15, s16, $0xb8;
	[tilespmem:$0x1CE50] =	vst v63  }
0x57: {  	_ =	swait.ge [sflag:s18], $0x3E80  }
0x58: {  	[sflag:s18] =	ssyncset.done $0x0  }
0x59: {  	s31 =	sadd.s32 $0x0, s12;
	[sflag:s18] =	ssyncadd.s32 $0xFFFFC180  }
0x5a: {  	[tilespmem:s19], [sflag:$0x2] =	stream.linear.gather [hbm4b:s31+s3], $0x3E8, $0x38;
	[tilespmem:$0x1CE50] =	vst v63  }
0x5b: {  	_ =	swait.ge [sflag:s14], $0x3E8  }
0x5c: {  	[sflag:s14] =	ssyncset.done $0x0  }
0x5d: {  	[sflag:s14] =	ssyncadd.s32 $0xFFFFFC18  }
0x5e: {  	[spmem:s1] =	stream.indirect.scatter.add.f32 [tilespmem:s17], [sflag:$0x2], $0x10, s19, s16, $0xb8;
	[tilespmem:$0x1CE50] =	vst v63  }
0x5f: {  	_ =	swait.ge [sflag:s14], $0x3E80  }
0x60: {  	s23 =	simm.s32 $0x7D0;
	s24 =	simm.s32 $0xFA0;
	[sflag:s14] =	ssyncset.done $0x0  }
.LBB2_4:
0x61: {  	s25 =	sadd.s32 s23, s11  }
0x62: {  	[sflag:s14] =	ssyncadd.s32 $0xFFFFC180;
	s26 =	smov.u32 s24;
	s28 =	sadd.s32 $0x7D0, s24  }
0x63: {  	[tilespmem:s15], [sflag:$0x2] =	stream.linear.gather [hbm4b:s25+s3], $0x3E8, $0x38;
	[tilespmem:$0x1CE50] =	vst v63  }
0x64: {  	p0 =	sne.s32 s24, $0x17ED0;
	_ =	swait.ge [sflag:s14], $0x3E8  }
0x65: {  	[sflag:s14] =	ssyncset.done $0x0  }
0x66: {  	[sflag:s14] =	ssyncadd.s32 $0xFFFFFC18  }
0x67: {  	[tilespmem:s17], [sflag:$0x1] =	stream.indirect.gather [hbm4b:s7+s16], $0x10, s15, s16, $0xb8;
	[tilespmem:$0x1CE50] =	vst v63  }
0x68: {  	_ =	swait.ge [sflag:s18], $0x3E80  }
0x69: {  	[sflag:s18] =	ssyncset.done $0x0  }
0x6a: {  	s24 =	sadd.s32 s23, s12;
	s23 =	smov.u32 s26;
	[sflag:s18] =	ssyncadd.s32 $0xFFFFC180  }
0x6b: {  	[tilespmem:s19], [sflag:$0x2] =	stream.linear.gather [hbm4b:s24+s3], $0x3E8, $0x38;
	[tilespmem:$0x1CE50] =	vst v63  }
0x6c: {  	_ =	swait.ge [sflag:s14], $0x3E8  }
.Ltmp1:
0x6d: {  	[sflag:s14] =	ssyncset.done $0x0;
	(pc) =	sbr.rel @p0 .LBB2_4-.Ltmp1, $4  }
0x6e: {  	[sflag:s14] =	ssyncadd.s32 $0xFFFFFC18  }
0x6f: {  	[spmem:s1] =	stream.indirect.scatter.add.f32 [tilespmem:s17], [sflag:$0x2], $0x10, s19, s16, $0xb8;
	[tilespmem:$0x1CE50] =	vst v63  }
0x70: {  	_ =	swait.ge [sflag:s14], $0x3E80  }
0x71: {  	s24 =	smov.u32 s28;
	[sflag:s14] =	ssyncset.done $0x0  }
0x72: {  	s24 =	sadd.s32 s23, s11;
	[sflag:s14] =	ssyncadd.s32 $0xFFFFC180  }
0x73: {  	[tilespmem:s15], [sflag:$0x2] =	stream.linear.gather [hbm4b:s24+s3], $0x3E8, $0x38;
	[tilespmem:$0x1CE50] =	vst v63  }
0x74: {  	_ =	swait.ge [sflag:s14], $0x3E8  }
0x75: {  	[sflag:s14] =	ssyncset.done $0x0  }
0x76: {  	[sflag:s14] =	ssyncadd.s32 $0xFFFFFC18  }
0x77: {  	[tilespmem:s17], [sflag:$0x1] =	stream.indirect.gather [hbm4b:s7+s16], $0x10, s15, s16, $0xb8;
	[tilespmem:$0x1CE50] =	vst v63  }
0x78: {  	_ =	swait.ge [sflag:s18], $0x3E80  }
0x79: {  	[sflag:s18] =	ssyncset.done $0x0  }
0x7a: {  	s31 =	sadd.s32 s23, s12;
	[sflag:s18] =	ssyncadd.s32 $0xFFFFC180  }
0x7b: {  	[tilespmem:s19], [sflag:$0x2] =	stream.linear.gather [hbm4b:s31+s3], $0x3E8, $0x38;
	[tilespmem:$0x1CE50] =	vst v63  }
0x7c: {  	_ =	swait.ge [sflag:s14], $0x3E8  }
0x7d: {  	[sflag:s14] =	ssyncset.done $0x0  }
0x7e: {  	[sflag:s14] =	ssyncadd.s32 $0xFFFFFC18  }
0x7f: {  	[spmem:s1] =	stream.indirect.scatter.add.f32 [tilespmem:s17], [sflag:$0x2], $0x10, s19, s16, $0xb8;
	[tilespmem:$0x1CE50] =	vst v63  }
0x80: {  	_ =	swait.ge [sflag:s14], $0x3E80  }
0x81: {  	s22 =	sadd.s32 $0x1, s22;
	[sflag:s14] =	ssyncset.done $0x0  }
0x82: {  	p0 =	sne.s32 s22, s8;
	[sflag:s14] =	ssyncadd.s32 $0xFFFFC180  }
.Ltmp2:
0x83: {  	[bflag:$0x0] =	sbarrier.arrive $0xFFFF;
	(pc) =	sbr.rel @p0 .LBB2_1-.Ltmp2, $4  }
0x84: {  	[hbm:s21], [sflag:s5] =	dma.local [spmem:s13], $0x3100  }
0x85: {  	_ =	swait.ge [sflag:s14], $0x3100  }
0x86: {  	[sflag:s14] =	ssyncset.done $0x0  }
0x87: {  	[sflag:s14] =	ssyncadd.s32 $0xFFFFCF00  }
0x88: {  	_ =	sfence.sel $0x180000  }
0x89: {  	[bflag:$0x0] =	sbarrier.arrive $0xFFFF  }
0x8a: {  	p0 =	sne.s32 s2, $0x0;
	_ =	strace $0x9000004D  }
0x8b: {  	s0 =	sadd.s32 @!p0 $0x100000, s0;
	[bflag:$0x2] =	sbarrier.arrive $0xFFFF  }
0x8c: {  	[sflag:s0] =	ssyncadd.tile.s32 @!p0 $0x1;
	_ =	shalt  }
.Lfunc_end2:
_tile_overlayer_lowered:
.L_overlay_start_2:
0x8d: {  	(tag) =	ssettag $0x2  }
0x8e: {  	s0 =	rddreg [dreg:$0x0];
	s2 =	stileid.u32  }
0x8f: {  	s1 =	rddreg [dreg:$0x1];
	p0 =	sne.s32 s2, $0x0  }
0x90: {  	s3 =	rddreg [dreg:$0x2];
	[bflag:$0x3] =	sbarrier.arrive $0xFFFF;
	s2 =	simm.s32 @!p0 $0x1C02  }
0x91: {  	[timem:s3], [sflag:s2] =	dma.local @!p0 [hbm:s0], s1  }
0x92: {  	s0 =	simm.s32 @!p0 $0x2  }
0x93: {  	_ =	swait.ge @!p0 [sflag:s0], s1  }
0x94: {  	s1 =	ssub.s32 @!p0 $0x0, s1;
	[sflag:s0] =	ssyncset.done @!p0 $0x0  }
0x95: {  	[sflag:s0] =	ssyncadd.s32 @!p0 s1  }
0x96: {  	[bflag:$0x3] =	sbarrier.arrive $0xFFFF  }
0x97: {  	_ =	shalt  }

// kernel: kernel.19.cloned.1.call-start
scs
__scs_entry_jumppad:
0x0: {  	(pc) =	sbr.rel $0x88, $3  }
0x1: {  	(tag) =	ssettag $0x0;
	lr =	simm.s32 $0x1  }
0x2: {  	[smem:$0x3F8E] =	sst lr;
	_ =	strace $0xD0000000  }
0x3: {  	_ = 	snop  }
0x4: {  	_ = 	snop  }
0x5: {  	_ = 	snop  }
0x6: {  	_ = 	snop  }
0x7: {  	_ = 	snop  }
__scs_overlays_trampoline_lowered:
0x8: {  	[smem:$0x3F9D] =	sst s0  }
0x9: {  	[smem:$0x3F9E] =	sst s1  }
0xa: {  	[smem:$0x3F9F] =	sst s2  }
0xb: {  	[smem:$0x3FA0] =	sst s3  }
0xc: {  	[smem:$0x3FA1] =	sst s4  }
0xd: {  	[smem:$0x3FA2] =	sst s5  }
0xe: {  	[smem:$0x3FA3] =	sst s6  }
0xf: {  	[smem:$0x3FA4] =	sst s7  }
0x10: {  	[smem:$0x3FA5] =	sst s8  }
0x11: {  	[smem:$0x3FA6] =	sst s9;
	s0 =	simm.s32 @!p0 $0x0  }
0x12: {  	s1 =	sld [smem:$0x3F8C];
	s0 =	simm.s32 @p0 $0x1  }
0x13: {  	[smem:$0x3FA7] =	sst s0;
	s0 =	simm.s32 @!p1 $0x0  }
0x14: {  	s2 =	sld [smem:$0x3F8B];
	s0 =	simm.s32 @p1 $0x1  }
0x15: {  	[smem:$0x3FA8] =	sst s0;
	s0 =	simm.s32 @!p2 $0x0  }
0x16: {  	s3 =	sld [smem:$0x3FDB];
	s0 =	simm.s32 @p2 $0x1  }
0x17: {  	s4 =	simm.s32 $0x1BF5;
	[smem:$0x3FAA] =	sst s0  }
0x18: {  	s0 =	sld [smem:$0x3F8D];
	_ =	swait.ge [sflag:s4], $0x0  }
0x19: {  	s7 =	sld [smem:$0x3F8E]  }
0x1a: {  	s8 =	sadd.s32 $0xFFFFE003, lr  }
0x1b: {  	s9 =	sadd.s32 $0xFFFFFEF7, lr;
	s5 =	simm.s32 $0xFFFFFFFF;
	p2 =	slt.u32 s8, $0xFFFFF086  }
0x1c: {  	p1 =	slt.u32 s9, $0xF7A;
	s5 =	simm.s32 @!p2 $0x0  }
0x1d: {  	s5 =	simm.s32 @p1 $0x1;
	p0 =	seq.s32 s7, s2  }
0x1e: {  	s7 =	smul.u32 @!p0 $0xF7A, s2;
	p2 =	seq.s32 @!p0 s5, $0x0  }
0x1f: {  	s9 =	smul.u32 $0xF7A, s1;
	s8 =	simm.s32 @!p0 $0x1BF5;
	p2 =	por !p2, p0  }
0x20: {  	[sflag:s8] =	ssyncset.s32 @!p0 $0xFFFFF086;
	s6 =	sadd.s32 @!p0 s3, s7;
	s7 =	simm.s32 @!p0 $0x108  }
0x21: {  	s3 =	sadd.s32 s3, s9;
	s6 =	sadd.s32 @!p0 $0x88, s6;
	s7 =	simm.s32 @p2 $0x1082  }
0x22: {  	[simem:s7], [sflag:s8] =	dma.local @!p0 [hbm:s6], $0xF7A  }
0x23: {  	s9 =	sor.u32 $0xD0000000, s2;
	s6 =	simm.s32 $0x108;
	_ =	swait.ge @!p0 [sflag:s8], $0x0  }
0x24: {  	s3 =	sadd.s32 $0x88, s3;
	s6 =	simm.s32 @!p1 $0x1082;
	[sflag:s4] =	ssyncset.s32 $0xFFFFF086  }
0x25: {  	[simem:s6], [sflag:s4] =	dma.local [hbm:s3], $0xF7A  }
0x26: {  	[smem:$0x3F8E] =	sst s1;
	(tag) =	ssettag s2;
	_ =	strace s9  }
0x27: {  	s1 =	sld [smem:$0x3F9E]  }
0x28: {  	s2 =	sld [smem:$0x3F9F]  }
0x29: {  	s4 =	sld [smem:$0x3FA1]  }
0x2a: {  	p0 =	seq.s32 s5, $0x0;
	s5 =	sld [smem:$0x3FA2]  }
0x2b: {  	s6 =	sld [smem:$0x3FA3]  }
0x2c: {  	s7 =	sld [smem:$0x3FA4]  }
0x2d: {  	s3 =	simm.s32 $0x108;
	s8 =	sld [smem:$0x3FA5]  }
0x2e: {  	s3 =	simm.s32 @!p0 $0x1082;
	s9 =	sld [smem:$0x3FA6]  }
0x2f: {  	lr =	sadd.s32 s0, s3;
	s0 =	sld [smem:$0x3F9D]  }
0x30: {  	s3 =	sld [smem:$0x3FA0]  }
0x31: {  	[smem:$0x3FA9] =	sst s10  }
0x32: {  	s10 =	sld [smem:$0x3FA7];
	_ =	sdelay $0x3  }
0x33: {  	p0 =	seq.s32 s10, $0x1;
	s10 =	sld [smem:$0x3FA9];
	_ =	sdelay $0x3  }
0x34: {  	[smem:$0x3FA9] =	sst s10  }
0x35: {  	s10 =	sld [smem:$0x3FA8];
	_ =	sdelay $0x3  }
0x36: {  	p1 =	seq.s32 s10, $0x1;
	s10 =	sld [smem:$0x3FA9];
	_ =	sdelay $0x3  }
0x37: {  	[smem:$0x3FA9] =	sst s10  }
0x38: {  	s10 =	sld [smem:$0x3FAA]  }
0x39: {  	_ = 	snop;
	(pc) =	sbr.ind lr, $3  }
0x3a: {  	_ = 	snop  }
0x3b: {  	_ = 	snop  }
0x3c: {  	p2 =	seq.s32 s10, $0x1;
	s10 =	sld [smem:$0x3FA9]  }
0x3d: {  	_ =	shalt  }
0x3e: {  	_ =	shalt  }
0x3f: {  	_ =	shalt  }
0x40: {  	_ =	shalt  }
0x41: {  	_ =	shalt  }
0x42: {  	_ =	shalt  }
0x43: {  	_ =	shalt  }
0x44: {  	_ =	shalt  }
0x45: {  	_ =	shalt  }
0x46: {  	_ =	shalt  }
0x47: {  	_ =	shalt  }
0x48: {  	_ =	shalt  }
0x49: {  	_ =	shalt  }
0x4a: {  	_ =	shalt  }
0x4b: {  	_ =	shalt  }
0x4c: {  	_ =	shalt  }
0x4d: {  	_ =	shalt  }
0x4e: {  	_ =	shalt  }
0x4f: {  	_ =	shalt  }
0x50: {  	_ =	shalt  }
0x51: {  	_ =	shalt  }
0x52: {  	_ =	shalt  }
0x53: {  	_ =	shalt  }
0x54: {  	_ =	shalt  }
0x55: {  	_ =	shalt  }
0x56: {  	_ =	shalt  }
0x57: {  	_ =	shalt  }
0x58: {  	_ =	shalt  }
0x59: {  	_ =	shalt  }
0x5a: {  	_ =	shalt  }
0x5b: {  	_ =	shalt  }
0x5c: {  	_ =	shalt  }
0x5d: {  	_ =	shalt  }
0x5e: {  	_ =	shalt  }
0x5f: {  	_ =	shalt  }
0x60: {  	_ =	shalt  }
0x61: {  	_ =	shalt  }
0x62: {  	_ =	shalt  }
0x63: {  	_ =	shalt  }
0x64: {  	_ =	shalt  }
0x65: {  	_ =	shalt  }
0x66: {  	_ =	shalt  }
0x67: {  	_ =	shalt  }
0x68: {  	_ =	shalt  }
0x69: {  	_ =	shalt  }
0x6a: {  	_ =	shalt  }
0x6b: {  	_ =	shalt  }
0x6c: {  	_ =	shalt  }
0x6d: {  	_ =	shalt  }
0x6e: {  	_ =	shalt  }
0x6f: {  	_ =	shalt  }
0x70: {  	_ =	shalt  }
0x71: {  	_ =	shalt  }
0x72: {  	_ =	shalt  }
0x73: {  	_ =	shalt  }
0x74: {  	_ =	shalt  }
0x75: {  	_ =	shalt  }
0x76: {  	_ =	shalt  }
0x77: {  	_ =	shalt  }
0x78: {  	_ =	shalt  }
0x79: {  	_ =	shalt  }
0x7a: {  	_ =	shalt  }
0x7b: {  	_ =	shalt  }
0x7c: {  	_ =	shalt  }
0x7d: {  	_ =	shalt  }
0x7e: {  	_ =	shalt  }
0x7f: {  	_ =	shalt  }
0x80: {  	_ =	shalt  }
0x81: {  	_ =	shalt  }
0x82: {  	_ =	shalt  }
0x83: {  	_ =	shalt  }
0x84: {  	_ =	shalt  }
0x85: {  	_ =	shalt  }
0x86: {  	_ =	shalt  }
0x87: {  	_ =	shalt  }
.Lfunc_end0:
.L_simem_size_0:
called_computation.3_lowered:
.L_overlay_start_0:
0x88: {  	s2 =	sld [smem:$0x3FD9]  }
0x89: {  	s3 =	sld [smem:$0x3FFE];
	_ =	sdelay $0x1  }
0x8a: {  	s1 =	srdreg.scid  }
0x8b: {  	s0 =	sand.u32 $0x1, s1  }
0x8c: {  	s16 =	sshll.u32 s0, $0xA;
	s2 =	sadd.s32 s3, s2  }
0x8d: {  	s2 =	sadd.s32 s2, s16  }
0x8e: {  	[smem:$0x3FB5] =	sst s2  }
0x8f: {  	_ = 	snop  }
0x90: {  	(tm) =	ssettm $0x1  }
0x91: {  	s17 =	sld [smem:$0x3FFB];
	_ =	sdelay $0x3  }
0x92: {  	_ =	strace s17  }
0x93: {  	s2 =	sld [smem:$0x3FFC];
	_ =	sdelay $0x3  }
0x94: {  	_ =	strace s2  }
0x95: {  	s2 =	sld [smem:$0x3FFD];
	_ =	sdelay $0x3  }
0x96: {  	_ =	strace s2  }
0x97: {  	_ =	strace $0x8FFFFFFF  }
0x98: {  	s18 =	sld [smem:$0x3FDB];
	_ =	sdelay $0x1  }
0x99: {  	s19 =	simm.s32 $_scs_section_size  }
0x9a: {  	s4 =	simm.s32 $_size__tile_overlayer_lowered;
	s5 =	simm.s32 $_tile_overlayer_lowered  }
0x9b: {  	s22 =	simm.s32 $0x1BFF;
	s21 =	sshll.u32 s5, $0x1;
	s2 =	sadd.s32 s19, s18  }
0x9c: {  	s6 =	simm.s32 $0x0;
	s20 =	sshll.u32 s4, $0x1;
	s4 =	sadd.s32 s21, s2  }
0x9d: {  	[timem:s6], [sflag:s22] =	dma.local [hbm:s4], s20  }
0x9e: {  	_ =	swait.ge [sflag:s22], s20  }
0x9f: {  	s3 =	ssub.s32 $0x0, s20;
	[sflag:s22] =	ssyncset.done $0x0  }
0xa0: {  	[sflag:s22] =	ssyncadd.s32 s3;
	_ =	sdelay $0x1  }
0xa1: {  	s23 =	simm.s32 $0x1B8B  }
0xa2: {  	_ =	swait.ge [sflag:s23], $0x1  }
0xa3: {  	[sflag:s23] =	ssyncset.done $0x0  }
0xa4: {  	s25 =	simm.s32 $0x1B8E;
	s24 =	sld [smem:$0x3FFE];
	[sflag:s23] =	ssyncadd.s32 $0xFFFFFFFF  }
0xa5: {  	s26 =	simm.s32 $execute0_lowered;
	[smem:$0x3FD2] =	sst s25  }
0xa6: {  	s4 =	sshll.u32 s26, $0x1;
	_ =	strace $0x8000004F;
	[dreg:$0x1] =	wrdreg $0xFFFFFFFF  }
0xa7: {  	s28 =	simm.s32 $_size_execute0_lowered;
	s2 =	sadd.s32 s2, s4;
	[dreg:$0x0] =	wrdreg $0x0  }
0xa8: {  	s4 =	sshll.u32 s28, $0x1;
	[dreg:$0x2] =	wrdreg s2  }
0xa9: {  	[dreg:$0x3] =	wrdreg s4  }
0xaa: {  	[dreg:$0x4] =	wrdreg $0xC0  }
0xab: {  	_ =	task [dreg:s6], $0x5FFFF  }
0xac: {  	[dreg:$0x1] =	wrdreg $0xFFFFFFFF  }
0xad: {  	[dreg:$0x0] =	wrdreg $0x60  }
0xae: {  	[dreg:$0x2] =	wrdreg s24  }
0xaf: {  	[dreg:$0x3] =	wrdreg $0x0  }
0xb0: {  	[dreg:$0x4] =	wrdreg $0x9  }
0xb1: {  	_ =	task.clear_ibuf [dreg:s6], $0x5FFFF;
	_ =	strace $0x9000004F  }
0xb2: {  	s29 =	simm.s32 $0x9;
	_ =	strace $0x80000051  }
0xb3: {  	_ =	swait.ge [sflag:s29], $0x1  }
0xb4: {  	[sflag:s29] =	ssyncadd.s32 $0xFFFFFFFF  }
0xb5: {  	_ =	strace $0x90000051  }
0xb6: {  	_ =	sfence  }
0xb7: {  	s30 =	sld [smem:$0x0];
	_ =	sdelay $0x2  }
0xb8: {  	s31 =	sshll.u32 s1, $0xD;
	s1 =	sshrl.u32 s1, $0x2  }
0xb9: {  	s3 =	sand.u32 $0x4000, s31;
	s1 =	sadd.s32 s1, s30  }
0xba: {  	s0 =	sor.u32 s3, s0;
	s1 =	sshll.u32 s1, $0x11  }
0xbb: {  	s0 =	sor.u32 s1, s0  }
0xbc: {  	s0 =	sadd.s32 $0x8F2B, s0  }
0xbd: {  	[sflag:s0] =	ssyncadd.remote.s32 $0x1  }
0xbe: {  	_ =	sfence.sel $0xFFFF  }
0xbf: {  	[dreg:$0x0] =	wrdreg $0xFFFFFFFF;
	(pc) =	sbr.abs _section_cstart, $3  }
0xc0: {  	[dreg:$0x1] =	wrdreg $0xFFFFFFFF  }
0xc1: {  	_ =	task.clear_ibuf [dreg:s6], $0x2FFFF;
	_ =	strace $0x9FFFFFFF  }
0xc2: {  	(tm) =	ssettm $0x7FFFFFFF  }
0xc3: {  	_ =	shalt  }
tec
execute0_lowered:
.L_overlay_start_1:
0x0: {  	(tag) =	ssettag $0x1  }
0x1: {  	s7 =	rddreg [dreg:$0x0]  }
0x2: {  	s1 =	rddreg [dreg:$0x1];
	s2 =	srdreg.scid  }
0x3: {  	s0 =	rddreg [dreg:$0x2];
	s3 =	simm.s32 $0x0;
	s8 =	sand.u32 $0x1, s2  }
0x4: {  	s16 =	simm.s32 $0x3E8;
	s2 =	stileid.u32;
	s4 =	smul.u32 $0x30D40, s8  }
0x5: {  	s17 =	simm.s32 $0x18FD0;
	s18 =	simm.s32 $0x1;
	s5 =	smul.u32 $0x18800, s2  }
0x6: {  	[smem:$0x7FF] =	sst s3;
	s12 =	sadd.s32 $0x128C00, s7;
	s6 =	smul.u32 $0x7D, s2  }
0x7: {  	s19 =	simm.s32 $0x18BE8;
	_ =	strace $0x80000050;
	s13 =	smul.u32 $0x188000, s8  }
0x8: {  	s26 =	ssub.s32 $0x2, s8;
	s29 =	sshll.u32 s2, $0x6;
	s15 =	smul.u32 $0x31000, s8  }
0x9: {  	s31 =	smul.u32 $0x186A0, s8;
	s11 =	sshrl.u32 s26, $0x1;
	s9 =	sadd.s32 s4, s7  }
0xa: {  	s21 =	sshrl.u32 s5, $0x3;
	s10 =	sadd.s32 s6, s7;
	s11 =	ssub.s32 s26, s11  }
0xb: {  	s14 =	sadd.s32 s5, s1;
	s5 =	sor.u32 $0x1C02, s29;
	s13 =	sshrl.u32 s13, $0x3  }
0xc: {  	s20 =	sadd.s32 s12, s15;
	s15 =	simm.s32 $0x18800;
	s28 =	sadd.s32 s21, s7  }
0xd: {  	s6 =	sadd.s32 $0x96400, s9;
	s30 =	sadd.s32 s12, s13;
	s7 =	sadd.s32 $0xF7E80, s7  }
0xe: {  	s8 =	smax.u32 s11, $0x1;
	s9 =	sadd.s32 $0x3800, s10;
	s10 =	sadd.s32 $0x34600, s10  }
0xf: {  	s13 =	sshrl.u32 s14, $0x3;
	s14 =	simm.s32 $0x2;
	s20 =	sadd.s32 s21, s20  }
0x10: {  	s4 =	sadd.s32 $0x65400, s28;
	s22 =	sadd.s32 $0x62000, s30;
	s11 =	sadd.s32 s31, s9  }
0x11: {  	s12 =	sadd.s32 s31, s10;
	s21 =	sadd.s32 s21, s22;
	s22 =	simm.s32 $0x0  }
.LBB2_1:
0x12: {  	[spmem:s13], [sflag:s5] =	dma.local [hbm:s4], $0x3100  }
0x13: {  	_ =	swait.ge [sflag:s14], $0x3100  }
0x14: {  	[sflag:s14] =	ssyncset.done $0x0  }
0x15: {  	[sflag:s14] =	ssyncadd.s32 $0xFFFFCF00  }
0x16: {  	s23 =	sadd.s32 $0x0, s9;
	[bflag:$0x0] =	sbarrier.arrive $0xFFFF  }
0x17: {  	[tilespmem:s15], [sflag:$0x2] =	stream.linear.gather [hbm4b:s23+s3], $0x3E8, $0x38;
	[tilespmem:$0x1CE50] =	vst v63  }
0x18: {  	_ =	swait.ge [sflag:s14], $0x3E8  }
0x19: {  	[sflag:s14] =	ssyncset.done $0x0  }
0x1a: {  	[sflag:s14] =	ssyncadd.s32 $0xFFFFFC18  }
0x1b: {  	[tilespmem:s17], [sflag:$0x1] =	stream.indirect.gather [hbm4b:s6+s16], $0x10, s15, s16, $0xb8;
	[tilespmem:$0x1CE50] =	vst v63  }
0x1c: {  	_ =	swait.ge [sflag:s18], $0x3E80  }
0x1d: {  	[sflag:s18] =	ssyncset.done $0x0  }
0x1e: {  	s31 =	sadd.s32 $0x0, s10;
	[sflag:s18] =	ssyncadd.s32 $0xFFFFC180  }
0x1f: {  	[tilespmem:s19], [sflag:$0x2] =	stream.linear.gather [hbm4b:s31+s3], $0x3E8, $0x38;
	[tilespmem:$0x1CE50] =	vst v63  }
0x20: {  	_ =	swait.ge [sflag:s14], $0x3E8  }
0x21: {  	[sflag:s14] =	ssyncset.done $0x0  }
0x22: {  	[sflag:s14] =	ssyncadd.s32 $0xFFFFFC18  }
0x23: {  	[spmem:s1] =	stream.indirect.scatter.add.f32 [tilespmem:s17], [sflag:$0x2], $0x10, s19, s16, $0xb8;
	[tilespmem:$0x1CE50] =	vst v63  }
0x24: {  	_ =	swait.ge [sflag:s14], $0x3E80  }
0x25: {  	s24 =	simm.s32 $0xFA0;
	s23 =	simm.s32 $0x7D0;
	[sflag:s14] =	ssyncset.done $0x0  }
.LBB2_2:
0x26: {  	s25 =	sadd.s32 s23, s9  }
0x27: {  	[sflag:s14] =	ssyncadd.s32 $0xFFFFC180;
	s26 =	smov.u32 s24;
	s28 =	sadd.s32 $0x7D0, s24  }
0x28: {  	[tilespmem:s15], [sflag:$0x2] =	stream.linear.gather [hbm4b:s25+s3], $0x3E8, $0x38;
	[tilespmem:$0x1CE50] =	vst v63  }
0x29: {  	p0 =	sne.s32 s24, $0x30570;
	_ =	swait.ge [sflag:s14], $0x3E8  }
0x2a: {  	[sflag:s14] =	ssyncset.done $0x0  }
0x2b: {  	[sflag:s14] =	ssyncadd.s32 $0xFFFFFC18  }
0x2c: {  	[tilespmem:s17], [sflag:$0x1] =	stream.indirect.gather [hbm4b:s6+s16], $0x10, s15, s16, $0xb8;
	[tilespmem:$0x1CE50] =	vst v63  }
0x2d: {  	_ =	swait.ge [sflag:s18], $0x3E80  }
0x2e: {  	[sflag:s18] =	ssyncset.done $0x0  }
0x2f: {  	s24 =	sadd.s32 s23, s10;
	s23 =	smov.u32 s26;
	[sflag:s18] =	ssyncadd.s32 $0xFFFFC180  }
0x30: {  	[tilespmem:s19], [sflag:$0x2] =	stream.linear.gather [hbm4b:s24+s3], $0x3E8, $0x38;
	[tilespmem:$0x1CE50] =	vst v63  }
0x31: {  	_ =	swait.ge [sflag:s14], $0x3E8  }
.Ltmp0:
0x32: {  	[sflag:s14] =	ssyncset.done $0x0;
	(pc) =	sbr.rel @p0 .LBB2_2-.Ltmp0, $4  }
0x33: {  	[sflag:s14] =	ssyncadd.s32 $0xFFFFFC18  }
0x34: {  	[spmem:s1] =	stream.indirect.scatter.add.f32 [tilespmem:s17], [sflag:$0x2], $0x10, s19, s16, $0xb8;
	[tilespmem:$0x1CE50] =	vst v63  }
0x35: {  	_ =	swait.ge [sflag:s14], $0x3E80  }
0x36: {  	s24 =	smov.u32 s28;
	[sflag:s14] =	ssyncset.done $0x0  }
0x37: {  	s24 =	sadd.s32 s23, s9;
	[sflag:s14] =	ssyncadd.s32 $0xFFFFC180  }
0x38: {  	[tilespmem:s15], [sflag:$0x2] =	stream.linear.gather [hbm4b:s24+s3], $0x3E8, $0x38;
	[tilespmem:$0x1CE50] =	vst v63  }
0x39: {  	_ =	swait.ge [sflag:s14], $0x3E8  }
0x3a: {  	[sflag:s14] =	ssyncset.done $0x0  }
0x3b: {  	[sflag:s14] =	ssyncadd.s32 $0xFFFFFC18  }
0x3c: {  	[tilespmem:s17], [sflag:$0x1] =	stream.indirect.gather [hbm4b:s6+s16], $0x10, s15, s16, $0xb8;
	[tilespmem:$0x1CE50] =	vst v63  }
0x3d: {  	_ =	swait.ge [sflag:s18], $0x3E80  }
0x3e: {  	[sflag:s18] =	ssyncset.done $0x0  }
0x3f: {  	s29 =	sadd.s32 s23, s10;
	[sflag:s18] =	ssyncadd.s32 $0xFFFFC180  }
0x40: {  	[tilespmem:s19], [sflag:$0x2] =	stream.linear.gather [hbm4b:s29+s3], $0x3E8, $0x38;
	[tilespmem:$0x1CE50] =	vst v63  }
0x41: {  	_ =	swait.ge [sflag:s14], $0x3E8  }
0x42: {  	[sflag:s14] =	ssyncset.done $0x0  }
0x43: {  	[sflag:s14] =	ssyncadd.s32 $0xFFFFFC18  }
0x44: {  	[spmem:s1] =	stream.indirect.scatter.add.f32 [tilespmem:s17], [sflag:$0x2], $0x10, s19, s16, $0xb8;
	[tilespmem:$0x1CE50] =	vst v63  }
0x45: {  	_ =	swait.ge [sflag:s14], $0x3E80  }
0x46: {  	[sflag:s14] =	ssyncset.done $0x0  }
0x47: {  	[sflag:s14] =	ssyncadd.s32 $0xFFFFC180  }
0x48: {  	[bflag:$0x0] =	sbarrier.arrive $0xFFFF  }
0x49: {  	[hbm:s20], [sflag:s5] =	dma.local [spmem:s13], $0x3100  }
0x4a: {  	_ =	swait.ge [sflag:s14], $0x3100  }
0x4b: {  	[sflag:s14] =	ssyncset.done $0x0  }
0x4c: {  	[sflag:s14] =	ssyncadd.s32 $0xFFFFCF00  }
0x4d: {  	[spmem:s13], [sflag:s5] =	dma.local [hbm:s4], $0x3100  }
0x4e: {  	_ =	swait.ge [sflag:s14], $0x3100  }
0x4f: {  	[sflag:s14] =	ssyncset.done $0x0  }
0x50: {  	[sflag:s14] =	ssyncadd.s32 $0xFFFFCF00  }
0x51: {  	s30 =	sadd.s32 $0x0, s11;
	[bflag:$0x0] =	sbarrier.arrive $0xFFFF  }
0x52: {  	[tilespmem:s15], [sflag:$0x2] =	stream.linear.gather [hbm4b:s30+s3], $0x3E8, $0x38;
	[tilespmem:$0x1CE50] =	vst v63  }
0x53: {  	_ =	swait.ge [sflag:s14], $0x3E8  }
0x54: {  	[sflag:s14] =	ssyncset.done $0x0  }
0x55: {  	[sflag:s14] =	ssyncadd.s32 $0xFFFFFC18  }
0x56: {  	[tilespmem:s17], [sflag:$0x1] =	stream.indirect.gather [hbm4b:s7+s16], $0x10, s15, s16, $0xb8;
	[tilespmem:$0x1CE50] =	vst v63  }
0x57: {  	_ =	swait.ge [sflag:s18], $0x3E80  }
0x58: {  	[sflag:s18] =	ssyncset.done $0x0  }
0x59: {  	s31 =	sadd.s32 $0x0, s12;
	[sflag:s18] =	ssyncadd.s32 $0xFFFFC180  }
0x5a: {  	[tilespmem:s19], [sflag:$0x2] =	stream.linear.gather [hbm4b:s31+s3], $0x3E8, $0x38;
	[tilespmem:$0x1CE50] =	vst v63  }
0x5b: {  	_ =	swait.ge [sflag:s14], $0x3E8  }
0x5c: {  	[sflag:s14] =	ssyncset.done $0x0  }
0x5d: {  	[sflag:s14] =	ssyncadd.s32 $0xFFFFFC18  }
0x5e: {  	[spmem:s1] =	stream.indirect.scatter.add.f32 [tilespmem:s17], [sflag:$0x2], $0x10, s19, s16, $0xb8;
	[tilespmem:$0x1CE50] =	vst v63  }
0x5f: {  	_ =	swait.ge [sflag:s14], $0x3E80  }
0x60: {  	s23 =	simm.s32 $0x7D0;
	s24 =	simm.s32 $0xFA0;
	[sflag:s14] =	ssyncset.done $0x0  }
.LBB2_4:
0x61: {  	s25 =	sadd.s32 s23, s11  }
0x62: {  	[sflag:s14] =	ssyncadd.s32 $0xFFFFC180;
	s26 =	smov.u32 s24;
	s28 =	sadd.s32 $0x7D0, s24  }
0x63: {  	[tilespmem:s15], [sflag:$0x2] =	stream.linear.gather [hbm4b:s25+s3], $0x3E8, $0x38;
	[tilespmem:$0x1CE50] =	vst v63  }
0x64: {  	p0 =	sne.s32 s24, $0x17ED0;
	_ =	swait.ge [sflag:s14], $0x3E8  }
0x65: {  	[sflag:s14] =	ssyncset.done $0x0  }
0x66: {  	[sflag:s14] =	ssyncadd.s32 $0xFFFFFC18  }
0x67: {  	[tilespmem:s17], [sflag:$0x1] =	stream.indirect.gather [hbm4b:s7+s16], $0x10, s15, s16, $0xb8;
	[tilespmem:$0x1CE50] =	vst v63  }
0x68: {  	_ =	swait.ge [sflag:s18], $0x3E80  }
0x69: {  	[sflag:s18] =	ssyncset.done $0x0  }
0x6a: {  	s24 =	sadd.s32 s23, s12;
	s23 =	smov.u32 s26;
	[sflag:s18] =	ssyncadd.s32 $0xFFFFC180  }
0x6b: {  	[tilespmem:s19], [sflag:$0x2] =	stream.linear.gather [hbm4b:s24+s3], $0x3E8, $0x38;
	[tilespmem:$0x1CE50] =	vst v63  }
0x6c: {  	_ =	swait.ge [sflag:s14], $0x3E8  }
.Ltmp1:
0x6d: {  	[sflag:s14] =	ssyncset.done $0x0;
	(pc) =	sbr.rel @p0 .LBB2_4-.Ltmp1, $4  }
0x6e: {  	[sflag:s14] =	ssyncadd.s32 $0xFFFFFC18  }
0x6f: {  	[spmem:s1] =	stream.indirect.scatter.add.f32 [tilespmem:s17], [sflag:$0x2], $0x10, s19, s16, $0xb8;
	[tilespmem:$0x1CE50] =	vst v63  }
0x70: {  	_ =	swait.ge [sflag:s14], $0x3E80  }
0x71: {  	s24 =	smov.u32 s28;
	[sflag:s14] =	ssyncset.done $0x0  }
0x72: {  	s24 =	sadd.s32 s23, s11;
	[sflag:s14] =	ssyncadd.s32 $0xFFFFC180  }
0x73: {  	[tilespmem:s15], [sflag:$0x2] =	stream.linear.gather [hbm4b:s24+s3], $0x3E8, $0x38;
	[tilespmem:$0x1CE50] =	vst v63  }
0x74: {  	_ =	swait.ge [sflag:s14], $0x3E8  }
0x75: {  	[sflag:s14] =	ssyncset.done $0x0  }
0x76: {  	[sflag:s14] =	ssyncadd.s32 $0xFFFFFC18  }
0x77: {  	[tilespmem:s17], [sflag:$0x1] =	stream.indirect.gather [hbm4b:s7+s16], $0x10, s15, s16, $0xb8;
	[tilespmem:$0x1CE50] =	vst v63  }
0x78: {  	_ =	swait.ge [sflag:s18], $0x3E80  }
0x79: {  	[sflag:s18] =	ssyncset.done $0x0  }
0x7a: {  	s31 =	sadd.s32 s23, s12;
	[sflag:s18] =	ssyncadd.s32 $0xFFFFC180  }
0x7b: {  	[tilespmem:s19], [sflag:$0x2] =	stream.linear.gather [hbm4b:s31+s3], $0x3E8, $0x38;
	[tilespmem:$0x1CE50] =	vst v63  }
0x7c: {  	_ =	swait.ge [sflag:s14], $0x3E8  }
0x7d: {  	[sflag:s14] =	ssyncset.done $0x0  }
0x7e: {  	[sflag:s14] =	ssyncadd.s32 $0xFFFFFC18  }
0x7f: {  	[spmem:s1] =	stream.indirect.scatter.add.f32 [tilespmem:s17], [sflag:$0x2], $0x10, s19, s16, $0xb8;
	[tilespmem:$0x1CE50] =	vst v63  }
0x80: {  	_ =	swait.ge [sflag:s14], $0x3E80  }
0x81: {  	s22 =	sadd.s32 $0x1, s22;
	[sflag:s14] =	ssyncset.done $0x0  }
0x82: {  	p0 =	sne.s32 s22, s8;
	[sflag:s14] =	ssyncadd.s32 $0xFFFFC180  }
.Ltmp2:
0x83: {  	[bflag:$0x0] =	sbarrier.arrive $0xFFFF;
	(pc) =	sbr.rel @p0 .LBB2_1-.Ltmp2, $4  }
0x84: {  	[hbm:s21], [sflag:s5] =	dma.local [spmem:s13], $0x3100  }
0x85: {  	_ =	swait.ge [sflag:s14], $0x3100  }
0x86: {  	[sflag:s14] =	ssyncset.done $0x0  }
0x87: {  	[sflag:s14] =	ssyncadd.s32 $0xFFFFCF00  }
0x88: {  	_ =	sfence.sel $0x180000  }
0x89: {  	[bflag:$0x0] =	sbarrier.arrive $0xFFFF  }
0x8a: {  	p0 =	sne.s32 s2, $0x0;
	_ =	strace $0x90000050  }
0x8b: {  	s0 =	sadd.s32 @!p0 $0x100000, s0;
	[bflag:$0x2] =	sbarrier.arrive $0xFFFF  }
0x8c: {  	[sflag:s0] =	ssyncadd.tile.s32 @!p0 $0x1;
	_ =	shalt  }
.Lfunc_end2:
_tile_overlayer_lowered:
.L_overlay_start_2:
0x8d: {  	(tag) =	ssettag $0x2  }
0x8e: {  	s0 =	rddreg [dreg:$0x0];
	s2 =	stileid.u32  }
0x8f: {  	s1 =	rddreg [dreg:$0x1];
	p0 =	sne.s32 s2, $0x0  }
0x90: {  	s3 =	rddreg [dreg:$0x2];
	[bflag:$0x3] =	sbarrier.arrive $0xFFFF;
	s2 =	simm.s32 @!p0 $0x1C02  }
0x91: {  	[timem:s3], [sflag:s2] =	dma.local @!p0 [hbm:s0], s1  }
0x92: {  	s0 =	simm.s32 @!p0 $0x2  }
0x93: {  	_ =	swait.ge @!p0 [sflag:s0], s1  }
0x94: {  	s1 =	ssub.s32 @!p0 $0x0, s1;
	[sflag:s0] =	ssyncset.done @!p0 $0x0  }
0x95: {  	[sflag:s0] =	ssyncadd.s32 @!p0 s1  }
0x96: {  	[bflag:$0x3] =	sbarrier.arrive $0xFFFF  }
0x97: {  	_ =	shalt  }

</sc_bundles>
